<compile_context>
chip_gen: v7x
topology: tpu7x:2x2x1
jax: 0.10.2.dev20260603
libtpu: 0.0.44.dev20260713+nightly
codegen_flags: <defaults>
</compile_context>

<pallas_src>
import functools

import jax
import jax.numpy as jnp
from jax import lax
from jax.experimental import pallas as pl
from jax.experimental.pallas import tpu as pltpu
from jax.experimental.pallas import tpu_sc as plsc

NC = 2
NS = 16
L = 512
NT = NC * NS

_mesh = functools.partial(
    plsc.VectorSubcoreMesh,
    core_axis_name="c",
    subcore_axis_name="s",
    num_cores=NC,
    num_subcores=NS,
)
_sc_params = pltpu.CompilerParams(use_tc_tiling_on_sc=False)


def _load_slab(edge_hbm, which, idx_v, wid, ept, eptp, n):
  pltpu.sync_copy(edge_hbm.at[which, pl.ds(wid * ept, ept)],
                  idx_v.at[pl.ds(0, ept)])
  pad = jnp.full((16,), n, jnp.int32)
  for k in range((eptp - ept) // 16):
    idx_v[pl.ds(ept + k * 16, 16)] = pad


def _agg_loop(tbl, ridx_v, cidx_v, acc, buf0, buf1, sem0, sem1, nchunk):
  pltpu.async_copy(tbl.at[ridx_v.at[pl.ds(0, L)]], buf0, sem0)

  def body(k, carry):
    j0 = 2 * k
    j1 = j0 + 1
    pltpu.make_async_copy(tbl.at[pl.ds(0, L)], buf0, sem0).wait()
    pltpu.async_copy(tbl.at[ridx_v.at[pl.ds(j1 * L, L)]], buf1, sem1)
    pltpu.sync_copy(buf0, acc.at[cidx_v.at[pl.ds(j0 * L, L)]], add=True)
    jn = jnp.minimum(j0 + 2, nchunk - 2) * L
    pltpu.async_copy(tbl.at[ridx_v.at[pl.ds(jn, L)]], buf0, sem0)
    pltpu.make_async_copy(tbl.at[pl.ds(0, L)], buf1, sem1).wait()
    pltpu.sync_copy(buf1, acc.at[cidx_v.at[pl.ds(j1 * L, L)]], add=True)
    return carry

  lax.fori_loop(0, nchunk // 2, body, 0)
  pltpu.make_async_copy(tbl.at[pl.ds(0, L)], buf0, sem0).wait()


def _make_deg_kernel(n_pad, ept, eptp, stripe, width, n):
  @functools.partial(
      pl.kernel,
      mesh=_mesh(),
      out_type=jax.ShapeDtypeStruct((NC, n_pad, width), jnp.float32),
      scratch_types=[
          pltpu.VMEM((eptp,), jnp.int32),
          pltpu.VMEM((L, width), jnp.float32),
          pltpu.VMEM((stripe, width), jnp.float32),
          pltpu.VMEM_SHARED((n_pad, width), jnp.float32),
          pltpu.SemaphoreType.DMA,
      ],
      compiler_params=_sc_params,
  )
  def deg_kernel(edge_hbm, ones_hbm, zeros_hbm, out_hbm,
                 cidx_v, ones_v, zer_v, acc, sem):
    cid = lax.axis_index("c")
    sid = lax.axis_index("s")
    wid = sid * NC + cid
    _load_slab(edge_hbm, 1, cidx_v, wid, ept, eptp, n)
    pltpu.sync_copy(ones_hbm, ones_v)
    pltpu.sync_copy(zeros_hbm, zer_v)
    pltpu.sync_copy(zer_v, acc.at[pl.ds(sid * stripe, stripe)])
    plsc.subcore_barrier()

    def body(j, carry):
      pltpu.sync_copy(ones_v, acc.at[cidx_v.at[pl.ds(j * L, L)]], add=True)
      return carry

    lax.fori_loop(0, eptp // L, body, 0)
    plsc.subcore_barrier()
    pltpu.sync_copy(acc.at[pl.ds(sid * stripe, stripe)],
                    out_hbm.at[cid, pl.ds(sid * stripe, stripe)])

  return deg_kernel


def _make_agg1_kernel(n_pad, ept, eptp, stripe, width, n):
  @functools.partial(
      pl.kernel,
      mesh=_mesh(),
      out_type=jax.ShapeDtypeStruct((NC, n_pad, width), jnp.float32),
      scratch_types=[
          pltpu.VMEM((eptp,), jnp.int32),
          pltpu.VMEM((eptp,), jnp.int32),
          pltpu.VMEM((L, width), jnp.float32),
          pltpu.VMEM((L, width), jnp.float32),
          pltpu.VMEM((stripe, width), jnp.float32),
          pltpu.VMEM_SHARED((n_pad, width), jnp.float32),
          pltpu.VMEM_SHARED((n_pad, width), jnp.float32),
          pltpu.SemaphoreType.DMA,
          pltpu.SemaphoreType.DMA,
      ],
      compiler_params=_sc_params,
  )
  def agg1_kernel(table_hbm, edge_hbm, zeros_hbm, out_hbm,
                  ridx_v, cidx_v, buf0, buf1, zer_v, tbl, acc, sem0, sem1):
    cid = lax.axis_index("c")
    sid = lax.axis_index("s")
    wid = sid * NC + cid
    base = sid * stripe
    _load_slab(edge_hbm, 0, ridx_v, wid, ept, eptp, n)
    _load_slab(edge_hbm, 1, cidx_v, wid, ept, eptp, n)
    pltpu.sync_copy(zeros_hbm, zer_v)
    pltpu.sync_copy(zer_v, acc.at[pl.ds(base, stripe)])
    pltpu.sync_copy(table_hbm.at[pl.ds(base, stripe)],
                    tbl.at[pl.ds(base, stripe)])
    plsc.subcore_barrier()
    _agg_loop(tbl, ridx_v, cidx_v, acc, buf0, buf1, sem0, sem1, eptp // L)
    plsc.subcore_barrier()
    pltpu.sync_copy(acc.at[pl.ds(base, stripe)],
                    out_hbm.at[cid, pl.ds(base, stripe)])

  return agg1_kernel


def _make_agg2_kernel(n_pad, ept, eptp, stripe, width, n):
  @functools.partial(
      pl.kernel,
      mesh=_mesh(),
      out_type=(
          jax.ShapeDtypeStruct((NC, n_pad, width), jnp.float32),
          jax.ShapeDtypeStruct((n_pad, width), jnp.float32),
      ),
      scratch_types=[
          pltpu.VMEM((eptp,), jnp.int32),
          pltpu.VMEM((eptp,), jnp.int32),
          pltpu.VMEM((L, width), jnp.float32),
          pltpu.VMEM((L, width), jnp.float32),
          pltpu.VMEM((stripe, width), jnp.float32),
          pltpu.VMEM((stripe, width), jnp.float32),
          pltpu.VMEM((stripe, width), jnp.float32),
          pltpu.VMEM((stripe, width), jnp.float32),
          pltpu.VMEM((stripe, width), jnp.float32),
          pltpu.VMEM((1, width), jnp.float32),
          pltpu.VMEM_SHARED((n_pad, width), jnp.float32),
          pltpu.VMEM_SHARED((n_pad, width), jnp.float32),
          pltpu.SemaphoreType.DMA,
          pltpu.SemaphoreType.DMA,
      ],
      compiler_params=_sc_params,
  )
  def agg2_kernel(p_hbm, hs_hbm, dis_hbm, b1_hbm, edge_hbm,
                  zeros_hbm, out_hbm, h1s_hbm,
                  ridx_v, cidx_v, buf0, buf1, p0v, p1v, hsv, disv, ov, b1v,
                  tbl, acc, sem0, sem1):
    cid = lax.axis_index("c")
    sid = lax.axis_index("s")
    wid = sid * NC + cid
    base = sid * stripe
    _load_slab(edge_hbm, 0, ridx_v, wid, ept, eptp, n)
    _load_slab(edge_hbm, 1, cidx_v, wid, ept, eptp, n)
    pltpu.sync_copy(p_hbm.at[0, pl.ds(base, stripe)], p0v)
    pltpu.sync_copy(p_hbm.at[1, pl.ds(base, stripe)], p1v)
    pltpu.sync_copy(hs_hbm.at[pl.ds(base, stripe)], hsv)
    pltpu.sync_copy(dis_hbm.at[pl.ds(base, stripe)], disv)
    pltpu.sync_copy(b1_hbm, b1v)
    b1r = b1v[0, :]

    def erow(r, carry):
      dr = disv[r, :]
      v = (p0v[r, :] + p1v[r, :] + hsv[r, :]) * dr + b1r
      ov[r, :] = jnp.maximum(v, 0.0) * dr
      return carry

    lax.fori_loop(0, stripe, erow, 0)
    pltpu.sync_copy(ov, tbl.at[pl.ds(base, stripe)])

    @pl.when(cid == 0)
    def _():
      pltpu.sync_copy(ov, h1s_hbm.at[pl.ds(base, stripe)])

    pltpu.sync_copy(zeros_hbm, ov)
    pltpu.sync_copy(ov, acc.at[pl.ds(base, stripe)])
    plsc.subcore_barrier()
    _agg_loop(tbl, ridx_v, cidx_v, acc, buf0, buf1, sem0, sem1, eptp // L)
    plsc.subcore_barrier()
    pltpu.sync_copy(acc.at[pl.ds(base, stripe)],
                    out_hbm.at[cid, pl.ds(base, stripe)])

  return agg2_kernel


def _tc_a_body(deg_ref, x_ref, w1_ref, hs_ref, dis_ref):
  dis = lax.rsqrt(deg_ref[0] + deg_ref[1] + 1.0)
  h = jnp.dot(x_ref[...], w1_ref[...], preferred_element_type=jnp.float32)
  hs_ref[...] = h * dis
  dis_ref[...] = dis


def _tc_c_body(p_ref, hs1_ref, dis_ref, w2_ref, b2_ref, out_ref):
  agg = (p_ref[0] + p_ref[1] + hs1_ref[...]) * dis_ref[...]
  o = jnp.dot(agg, w2_ref[...], preferred_element_type=jnp.float32)
  o = o + b2_ref[...]
  m = jnp.max(o, axis=1, keepdims=True)
  lse = jnp.log(jnp.sum(jnp.exp(o - m), axis=1, keepdims=True)) + m
  out_ref[...] = o - lse


def kernel(x, edge_index, W1, b1, W2, b2):
  n, d = x.shape
  hid = W1.shape[1]
  c = W2.shape[1]
  e = edge_index.shape[1]

  blk = 640
  n_pad = pl.cdiv(n + 1, blk) * blk
  stripe = n_pad // NS
  ept = e // NT
  assert ept * NT == e and ept % 8 == 0
  nchunk = pl.cdiv(ept, L)
  nchunk += nchunk % 2
  eptp = nchunk * L
  nblk = n_pad // blk

  ones_l = jnp.ones((L, hid), jnp.float32)
  zeros_sh = jnp.zeros((stripe, hid), jnp.float32)

  deg_p = _make_deg_kernel(n_pad, ept, eptp, stripe, hid, n)(
      edge_index, ones_l, zeros_sh)

  hs, dis = pl.pallas_call(
      _tc_a_body,
      grid=(1,),
      in_specs=[
          pl.BlockSpec((NC, n_pad, hid), lambda i: (0, 0, 0)),
          pl.BlockSpec((n_pad, d), lambda i: (0, 0)),
          pl.BlockSpec((d, hid), lambda i: (0, 0)),
      ],
      out_specs=[
          pl.BlockSpec((n_pad, hid), lambda i: (0, 0)),
          pl.BlockSpec((n_pad, hid), lambda i: (0, 0)),
      ],
      out_shape=[
          jax.ShapeDtypeStruct((n_pad, hid), jnp.float32),
          jax.ShapeDtypeStruct((n_pad, hid), jnp.float32),
      ],
  )(deg_p, x, W1)

  p1 = _make_agg1_kernel(n_pad, ept, eptp, stripe, hid, n)(
      hs, edge_index, zeros_sh)

  p2, hs1 = _make_agg2_kernel(n_pad, ept, eptp, stripe, hid, n)(
      p1, hs, dis, b1.reshape(1, hid), edge_index, zeros_sh)

  out = pl.pallas_call(
      _tc_c_body,
      grid=(1,),
      in_specs=[
          pl.BlockSpec((NC, n, hid), lambda i: (0, 0, 0)),
          pl.BlockSpec((n, hid), lambda i: (0, 0)),
          pl.BlockSpec((n, hid), lambda i: (0, 0)),
          pl.BlockSpec((hid, c), lambda i: (0, 0)),
          pl.BlockSpec((1, c), lambda i: (0, 0)),
      ],
      out_specs=pl.BlockSpec((n, c), lambda i: (0, 0)),
      out_shape=jax.ShapeDtypeStruct((n, c), jnp.float32),
  )(p2, hs1, dis, W2, b2.reshape(1, c))

  return out

# --- scband reference (transcript-rebuilt; emitter-appended) ---
"""Pipeline reference for scband-net-68968584839192 (READ-ONLY COPY).

The authoritative reference and input builder live on the scoring server;
editing this copy changes nothing except your own understanding.
"""

import jax, jax.numpy as jnp
import numpy as np

N = 10000
E = 320000
D = 128
HID = 16
C = 40


def setup_inputs(seed: int = 0) -> dict:
    key = jax.random.key(seed)
    k1, k2, k3, k4 = jax.random.split(key, 4)
    x = jax.random.normal(k1, (N, D), dtype=jnp.float32)
    edge_index = jax.random.randint(k2, (2, E), 0, N, dtype=jnp.int32)
    # GCNConv params (glorot-ish init)
    W1 = jax.random.normal(k3, (D, HID), dtype=jnp.float32) * (1.0 / np.sqrt(D))
    b1 = jnp.zeros((HID,), dtype=jnp.float32)
    W2 = jax.random.normal(k4, (HID, C), dtype=jnp.float32) * (1.0 / np.sqrt(HID))
    b2 = jnp.zeros((C,), dtype=jnp.float32)
    return {"x": x, "edge_index": edge_index, "W1": W1, "b1": b1, "W2": W2, "b2": b2}


def gcn_conv(x, edge_index, W, b):
    # Faithful PyG GCNConv: linear transform, add self-loops, symmetric
    # degree normalization, scatter-add aggregation, then bias.
    n = x.shape[0]
    loop = jnp.arange(n, dtype=edge_index.dtype)
    row = jnp.concatenate([edge_index[0], loop])  # source nodes
    col = jnp.concatenate([edge_index[1], loop])  # target nodes
    deg = jax.ops.segment_sum(jnp.ones(row.shape[0], dtype=x.dtype), col, num_segments=n)
    deg_inv_sqrt = jnp.where(deg > 0, jax.lax.rsqrt(jnp.maximum(deg, 1e-12)), 0.0)
    norm = deg_inv_sqrt[row] * deg_inv_sqrt[col]
    h = x @ W
    msg = h[row] * norm[:, None]           # gather
    out = jax.ops.segment_sum(msg, col, num_segments=n)  # scatter-add
    return out + b


def reference(x, edge_index, W1, b1, W2, b2):
    h = jax.nn.relu(gcn_conv(x, edge_index, W1, b1))
    # F.dropout in eval mode is identity (deterministic reference)
    o = gcn_conv(h, edge_index, W2, b2)
    return jax.nn.log_softmax(o, axis=1)

if __name__ == "__main__":
    import jax
    _d = setup_inputs()
    print(jax.jit(kernel)(*tuple(_d.values())))

</pallas_src>

<mosaic_0001>
#map = affine_map<(d0, d1) -> (0, 0, 0)>
#map1 = affine_map<(d0, d1) -> (0, 0)>
module attributes {stable_mosaic.version = 14 : i64} {
  func.func @agg2_kernel(%arg0: i32, %arg1: i32, %arg2: memref<2x10240x16xf32, #tpu.memory_space<hbm>>, %arg3: memref<10240x16xf32, #tpu.memory_space<hbm>>, %arg4: memref<10240x16xf32, #tpu.memory_space<hbm>>, %arg5: memref<1x16xf32, #tpu.memory_space<hbm>>, %arg6: memref<2x320000xi32, #tpu.memory_space<hbm>>, %arg7: memref<640x16xf32, #tpu.memory_space<hbm>>, %arg8: memref<2x10240x16xf32, #tpu.memory_space<hbm>>, %arg9: memref<10240x16xf32, #tpu.memory_space<hbm>>, %arg10: memref<10240xi32, #tpu.memory_space<vmem>>, %arg11: memref<10240xi32, #tpu.memory_space<vmem>>, %arg12: memref<512x16xf32, #tpu.memory_space<vmem>>, %arg13: memref<512x16xf32, #tpu.memory_space<vmem>>, %arg14: memref<640x16xf32, #tpu.memory_space<vmem>>, %arg15: memref<640x16xf32, #tpu.memory_space<vmem>>, %arg16: memref<640x16xf32, #tpu.memory_space<vmem>>, %arg17: memref<640x16xf32, #tpu.memory_space<vmem>>, %arg18: memref<640x16xf32, #tpu.memory_space<vmem>>, %arg19: memref<1x16xf32, #tpu.memory_space<vmem>>, %arg20: memref<10240x16xf32, #tpu.memory_space<vmem_shared>>, %arg21: memref<10240x16xf32, #tpu.memory_space<vmem_shared>>, %arg22: memref<!tpu.dma_semaphore, #tpu.memory_space<semaphore_mem>>, %arg23: memref<!tpu.dma_semaphore, #tpu.memory_space<semaphore_mem>>) attributes {dimension_semantics = [#tpu.dimension_semantics<core_parallel>, #tpu.dimension_semantics<subcore_parallel>], iteration_bounds = array<i64: 2, 16>, scalar_prefetch = 0 : i64, scratch_operands = 14 : i64, tpu.core_type = #tpu.core_type<sc_vector_subcore>, window_params = [{transform_indices = #map}, {transform_indices = #map1}, {transform_indices = #map1}, {transform_indices = #map1}, {transform_indices = #map1}, {transform_indices = #map1}, {transform_indices = #map}, {transform_indices = #map1}]} {
    %mul3A = arith.constant 2 : i32
    %mul3A_0 = arith.muli %arg1, %mul3A : i32
    %add3A = arith.addi %mul3A_0, %arg0 : i32
    %mul3A_1 = arith.constant 640 : i32
    %mul3A_2 = arith.muli %arg1, %mul3A_1 : i32
    %mul3A_3 = arith.constant 10000 : i32
    %mul3A_4 = arith.muli %add3A, %mul3A_3 : i32
    %run_scoped3A = arith.constant 0 : i32
    "tpu.region"() ({
      %run_scoped3A_159 = tpu.sem_alloc : memref<!tpu.dma_semaphore, #tpu.memory_space<semaphore_mem>>
      %dma_start3A_160 = arith.constant 0 : i32
      %dma_start3A_161 = tpu.memref_slice %arg10[%dma_start3A_160] : memref<10240xi32, #tpu.memory_space<vmem>> -> memref<10000xi32, #tpu.memory_space<vmem>>
      %dma_start3A_162 = tpu.memref_slice %arg6[%run_scoped3A, %mul3A_4] : memref<2x320000xi32, #tpu.memory_space<hbm>> -> memref<1x10000xi32, #tpu.memory_space<hbm>>
      %dma_start3A_163 = tpu.memref_squeeze %dma_start3A_162 : memref<1x10000xi32, #tpu.memory_space<hbm>> -> memref<10000xi32, #tpu.memory_space<hbm>>
      %dma_start3A_164 = arith.constant 0 : i32
      %dma_start3A_165 = tpu.memref_slice %arg10[%dma_start3A_164] : memref<10240xi32, #tpu.memory_space<vmem>> -> memref<10000xi32, #tpu.memory_space<vmem>>
      %dma_start3A_166 = tpu.memref_slice %arg6[%run_scoped3A, %mul3A_4] : memref<2x320000xi32, #tpu.memory_space<hbm>> -> memref<1x10000xi32, #tpu.memory_space<hbm>>
      %dma_start3A_167 = tpu.memref_squeeze %dma_start3A_166 : memref<1x10000xi32, #tpu.memory_space<hbm>> -> memref<10000xi32, #tpu.memory_space<hbm>>
      tpu.enqueue_dma source(%dma_start3A_167 : memref<10000xi32, #tpu.memory_space<hbm>>) target(%dma_start3A_165 : memref<10000xi32, #tpu.memory_space<vmem>>) target_semaphore(%run_scoped3A_159 : memref<!tpu.dma_semaphore, #tpu.memory_space<semaphore_mem>>)
      %dma_wait3A_168 = arith.constant 0 : i32
      %dma_wait3A_169 = tpu.memref_slice %arg10[%dma_wait3A_168] : memref<10240xi32, #tpu.memory_space<vmem>> -> memref<10000xi32, #tpu.memory_space<vmem>>
      %dma_wait3A_170 = tpu.memref_slice %arg6[%run_scoped3A, %mul3A_4] : memref<2x320000xi32, #tpu.memory_space<hbm>> -> memref<1x10000xi32, #tpu.memory_space<hbm>>
      %dma_wait3A_171 = tpu.memref_squeeze %dma_wait3A_170 : memref<1x10000xi32, #tpu.memory_space<hbm>> -> memref<10000xi32, #tpu.memory_space<hbm>>
      %dma_wait3A_172 = arith.constant 0 : i32
      %dma_wait3A_173 = tpu.memref_slice %arg10[%dma_wait3A_172] : memref<10240xi32, #tpu.memory_space<vmem>> -> memref<10000xi32, #tpu.memory_space<vmem>>
      %dma_wait3A_174 = tpu.memref_slice %arg6[%run_scoped3A, %mul3A_4] : memref<2x320000xi32, #tpu.memory_space<hbm>> -> memref<1x10000xi32, #tpu.memory_space<hbm>>
      %dma_wait3A_175 = tpu.memref_squeeze %dma_wait3A_174 : memref<1x10000xi32, #tpu.memory_space<hbm>> -> memref<10000xi32, #tpu.memory_space<hbm>>
      tpu.wait_dma2 semaphore(%run_scoped3A_159 : memref<!tpu.dma_semaphore, #tpu.memory_space<semaphore_mem>>) src(%dma_wait3A_175 : memref<10000xi32, #tpu.memory_space<hbm>>) dst(%dma_wait3A_173 : memref<10000xi32, #tpu.memory_space<vmem>>)
      tpu.yield
    }) : () -> ()
    %broadcast_in_dim3A = arith.constant 10000 : i32
    %broadcast_in_dim3A_5 = vector.broadcast %broadcast_in_dim3A : i32 to vector<16xi32>
    %swap3A = arith.constant 10000 : index
    %swap3A_6 = tpu.vector_load %arg10[%swap3A] {strides = array<i32>} : memref<10240xi32, #tpu.memory_space<vmem>>, vector<16xi32>,
    %swap3A_7 = vector.shape_cast %swap3A_6 : vector<16xi32> to vector<16xi32>
    %swap3A_8 = vector.shape_cast %broadcast_in_dim3A_5 : vector<16xi32> to vector<16xi32>
    tpu.vector_store %arg10[%swap3A], %swap3A_8 {strides = array<i32>} : memref<10240xi32, #tpu.memory_space<vmem>>, vector<16xi32>,
    %swap3A_9 = arith.constant 10016 : index
    %swap3A_10 = tpu.vector_load %arg10[%swap3A_9] {strides = array<i32>} : memref<10240xi32, #tpu.memory_space<vmem>>, vector<16xi32>,
    %swap3A_11 = vector.shape_cast %swap3A_10 : vector<16xi32> to vector<16xi32>
    %swap3A_12 = vector.shape_cast %broadcast_in_dim3A_5 : vector<16xi32> to vector<16xi32>
    tpu.vector_store %arg10[%swap3A_9], %swap3A_12 {strides = array<i32>} : memref<10240xi32, #tpu.memory_space<vmem>>, vector<16xi32>,
    %swap3A_13 = arith.constant 10032 : index
    %swap3A_14 = tpu.vector_load %arg10[%swap3A_13] {strides = array<i32>} : memref<10240xi32, #tpu.memory_space<vmem>>, vector<16xi32>,
    %swap3A_15 = vector.shape_cast %swap3A_14 : vector<16xi32> to vector<16xi32>
    %swap3A_16 = vector.shape_cast %broadcast_in_dim3A_5 : vector<16xi32> to vector<16xi32>
    tpu.vector_store %arg10[%swap3A_13], %swap3A_16 {strides = array<i32>} : memref<10240xi32, #tpu.memory_space<vmem>>, vector<16xi32>,
    %swap3A_17 = arith.constant 10048 : index
    %swap3A_18 = tpu.vector_load %arg10[%swap3A_17] {strides = array<i32>} : memref<10240xi32, #tpu.memory_space<vmem>>, vector<16xi32>,
    %swap3A_19 = vector.shape_cast %swap3A_18 : vector<16xi32> to vector<16xi32>
    %swap3A_20 = vector.shape_cast %broadcast_in_dim3A_5 : vector<16xi32> to vector<16xi32>
    tpu.vector_store %arg10[%swap3A_17], %swap3A_20 {strides = array<i32>} : memref<10240xi32, #tpu.memory_space<vmem>>, vector<16xi32>,
    %swap3A_21 = arith.constant 10064 : index
    %swap3A_22 = tpu.vector_load %arg10[%swap3A_21] {strides = array<i32>} : memref<10240xi32, #tpu.memory_space<vmem>>, vector<16xi32>,
    %swap3A_23 = vector.shape_cast %swap3A_22 : vector<16xi32> to vector<16xi32>
    %swap3A_24 = vector.shape_cast %broadcast_in_dim3A_5 : vector<16xi32> to vector<16xi32>
    tpu.vector_store %arg10[%swap3A_21], %swap3A_24 {strides = array<i32>} : memref<10240xi32, #tpu.memory_space<vmem>>, vector<16xi32>,
    %swap3A_25 = arith.constant 10080 : index
    %swap3A_26 = tpu.vector_load %arg10[%swap3A_25] {strides = array<i32>} : memref<10240xi32, #tpu.memory_space<vmem>>, vector<16xi32>,
    %swap3A_27 = vector.shape_cast %swap3A_26 : vector<16xi32> to vector<16xi32>
    %swap3A_28 = vector.shape_cast %broadcast_in_dim3A_5 : vector<16xi32> to vector<16xi32>
    tpu.vector_store %arg10[%swap3A_25], %swap3A_28 {strides = array<i32>} : memref<10240xi32, #tpu.memory_space<vmem>>, vector<16xi32>,
    %swap3A_29 = arith.constant 10096 : index
    %swap3A_30 = tpu.vector_load %arg10[%swap3A_29] {strides = array<i32>} : memref<10240xi32, #tpu.memory_space<vmem>>, vector<16xi32>,
    %swap3A_31 = vector.shape_cast %swap3A_30 : vector<16xi32> to vector<16xi32>
    %swap3A_32 = vector.shape_cast %broadcast_in_dim3A_5 : vector<16xi32> to vector<16xi32>
    tpu.vector_store %arg10[%swap3A_29], %swap3A_32 {strides = array<i32>} : memref<10240xi32, #tpu.memory_space<vmem>>, vector<16xi32>,
    %swap3A_33 = arith.constant 10112 : index
    %swap3A_34 = tpu.vector_load %arg10[%swap3A_33] {strides = array<i32>} : memref<10240xi32, #tpu.memory_space<vmem>>, vector<16xi32>,
    %swap3A_35 = vector.shape_cast %swap3A_34 : vector<16xi32> to vector<16xi32>
    %swap3A_36 = vector.shape_cast %broadcast_in_dim3A_5 : vector<16xi32> to vector<16xi32>
    tpu.vector_store %arg10[%swap3A_33], %swap3A_36 {strides = array<i32>} : memref<10240xi32, #tpu.memory_space<vmem>>, vector<16xi32>,
    %swap3A_37 = arith.constant 10128 : index
    %swap3A_38 = tpu.vector_load %arg10[%swap3A_37] {strides = array<i32>} : memref<10240xi32, #tpu.memory_space<vmem>>, vector<16xi32>,
    %swap3A_39 = vector.shape_cast %swap3A_38 : vector<16xi32> to vector<16xi32>
    %swap3A_40 = vector.shape_cast %broadcast_in_dim3A_5 : vector<16xi32> to vector<16xi32>
    tpu.vector_store %arg10[%swap3A_37], %swap3A_40 {strides = array<i32>} : memref<10240xi32, #tpu.memory_space<vmem>>, vector<16xi32>,
    %swap3A_41 = arith.constant 10144 : index
    %swap3A_42 = tpu.vector_load %arg10[%swap3A_41] {strides = array<i32>} : memref<10240xi32, #tpu.memory_space<vmem>>, vector<16xi32>,
    %swap3A_43 = vector.shape_cast %swap3A_42 : vector<16xi32> to vector<16xi32>
    %swap3A_44 = vector.shape_cast %broadcast_in_dim3A_5 : vector<16xi32> to vector<16xi32>
    tpu.vector_store %arg10[%swap3A_41], %swap3A_44 {strides = array<i32>} : memref<10240xi32, #tpu.memory_space<vmem>>, vector<16xi32>,
    %swap3A_45 = arith.constant 10160 : index
    %swap3A_46 = tpu.vector_load %arg10[%swap3A_45] {strides = array<i32>} : memref<10240xi32, #tpu.memory_space<vmem>>, vector<16xi32>,
    %swap3A_47 = vector.shape_cast %swap3A_46 : vector<16xi32> to vector<16xi32>
    %swap3A_48 = vector.shape_cast %broadcast_in_dim3A_5 : vector<16xi32> to vector<16xi32>
    tpu.vector_store %arg10[%swap3A_45], %swap3A_48 {strides = array<i32>} : memref<10240xi32, #tpu.memory_space<vmem>>, vector<16xi32>,
    %swap3A_49 = arith.constant 10176 : index
    %swap3A_50 = tpu.vector_load %arg10[%swap3A_49] {strides = array<i32>} : memref<10240xi32, #tpu.memory_space<vmem>>, vector<16xi32>,
    %swap3A_51 = vector.shape_cast %swap3A_50 : vector<16xi32> to vector<16xi32>
    %swap3A_52 = vector.shape_cast %broadcast_in_dim3A_5 : vector<16xi32> to vector<16xi32>
    tpu.vector_store %arg10[%swap3A_49], %swap3A_52 {strides = array<i32>} : memref<10240xi32, #tpu.memory_space<vmem>>, vector<16xi32>,
    %swap3A_53 = arith.constant 10192 : index
    %swap3A_54 = tpu.vector_load %arg10[%swap3A_53] {strides = array<i32>} : memref<10240xi32, #tpu.memory_space<vmem>>, vector<16xi32>,
    %swap3A_55 = vector.shape_cast %swap3A_54 : vector<16xi32> to vector<16xi32>
    %swap3A_56 = vector.shape_cast %broadcast_in_dim3A_5 : vector<16xi32> to vector<16xi32>
    tpu.vector_store %arg10[%swap3A_53], %swap3A_56 {strides = array<i32>} : memref<10240xi32, #tpu.memory_space<vmem>>, vector<16xi32>,
    %swap3A_57 = arith.constant 10208 : index
    %swap3A_58 = tpu.vector_load %arg10[%swap3A_57] {strides = array<i32>} : memref<10240xi32, #tpu.memory_space<vmem>>, vector<16xi32>,
    %swap3A_59 = vector.shape_cast %swap3A_58 : vector<16xi32> to vector<16xi32>
    %swap3A_60 = vector.shape_cast %broadcast_in_dim3A_5 : vector<16xi32> to vector<16xi32>
    tpu.vector_store %arg10[%swap3A_57], %swap3A_60 {strides = array<i32>} : memref<10240xi32, #tpu.memory_space<vmem>>, vector<16xi32>,
    %swap3A_61 = arith.constant 10224 : index
    %swap3A_62 = tpu.vector_load %arg10[%swap3A_61] {strides = array<i32>} : memref<10240xi32, #tpu.memory_space<vmem>>, vector<16xi32>,
    %swap3A_63 = vector.shape_cast %swap3A_62 : vector<16xi32> to vector<16xi32>
    %swap3A_64 = vector.shape_cast %broadcast_in_dim3A_5 : vector<16xi32> to vector<16xi32>
    tpu.vector_store %arg10[%swap3A_61], %swap3A_64 {strides = array<i32>} : memref<10240xi32, #tpu.memory_space<vmem>>, vector<16xi32>,
    %mul3A_65 = arith.constant 10000 : i32
    %mul3A_66 = arith.muli %add3A, %mul3A_65 : i32
    %run_scoped3A_67 = arith.constant 1 : i32
    "tpu.region"() ({
      %run_scoped3A_159 = tpu.sem_alloc : memref<!tpu.dma_semaphore, #tpu.memory_space<semaphore_mem>>
      %dma_start3A_160 = arith.constant 0 : i32
      %dma_start3A_161 = tpu.memref_slice %arg11[%dma_start3A_160] : memref<10240xi32, #tpu.memory_space<vmem>> -> memref<10000xi32, #tpu.memory_space<vmem>>
      %dma_start3A_162 = tpu.memref_slice %arg6[%run_scoped3A_67, %mul3A_66] : memref<2x320000xi32, #tpu.memory_space<hbm>> -> memref<1x10000xi32, #tpu.memory_space<hbm>>
      %dma_start3A_163 = tpu.memref_squeeze %dma_start3A_162 : memref<1x10000xi32, #tpu.memory_space<hbm>> -> memref<10000xi32, #tpu.memory_space<hbm>>
      %dma_start3A_164 = arith.constant 0 : i32
      %dma_start3A_165 = tpu.memref_slice %arg11[%dma_start3A_164] : memref<10240xi32, #tpu.memory_space<vmem>> -> memref<10000xi32, #tpu.memory_space<vmem>>
      %dma_start3A_166 = tpu.memref_slice %arg6[%run_scoped3A_67, %mul3A_66] : memref<2x320000xi32, #tpu.memory_space<hbm>> -> memref<1x10000xi32, #tpu.memory_space<hbm>>
      %dma_start3A_167 = tpu.memref_squeeze %dma_start3A_166 : memref<1x10000xi32, #tpu.memory_space<hbm>> -> memref<10000xi32, #tpu.memory_space<hbm>>
      tpu.enqueue_dma source(%dma_start3A_167 : memref<10000xi32, #tpu.memory_space<hbm>>) target(%dma_start3A_165 : memref<10000xi32, #tpu.memory_space<vmem>>) target_semaphore(%run_scoped3A_159 : memref<!tpu.dma_semaphore, #tpu.memory_space<semaphore_mem>>)
      %dma_wait3A_168 = arith.constant 0 : i32
      %dma_wait3A_169 = tpu.memref_slice %arg11[%dma_wait3A_168] : memref<10240xi32, #tpu.memory_space<vmem>> -> memref<10000xi32, #tpu.memory_space<vmem>>
      %dma_wait3A_170 = tpu.memref_slice %arg6[%run_scoped3A_67, %mul3A_66] : memref<2x320000xi32, #tpu.memory_space<hbm>> -> memref<1x10000xi32, #tpu.memory_space<hbm>>
      %dma_wait3A_171 = tpu.memref_squeeze %dma_wait3A_170 : memref<1x10000xi32, #tpu.memory_space<hbm>> -> memref<10000xi32, #tpu.memory_space<hbm>>
      %dma_wait3A_172 = arith.constant 0 : i32
      %dma_wait3A_173 = tpu.memref_slice %arg11[%dma_wait3A_172] : memref<10240xi32, #tpu.memory_space<vmem>> -> memref<10000xi32, #tpu.memory_space<vmem>>
      %dma_wait3A_174 = tpu.memref_slice %arg6[%run_scoped3A_67, %mul3A_66] : memref<2x320000xi32, #tpu.memory_space<hbm>> -> memref<1x10000xi32, #tpu.memory_space<hbm>>
      %dma_wait3A_175 = tpu.memref_squeeze %dma_wait3A_174 : memref<1x10000xi32, #tpu.memory_space<hbm>> -> memref<10000xi32, #tpu.memory_space<hbm>>
      tpu.wait_dma2 semaphore(%run_scoped3A_159 : memref<!tpu.dma_semaphore, #tpu.memory_space<semaphore_mem>>) src(%dma_wait3A_175 : memref<10000xi32, #tpu.memory_space<hbm>>) dst(%dma_wait3A_173 : memref<10000xi32, #tpu.memory_space<vmem>>)
      tpu.yield
    }) : () -> ()
    %broadcast_in_dim3A_68 = arith.constant 10000 : i32
    %broadcast_in_dim3A_69 = vector.broadcast %broadcast_in_dim3A_68 : i32 to vector<16xi32>
    %swap3A_70 = arith.constant 10000 : index
    %swap3A_71 = tpu.vector_load %arg11[%swap3A_70] {strides = array<i32>} : memref<10240xi32, #tpu.memory_space<vmem>>, vector<16xi32>,
    %swap3A_72 = vector.shape_cast %swap3A_71 : vector<16xi32> to vector<16xi32>
    %swap3A_73 = vector.shape_cast %broadcast_in_dim3A_69 : vector<16xi32> to vector<16xi32>
    tpu.vector_store %arg11[%swap3A_70], %swap3A_73 {strides = array<i32>} : memref<10240xi32, #tpu.memory_space<vmem>>, vector<16xi32>,
    %swap3A_74 = arith.constant 10016 : index
    %swap3A_75 = tpu.vector_load %arg11[%swap3A_74] {strides = array<i32>} : memref<10240xi32, #tpu.memory_space<vmem>>, vector<16xi32>,
    %swap3A_76 = vector.shape_cast %swap3A_75 : vector<16xi32> to vector<16xi32>
    %swap3A_77 = vector.shape_cast %broadcast_in_dim3A_69 : vector<16xi32> to vector<16xi32>
    tpu.vector_store %arg11[%swap3A_74], %swap3A_77 {strides = array<i32>} : memref<10240xi32, #tpu.memory_space<vmem>>, vector<16xi32>,
    %swap3A_78 = arith.constant 10032 : index
    %swap3A_79 = tpu.vector_load %arg11[%swap3A_78] {strides = array<i32>} : memref<10240xi32, #tpu.memory_space<vmem>>, vector<16xi32>,
    %swap3A_80 = vector.shape_cast %swap3A_79 : vector<16xi32> to vector<16xi32>
    %swap3A_81 = vector.shape_cast %broadcast_in_dim3A_69 : vector<16xi32> to vector<16xi32>
    tpu.vector_store %arg11[%swap3A_78], %swap3A_81 {strides = array<i32>} : memref<10240xi32, #tpu.memory_space<vmem>>, vector<16xi32>,
    %swap3A_82 = arith.constant 10048 : index
    %swap3A_83 = tpu.vector_load %arg11[%swap3A_82] {strides = array<i32>} : memref<10240xi32, #tpu.memory_space<vmem>>, vector<16xi32>,
    %swap3A_84 = vector.shape_cast %swap3A_83 : vector<16xi32> to vector<16xi32>
    %swap3A_85 = vector.shape_cast %broadcast_in_dim3A_69 : vector<16xi32> to vector<16xi32>
    tpu.vector_store %arg11[%swap3A_82], %swap3A_85 {strides = array<i32>} : memref<10240xi32, #tpu.memory_space<vmem>>, vector<16xi32>,
    %swap3A_86 = arith.constant 10064 : index
    %swap3A_87 = tpu.vector_load %arg11[%swap3A_86] {strides = array<i32>} : memref<10240xi32, #tpu.memory_space<vmem>>, vector<16xi32>,
    %swap3A_88 = vector.shape_cast %swap3A_87 : vector<16xi32> to vector<16xi32>
    %swap3A_89 = vector.shape_cast %broadcast_in_dim3A_69 : vector<16xi32> to vector<16xi32>
    tpu.vector_store %arg11[%swap3A_86], %swap3A_89 {strides = array<i32>} : memref<10240xi32, #tpu.memory_space<vmem>>, vector<16xi32>,
    %swap3A_90 = arith.constant 10080 : index
    %swap3A_91 = tpu.vector_load %arg11[%swap3A_90] {strides = array<i32>} : memref<10240xi32, #tpu.memory_space<vmem>>, vector<16xi32>,
    %swap3A_92 = vector.shape_cast %swap3A_91 : vector<16xi32> to vector<16xi32>
    %swap3A_93 = vector.shape_cast %broadcast_in_dim3A_69 : vector<16xi32> to vector<16xi32>
    tpu.vector_store %arg11[%swap3A_90], %swap3A_93 {strides = array<i32>} : memref<10240xi32, #tpu.memory_space<vmem>>, vector<16xi32>,
    %swap3A_94 = arith.constant 10096 : index
    %swap3A_95 = tpu.vector_load %arg11[%swap3A_94] {strides = array<i32>} : memref<10240xi32, #tpu.memory_space<vmem>>, vector<16xi32>,
    %swap3A_96 = vector.shape_cast %swap3A_95 : vector<16xi32> to vector<16xi32>
    %swap3A_97 = vector.shape_cast %broadcast_in_dim3A_69 : vector<16xi32> to vector<16xi32>
    tpu.vector_store %arg11[%swap3A_94], %swap3A_97 {strides = array<i32>} : memref<10240xi32, #tpu.memory_space<vmem>>, vector<16xi32>,
    %swap3A_98 = arith.constant 10112 : index
    %swap3A_99 = tpu.vector_load %arg11[%swap3A_98] {strides = array<i32>} : memref<10240xi32, #tpu.memory_space<vmem>>, vector<16xi32>,
    %swap3A_100 = vector.shape_cast %swap3A_99 : vector<16xi32> to vector<16xi32>
    %swap3A_101 = vector.shape_cast %broadcast_in_dim3A_69 : vector<16xi32> to vector<16xi32>
    tpu.vector_store %arg11[%swap3A_98], %swap3A_101 {strides = array<i32>} : memref<10240xi32, #tpu.memory_space<vmem>>, vector<16xi32>,
    %swap3A_102 = arith.constant 10128 : index
    %swap3A_103 = tpu.vector_load %arg11[%swap3A_102] {strides = array<i32>} : memref<10240xi32, #tpu.memory_space<vmem>>, vector<16xi32>,
    %swap3A_104 = vector.shape_cast %swap3A_103 : vector<16xi32> to vector<16xi32>
    %swap3A_105 = vector.shape_cast %broadcast_in_dim3A_69 : vector<16xi32> to vector<16xi32>
    tpu.vector_store %arg11[%swap3A_102], %swap3A_105 {strides = array<i32>} : memref<10240xi32, #tpu.memory_space<vmem>>, vector<16xi32>,
    %swap3A_106 = arith.constant 10144 : index
    %swap3A_107 = tpu.vector_load %arg11[%swap3A_106] {strides = array<i32>} : memref<10240xi32, #tpu.memory_space<vmem>>, vector<16xi32>,
    %swap3A_108 = vector.shape_cast %swap3A_107 : vector<16xi32> to vector<16xi32>
    %swap3A_109 = vector.shape_cast %broadcast_in_dim3A_69 : vector<16xi32> to vector<16xi32>
    tpu.vector_store %arg11[%swap3A_106], %swap3A_109 {strides = array<i32>} : memref<10240xi32, #tpu.memory_space<vmem>>, vector<16xi32>,
    %swap3A_110 = arith.constant 10160 : index
    %swap3A_111 = tpu.vector_load %arg11[%swap3A_110] {strides = array<i32>} : memref<10240xi32, #tpu.memory_space<vmem>>, vector<16xi32>,
    %swap3A_112 = vector.shape_cast %swap3A_111 : vector<16xi32> to vector<16xi32>
    %swap3A_113 = vector.shape_cast %broadcast_in_dim3A_69 : vector<16xi32> to vector<16xi32>
    tpu.vector_store %arg11[%swap3A_110], %swap3A_113 {strides = array<i32>} : memref<10240xi32, #tpu.memory_space<vmem>>, vector<16xi32>,
    %swap3A_114 = arith.constant 10176 : index
    %swap3A_115 = tpu.vector_load %arg11[%swap3A_114] {strides = array<i32>} : memref<10240xi32, #tpu.memory_space<vmem>>, vector<16xi32>,
    %swap3A_116 = vector.shape_cast %swap3A_115 : vector<16xi32> to vector<16xi32>
    %swap3A_117 = vector.shape_cast %broadcast_in_dim3A_69 : vector<16xi32> to vector<16xi32>
    tpu.vector_store %arg11[%swap3A_114], %swap3A_117 {strides = array<i32>} : memref<10240xi32, #tpu.memory_space<vmem>>, vector<16xi32>,
    %swap3A_118 = arith.constant 10192 : index
    %swap3A_119 = tpu.vector_load %arg11[%swap3A_118] {strides = array<i32>} : memref<10240xi32, #tpu.memory_space<vmem>>, vector<16xi32>,
    %swap3A_120 = vector.shape_cast %swap3A_119 : vector<16xi32> to vector<16xi32>
    %swap3A_121 = vector.shape_cast %broadcast_in_dim3A_69 : vector<16xi32> to vector<16xi32>
    tpu.vector_store %arg11[%swap3A_118], %swap3A_121 {strides = array<i32>} : memref<10240xi32, #tpu.memory_space<vmem>>, vector<16xi32>,
    %swap3A_122 = arith.constant 10208 : index
    %swap3A_123 = tpu.vector_load %arg11[%swap3A_122] {strides = array<i32>} : memref<10240xi32, #tpu.memory_space<vmem>>, vector<16xi32>,
    %swap3A_124 = vector.shape_cast %swap3A_123 : vector<16xi32> to vector<16xi32>
    %swap3A_125 = vector.shape_cast %broadcast_in_dim3A_69 : vector<16xi32> to vector<16xi32>
    tpu.vector_store %arg11[%swap3A_122], %swap3A_125 {strides = array<i32>} : memref<10240xi32, #tpu.memory_space<vmem>>, vector<16xi32>,
    %swap3A_126 = arith.constant 10224 : index
    %swap3A_127 = tpu.vector_load %arg11[%swap3A_126] {strides = array<i32>} : memref<10240xi32, #tpu.memory_space<vmem>>, vector<16xi32>,
    %swap3A_128 = vector.shape_cast %swap3A_127 : vector<16xi32> to vector<16xi32>
    %swap3A_129 = vector.shape_cast %broadcast_in_dim3A_69 : vector<16xi32> to vector<16xi32>
    tpu.vector_store %arg11[%swap3A_126], %swap3A_129 {strides = array<i32>} : memref<10240xi32, #tpu.memory_space<vmem>>, vector<16xi32>,
    %run_scoped3A_130 = arith.constant 0 : i32
    "tpu.region"() ({
      %run_scoped3A_159 = tpu.sem_alloc : memref<!tpu.dma_semaphore, #tpu.memory_space<semaphore_mem>>
      %dma_start3A_160 = arith.constant 0 : i32
      %dma_start3A_161 = tpu.memref_slice %arg2[%run_scoped3A_130, %mul3A_2, %dma_start3A_160] : memref<2x10240x16xf32, #tpu.memory_space<hbm>> -> memref<1x640x16xf32, #tpu.memory_space<hbm>>
      %dma_start3A_162 = tpu.memref_squeeze %dma_start3A_161 : memref<1x640x16xf32, #tpu.memory_space<hbm>> -> memref<640x16xf32, #tpu.memory_space<hbm>>
      %dma_start3A_163 = arith.constant 0 : i32
      %dma_start3A_164 = tpu.memref_slice %arg2[%run_scoped3A_130, %mul3A_2, %dma_start3A_163] : memref<2x10240x16xf32, #tpu.memory_space<hbm>> -> memref<1x640x16xf32, #tpu.memory_space<hbm>>
      %dma_start3A_165 = tpu.memref_squeeze %dma_start3A_164 : memref<1x640x16xf32, #tpu.memory_space<hbm>> -> memref<640x16xf32, #tpu.memory_space<hbm>>
      tpu.enqueue_dma source(%dma_start3A_165 : memref<640x16xf32, #tpu.memory_space<hbm>>) target(%arg14 : memref<640x16xf32, #tpu.memory_space<vmem>>) target_semaphore(%run_scoped3A_159 : memref<!tpu.dma_semaphore, #tpu.memory_space<semaphore_mem>>)
      %dma_wait3A_166 = arith.constant 0 : i32
      %dma_wait3A_167 = tpu.memref_slice %arg2[%run_scoped3A_130, %mul3A_2, %dma_wait3A_166] : memref<2x10240x16xf32, #tpu.memory_space<hbm>> -> memref<1x640x16xf32, #tpu.memory_space<hbm>>
      %dma_wait3A_168 = tpu.memref_squeeze %dma_wait3A_167 : memref<1x640x16xf32, #tpu.memory_space<hbm>> -> memref<640x16xf32, #tpu.memory_space<hbm>>
      %dma_wait3A_169 = arith.constant 0 : i32
      %dma_wait3A_170 = tpu.memref_slice %arg2[%run_scoped3A_130, %mul3A_2, %dma_wait3A_169] : memref<2x10240x16xf32, #tpu.memory_space<hbm>> -> memref<1x640x16xf32, #tpu.memory_space<hbm>>
      %dma_wait3A_171 = tpu.memref_squeeze %dma_wait3A_170 : memref<1x640x16xf32, #tpu.memory_space<hbm>> -> memref<640x16xf32, #tpu.memory_space<hbm>>
      tpu.wait_dma2 semaphore(%run_scoped3A_159 : memref<!tpu.dma_semaphore, #tpu.memory_space<semaphore_mem>>) src(%dma_wait3A_171 : memref<640x16xf32, #tpu.memory_space<hbm>>) dst(%arg14 : memref<640x16xf32, #tpu.memory_space<vmem>>)
      tpu.yield
    }) : () -> ()
    %run_scoped3A_131 = arith.constant 1 : i32
    "tpu.region"() ({
      %run_scoped3A_159 = tpu.sem_alloc : memref<!tpu.dma_semaphore, #tpu.memory_space<semaphore_mem>>
      %dma_start3A_160 = arith.constant 0 : i32
      %dma_start3A_161 = tpu.memref_slice %arg2[%run_scoped3A_131, %mul3A_2, %dma_start3A_160] : memref<2x10240x16xf32, #tpu.memory_space<hbm>> -> memref<1x640x16xf32, #tpu.memory_space<hbm>>
      %dma_start3A_162 = tpu.memref_squeeze %dma_start3A_161 : memref<1x640x16xf32, #tpu.memory_space<hbm>> -> memref<640x16xf32, #tpu.memory_space<hbm>>
      %dma_start3A_163 = arith.constant 0 : i32
      %dma_start3A_164 = tpu.memref_slice %arg2[%run_scoped3A_131, %mul3A_2, %dma_start3A_163] : memref<2x10240x16xf32, #tpu.memory_space<hbm>> -> memref<1x640x16xf32, #tpu.memory_space<hbm>>
      %dma_start3A_165 = tpu.memref_squeeze %dma_start3A_164 : memref<1x640x16xf32, #tpu.memory_space<hbm>> -> memref<640x16xf32, #tpu.memory_space<hbm>>
      tpu.enqueue_dma source(%dma_start3A_165 : memref<640x16xf32, #tpu.memory_space<hbm>>) target(%arg15 : memref<640x16xf32, #tpu.memory_space<vmem>>) target_semaphore(%run_scoped3A_159 : memref<!tpu.dma_semaphore, #tpu.memory_space<semaphore_mem>>)
      %dma_wait3A_166 = arith.constant 0 : i32
      %dma_wait3A_167 = tpu.memref_slice %arg2[%run_scoped3A_131, %mul3A_2, %dma_wait3A_166] : memref<2x10240x16xf32, #tpu.memory_space<hbm>> -> memref<1x640x16xf32, #tpu.memory_space<hbm>>
      %dma_wait3A_168 = tpu.memref_squeeze %dma_wait3A_167 : memref<1x640x16xf32, #tpu.memory_space<hbm>> -> memref<640x16xf32, #tpu.memory_space<hbm>>
      %dma_wait3A_169 = arith.constant 0 : i32
      %dma_wait3A_170 = tpu.memref_slice %arg2[%run_scoped3A_131, %mul3A_2, %dma_wait3A_169] : memref<2x10240x16xf32, #tpu.memory_space<hbm>> -> memref<1x640x16xf32, #tpu.memory_space<hbm>>
      %dma_wait3A_171 = tpu.memref_squeeze %dma_wait3A_170 : memref<1x640x16xf32, #tpu.memory_space<hbm>> -> memref<640x16xf32, #tpu.memory_space<hbm>>
      tpu.wait_dma2 semaphore(%run_scoped3A_159 : memref<!tpu.dma_semaphore, #tpu.memory_space<semaphore_mem>>) src(%dma_wait3A_171 : memref<640x16xf32, #tpu.memory_space<hbm>>) dst(%arg15 : memref<640x16xf32, #tpu.memory_space<vmem>>)
      tpu.yield
    }) : () -> ()
    "tpu.region"() ({
      %run_scoped3A_159 = tpu.sem_alloc : memref<!tpu.dma_semaphore, #tpu.memory_space<semaphore_mem>>
      %dma_start3A_160 = arith.constant 0 : i32
      %dma_start3A_161 = tpu.memref_slice %arg3[%mul3A_2, %dma_start3A_160] : memref<10240x16xf32, #tpu.memory_space<hbm>> -> memref<640x16xf32, #tpu.memory_space<hbm>>
      %dma_start3A_162 = arith.constant 0 : i32
      %dma_start3A_163 = tpu.memref_slice %arg3[%mul3A_2, %dma_start3A_162] : memref<10240x16xf32, #tpu.memory_space<hbm>> -> memref<640x16xf32, #tpu.memory_space<hbm>>
      tpu.enqueue_dma source(%dma_start3A_163 : memref<640x16xf32, #tpu.memory_space<hbm>>) target(%arg16 : memref<640x16xf32, #tpu.memory_space<vmem>>) target_semaphore(%run_scoped3A_159 : memref<!tpu.dma_semaphore, #tpu.memory_space<semaphore_mem>>)
      %dma_wait3A_164 = arith.constant 0 : i32
      %dma_wait3A_165 = tpu.memref_slice %arg3[%mul3A_2, %dma_wait3A_164] : memref<10240x16xf32, #tpu.memory_space<hbm>> -> memref<640x16xf32, #tpu.memory_space<hbm>>
      %dma_wait3A_166 = arith.constant 0 : i32
      %dma_wait3A_167 = tpu.memref_slice %arg3[%mul3A_2, %dma_wait3A_166] : memref<10240x16xf32, #tpu.memory_space<hbm>> -> memref<640x16xf32, #tpu.memory_space<hbm>>
      tpu.wait_dma2 semaphore(%run_scoped3A_159 : memref<!tpu.dma_semaphore, #tpu.memory_space<semaphore_mem>>) src(%dma_wait3A_167 : memref<640x16xf32, #tpu.memory_space<hbm>>) dst(%arg16 : memref<640x16xf32, #tpu.memory_space<vmem>>)
      tpu.yield
    }) : () -> ()
    "tpu.region"() ({
      %run_scoped3A_159 = tpu.sem_alloc : memref<!tpu.dma_semaphore, #tpu.memory_space<semaphore_mem>>
      %dma_start3A_160 = arith.constant 0 : i32
      %dma_start3A_161 = tpu.memref_slice %arg4[%mul3A_2, %dma_start3A_160] : memref<10240x16xf32, #tpu.memory_space<hbm>> -> memref<640x16xf32, #tpu.memory_space<hbm>>
      %dma_start3A_162 = arith.constant 0 : i32
      %dma_start3A_163 = tpu.memref_slice %arg4[%mul3A_2, %dma_start3A_162] : memref<10240x16xf32, #tpu.memory_space<hbm>> -> memref<640x16xf32, #tpu.memory_space<hbm>>
      tpu.enqueue_dma source(%dma_start3A_163 : memref<640x16xf32, #tpu.memory_space<hbm>>) target(%arg17 : memref<640x16xf32, #tpu.memory_space<vmem>>) target_semaphore(%run_scoped3A_159 : memref<!tpu.dma_semaphore, #tpu.memory_space<semaphore_mem>>)
      %dma_wait3A_164 = arith.constant 0 : i32
      %dma_wait3A_165 = tpu.memref_slice %arg4[%mul3A_2, %dma_wait3A_164] : memref<10240x16xf32, #tpu.memory_space<hbm>> -> memref<640x16xf32, #tpu.memory_space<hbm>>
      %dma_wait3A_166 = arith.constant 0 : i32
      %dma_wait3A_167 = tpu.memref_slice %arg4[%mul3A_2, %dma_wait3A_166] : memref<10240x16xf32, #tpu.memory_space<hbm>> -> memref<640x16xf32, #tpu.memory_space<hbm>>
      tpu.wait_dma2 semaphore(%run_scoped3A_159 : memref<!tpu.dma_semaphore, #tpu.memory_space<semaphore_mem>>) src(%dma_wait3A_167 : memref<640x16xf32, #tpu.memory_space<hbm>>) dst(%arg17 : memref<640x16xf32, #tpu.memory_space<vmem>>)
      tpu.yield
    }) : () -> ()
    "tpu.region"() ({
      %run_scoped3A_159 = tpu.sem_alloc : memref<!tpu.dma_semaphore, #tpu.memory_space<semaphore_mem>>
      tpu.enqueue_dma source(%arg5 : memref<1x16xf32, #tpu.memory_space<hbm>>) target(%arg19 : memref<1x16xf32, #tpu.memory_space<vmem>>) target_semaphore(%run_scoped3A_159 : memref<!tpu.dma_semaphore, #tpu.memory_space<semaphore_mem>>)
      tpu.wait_dma2 semaphore(%run_scoped3A_159 : memref<!tpu.dma_semaphore, #tpu.memory_space<semaphore_mem>>) src(%arg5 : memref<1x16xf32, #tpu.memory_space<hbm>>) dst(%arg19 : memref<1x16xf32, #tpu.memory_space<vmem>>)
      tpu.yield
    }) : () -> ()
    %get3A = arith.constant 0 : i32
    %get3A_132 = arith.index_cast %get3A : i32 to index
    %get3A_133 = arith.constant 0 : index
    %get3A_134 = tpu.vector_load %arg19[%get3A_132, %get3A_133] {strides = array<i32>} : memref<1x16xf32, #tpu.memory_space<vmem>>, vector<1x16xf32>,
    %get3A_135 = vector.shape_cast %get3A_134 : vector<1x16xf32> to vector<16xf32>
    %scan3A = arith.constant 0 : i32
    %scan3A_136 = arith.constant 0 : i32
    %scan3A_137 = arith.constant 640 : i32
    %scan3A_138 = arith.addi %scan3A_136, %scan3A_137 : i32
    %scan3A_139 = arith.constant 1 : i32
    scf.for %scan3A_159 = %scan3A_136 to %scan3A_138 step %scan3A_139  : i32 {
      %get3A_160 = arith.index_cast %scan3A_159 : i32 to index
      %get3A_161 = arith.constant 0 : index
      %get3A_162 = tpu.vector_load %arg17[%get3A_160, %get3A_161] {strides = array<i32>} : memref<640x16xf32, #tpu.memory_space<vmem>>, vector<1x16xf32>,
      %get3A_163 = vector.shape_cast %get3A_162 : vector<1x16xf32> to vector<16xf32>
      %get3A_164 = arith.index_cast %scan3A_159 : i32 to index
      %get3A_165 = arith.constant 0 : index
      %get3A_166 = tpu.vector_load %arg14[%get3A_164, %get3A_165] {strides = array<i32>} : memref<640x16xf32, #tpu.memory_space<vmem>>, vector<1x16xf32>,
      %get3A_167 = vector.shape_cast %get3A_166 : vector<1x16xf32> to vector<16xf32>
      %get3A_168 = arith.index_cast %scan3A_159 : i32 to index
      %get3A_169 = arith.constant 0 : index
      %get3A_170 = tpu.vector_load %arg15[%get3A_168, %get3A_169] {strides = array<i32>} : memref<640x16xf32, #tpu.memory_space<vmem>>, vector<1x16xf32>,
      %get3A_171 = vector.shape_cast %get3A_170 : vector<1x16xf32> to vector<16xf32>
      %add3A_172 = arith.addf %get3A_167, %get3A_171 : vector<16xf32>
      %get3A_173 = arith.index_cast %scan3A_159 : i32 to index
      %get3A_174 = arith.constant 0 : index
      %get3A_175 = tpu.vector_load %arg16[%get3A_173, %get3A_174] {strides = array<i32>} : memref<640x16xf32, #tpu.memory_space<vmem>>, vector<1x16xf32>,
      %get3A_176 = vector.shape_cast %get3A_175 : vector<1x16xf32> to vector<16xf32>
      %add3A_177 = arith.addf %add3A_172, %get3A_176 : vector<16xf32>
      %mul3A_178 = arith.mulf %add3A_177, %get3A_163 : vector<16xf32>
      %add3A_179 = arith.addf %mul3A_178, %get3A_135 : vector<16xf32>
      %max3A = arith.constant 0.000000e+00 : f32
      %max3A_180 = vector.broadcast %max3A : f32 to vector<16xf32>
      %max3A_181 = arith.maximumf %add3A_179, %max3A_180 : vector<16xf32>
      %mul3A_182 = arith.mulf %max3A_181, %get3A_163 : vector<16xf32>
      %swap3A_183 = arith.index_cast %scan3A_159 : i32 to index
      %swap3A_184 = arith.constant 0 : index
      %swap3A_185 = tpu.vector_load %arg18[%swap3A_183, %swap3A_184] {strides = array<i32>} : memref<640x16xf32, #tpu.memory_space<vmem>>, vector<1x16xf32>,
      %swap3A_186 = vector.shape_cast %swap3A_185 : vector<1x16xf32> to vector<16xf32>
      %swap3A_187 = vector.shape_cast %mul3A_182 : vector<16xf32> to vector<1x16xf32>
      tpu.vector_store %arg18[%swap3A_183, %swap3A_184], %swap3A_187 {strides = array<i32>} : memref<640x16xf32, #tpu.memory_space<vmem>>, vector<1x16xf32>,
    }
    %scan3A_140 = arith.constant 640 : i32
    "tpu.region"() ({
      %run_scoped3A_159 = tpu.sem_alloc : memref<!tpu.dma_semaphore, #tpu.memory_space<semaphore_mem>>
      %dma_start3A_160 = arith.constant 0 : i32
      %dma_start3A_161 = tpu.memref_slice %arg20[%mul3A_2, %dma_start3A_160] : memref<10240x16xf32, #tpu.memory_space<vmem_shared>> -> memref<640x16xf32, #tpu.memory_space<vmem_shared>>
      %dma_start3A_162 = arith.constant 0 : i32
      %dma_start3A_163 = tpu.memref_slice %arg20[%mul3A_2, %dma_start3A_162] : memref<10240x16xf32, #tpu.memory_space<vmem_shared>> -> memref<640x16xf32, #tpu.memory_space<vmem_shared>>
      tpu.enqueue_dma source(%arg18 : memref<640x16xf32, #tpu.memory_space<vmem>>) target(%dma_start3A_163 : memref<640x16xf32, #tpu.memory_space<vmem_shared>>) target_semaphore(%run_scoped3A_159 : memref<!tpu.dma_semaphore, #tpu.memory_space<semaphore_mem>>)
      %dma_wait3A_164 = arith.constant 0 : i32
      %dma_wait3A_165 = tpu.memref_slice %arg20[%mul3A_2, %dma_wait3A_164] : memref<10240x16xf32, #tpu.memory_space<vmem_shared>> -> memref<640x16xf32, #tpu.memory_space<vmem_shared>>
      %dma_wait3A_166 = arith.constant 0 : i32
      %dma_wait3A_167 = tpu.memref_slice %arg20[%mul3A_2, %dma_wait3A_166] : memref<10240x16xf32, #tpu.memory_space<vmem_shared>> -> memref<640x16xf32, #tpu.memory_space<vmem_shared>>
      tpu.wait_dma2 semaphore(%run_scoped3A_159 : memref<!tpu.dma_semaphore, #tpu.memory_space<semaphore_mem>>) src(%arg18 : memref<640x16xf32, #tpu.memory_space<vmem>>) dst(%dma_wait3A_167 : memref<640x16xf32, #tpu.memory_space<vmem_shared>>)
      tpu.yield
    }) : () -> ()
    %eq3A = arith.constant 0 : i32
    %eq3A_141 = arith.cmpi eq, %arg0, %eq3A : i32
    %convert_element_type3A = arith.extui %eq3A_141 : i1 to i32
    %cond3A = arith.constant 0 : i32
    %cond3A_142 = arith.cmpi ne, %convert_element_type3A, %cond3A : i32
    scf.if %cond3A_142 {
      "tpu.region"() ({
        %run_scoped3A_159 = tpu.sem_alloc : memref<!tpu.dma_semaphore, #tpu.memory_space<semaphore_mem>>
        %dma_start3A_160 = arith.constant 0 : i32
        %dma_start3A_161 = tpu.memref_slice %arg9[%mul3A_2, %dma_start3A_160] : memref<10240x16xf32, #tpu.memory_space<hbm>> -> memref<640x16xf32, #tpu.memory_space<hbm>>
        %dma_start3A_162 = arith.constant 0 : i32
        %dma_start3A_163 = tpu.memref_slice %arg9[%mul3A_2, %dma_start3A_162] : memref<10240x16xf32, #tpu.memory_space<hbm>> -> memref<640x16xf32, #tpu.memory_space<hbm>>
        tpu.enqueue_dma source(%arg18 : memref<640x16xf32, #tpu.memory_space<vmem>>) target(%dma_start3A_163 : memref<640x16xf32, #tpu.memory_space<hbm>>) target_semaphore(%run_scoped3A_159 : memref<!tpu.dma_semaphore, #tpu.memory_space<semaphore_mem>>)
        %dma_wait3A_164 = arith.constant 0 : i32
        %dma_wait3A_165 = tpu.memref_slice %arg9[%mul3A_2, %dma_wait3A_164] : memref<10240x16xf32, #tpu.memory_space<hbm>> -> memref<640x16xf32, #tpu.memory_space<hbm>>
        %dma_wait3A_166 = arith.constant 0 : i32
        %dma_wait3A_167 = tpu.memref_slice %arg9[%mul3A_2, %dma_wait3A_166] : memref<10240x16xf32, #tpu.memory_space<hbm>> -> memref<640x16xf32, #tpu.memory_space<hbm>>
        tpu.wait_dma2 semaphore(%run_scoped3A_159 : memref<!tpu.dma_semaphore, #tpu.memory_space<semaphore_mem>>) src(%arg18 : memref<640x16xf32, #tpu.memory_space<vmem>>) dst(%dma_wait3A_167 : memref<640x16xf32, #tpu.memory_space<hbm>>)
        tpu.yield
      }) : () -> ()
    } else {
    }
    "tpu.region"() ({
      %run_scoped3A_159 = tpu.sem_alloc : memref<!tpu.dma_semaphore, #tpu.memory_space<semaphore_mem>>
      tpu.enqueue_dma source(%arg7 : memref<640x16xf32, #tpu.memory_space<hbm>>) target(%arg18 : memref<640x16xf32, #tpu.memory_space<vmem>>) target_semaphore(%run_scoped3A_159 : memref<!tpu.dma_semaphore, #tpu.memory_space<semaphore_mem>>)
      tpu.wait_dma2 semaphore(%run_scoped3A_159 : memref<!tpu.dma_semaphore, #tpu.memory_space<semaphore_mem>>) src(%arg7 : memref<640x16xf32, #tpu.memory_space<hbm>>) dst(%arg18 : memref<640x16xf32, #tpu.memory_space<vmem>>)
      tpu.yield
    }) : () -> ()
    "tpu.region"() ({
      %run_scoped3A_159 = tpu.sem_alloc : memref<!tpu.dma_semaphore, #tpu.memory_space<semaphore_mem>>
      %dma_start3A_160 = arith.constant 0 : i32
      %dma_start3A_161 = tpu.memref_slice %arg21[%mul3A_2, %dma_start3A_160] : memref<10240x16xf32, #tpu.memory_space<vmem_shared>> -> memref<640x16xf32, #tpu.memory_space<vmem_shared>>
      %dma_start3A_162 = arith.constant 0 : i32
      %dma_start3A_163 = tpu.memref_slice %arg21[%mul3A_2, %dma_start3A_162] : memref<10240x16xf32, #tpu.memory_space<vmem_shared>> -> memref<640x16xf32, #tpu.memory_space<vmem_shared>>
      tpu.enqueue_dma source(%arg18 : memref<640x16xf32, #tpu.memory_space<vmem>>) target(%dma_start3A_163 : memref<640x16xf32, #tpu.memory_space<vmem_shared>>) target_semaphore(%run_scoped3A_159 : memref<!tpu.dma_semaphore, #tpu.memory_space<semaphore_mem>>)
      %dma_wait3A_164 = arith.constant 0 : i32
      %dma_wait3A_165 = tpu.memref_slice %arg21[%mul3A_2, %dma_wait3A_164] : memref<10240x16xf32, #tpu.memory_space<vmem_shared>> -> memref<640x16xf32, #tpu.memory_space<vmem_shared>>
      %dma_wait3A_166 = arith.constant 0 : i32
      %dma_wait3A_167 = tpu.memref_slice %arg21[%mul3A_2, %dma_wait3A_166] : memref<10240x16xf32, #tpu.memory_space<vmem_shared>> -> memref<640x16xf32, #tpu.memory_space<vmem_shared>>
      tpu.wait_dma2 semaphore(%run_scoped3A_159 : memref<!tpu.dma_semaphore, #tpu.memory_space<semaphore_mem>>) src(%arg18 : memref<640x16xf32, #tpu.memory_space<vmem>>) dst(%dma_wait3A_167 : memref<640x16xf32, #tpu.memory_space<vmem_shared>>)
      tpu.yield
    }) : () -> ()
    %barrier3A = arith.constant 0 : index
    tpu.barrier barrier_id(%barrier3A)
    %dma_start3A = arith.constant 0 : i32
    %dma_start3A_143 = tpu.memref_slice %arg10[%dma_start3A] : memref<10240xi32, #tpu.memory_space<vmem>> -> memref<512xi32, #tpu.memory_space<vmem>>
    %dma_start3A_144 = arith.constant 0 : i32
    %dma_start3A_145 = arith.constant 0 : i32
    %dma_start3A_146 = tpu.memref_slice %arg20[%dma_start3A_144, %dma_start3A_145] : memref<10240x16xf32, #tpu.memory_space<vmem_shared>> -> memref<10240x16xf32, #tpu.memory_space<vmem_shared>>
    tpu.enqueue_indirect_dma source(%dma_start3A_146 : memref<10240x16xf32, #tpu.memory_space<vmem_shared>>) target(%arg12 : memref<512x16xf32, #tpu.memory_space<vmem>>) offsets(%dma_start3A_143 : memref<512xi32, #tpu.memory_space<vmem>>) semaphore(%arg22 : memref<!tpu.dma_semaphore, #tpu.memory_space<semaphore_mem>>)
    %scan3A_147 = arith.constant 0 : i32
    %scan3A_148 = arith.constant 0 : i32
    %scan3A_149 = arith.constant 10 : i32
    %scan3A_150 = arith.addi %scan3A_148, %scan3A_149 : i32
    %scan3A_151 = arith.constant 1 : i32
    scf.for %scan3A_159 = %scan3A_148 to %scan3A_150 step %scan3A_151  : i32 {
      %mul3A_160 = arith.constant 2 : i32
      %mul3A_161 = arith.muli %mul3A_160, %scan3A_159 : i32
      %add3A_162 = arith.constant 1 : i32
      %add3A_163 = arith.addi %mul3A_161, %add3A_162 : i32
      %dma_wait3A_164 = arith.constant 0 : i32
      %dma_wait3A_165 = arith.constant 0 : i32
      %dma_wait3A_166 = tpu.memref_slice %arg20[%dma_wait3A_164, %dma_wait3A_165] : memref<10240x16xf32, #tpu.memory_space<vmem_shared>> -> memref<512x16xf32, #tpu.memory_space<vmem_shared>>
      %dma_wait3A_167 = arith.constant 0 : i32
      %dma_wait3A_168 = arith.constant 0 : i32
      %dma_wait3A_169 = tpu.memref_slice %arg20[%dma_wait3A_167, %dma_wait3A_168] : memref<10240x16xf32, #tpu.memory_space<vmem_shared>> -> memref<512x16xf32, #tpu.memory_space<vmem_shared>>
      tpu.wait_dma2 semaphore(%arg22 : memref<!tpu.dma_semaphore, #tpu.memory_space<semaphore_mem>>) src(%dma_wait3A_169 : memref<512x16xf32, #tpu.memory_space<vmem_shared>>) dst(%arg12 : memref<512x16xf32, #tpu.memory_space<vmem>>)
      %mul3A_170 = arith.constant 512 : i32
      %mul3A_171 = arith.muli %add3A_163, %mul3A_170 : i32
      %dma_start3A_172 = tpu.memref_slice %arg10[%mul3A_171] : memref<10240xi32, #tpu.memory_space<vmem>> -> memref<512xi32, #tpu.memory_space<vmem>>
      %dma_start3A_173 = arith.constant 0 : i32
      %dma_start3A_174 = arith.constant 0 : i32
      %dma_start3A_175 = tpu.memref_slice %arg20[%dma_start3A_173, %dma_start3A_174] : memref<10240x16xf32, #tpu.memory_space<vmem_shared>> -> memref<10240x16xf32, #tpu.memory_space<vmem_shared>>
      tpu.enqueue_indirect_dma source(%dma_start3A_175 : memref<10240x16xf32, #tpu.memory_space<vmem_shared>>) target(%arg13 : memref<512x16xf32, #tpu.memory_space<vmem>>) offsets(%dma_start3A_172 : memref<512xi32, #tpu.memory_space<vmem>>) semaphore(%arg23 : memref<!tpu.dma_semaphore, #tpu.memory_space<semaphore_mem>>)
      %mul3A_176 = arith.constant 512 : i32
      %mul3A_177 = arith.muli %mul3A_161, %mul3A_176 : i32
      "tpu.region"() ({
        %run_scoped3A_195 = tpu.sem_alloc : memref<!tpu.dma_semaphore, #tpu.memory_space<semaphore_mem>>
        %dma_start3A_196 = tpu.memref_slice %arg11[%mul3A_177] : memref<10240xi32, #tpu.memory_space<vmem>> -> memref<512xi32, #tpu.memory_space<vmem>>
        %dma_start3A_197 = arith.constant 0 : i32
        %dma_start3A_198 = arith.constant 0 : i32
        %dma_start3A_199 = tpu.memref_slice %arg21[%dma_start3A_197, %dma_start3A_198] : memref<10240x16xf32, #tpu.memory_space<vmem_shared>> -> memref<10240x16xf32, #tpu.memory_space<vmem_shared>>
        tpu.enqueue_indirect_dma source(%arg12 : memref<512x16xf32, #tpu.memory_space<vmem>>) target(%dma_start3A_199 : memref<10240x16xf32, #tpu.memory_space<vmem_shared>>) offsets(%dma_start3A_196 : memref<512xi32, #tpu.memory_space<vmem>>) semaphore(%run_scoped3A_195 : memref<!tpu.dma_semaphore, #tpu.memory_space<semaphore_mem>>) {add = true}
        %dma_wait3A_200 = tpu.memref_slice %arg11[%mul3A_177] : memref<10240xi32, #tpu.memory_space<vmem>> -> memref<512xi32, #tpu.memory_space<vmem>>
        %dma_wait3A_201 = arith.constant 0 : i32
        %dma_wait3A_202 = arith.constant 0 : i32
        %dma_wait3A_203 = tpu.memref_slice %arg21[%dma_wait3A_201, %dma_wait3A_202] : memref<10240x16xf32, #tpu.memory_space<vmem_shared>> -> memref<10240x16xf32, #tpu.memory_space<vmem_shared>>
        tpu.wait_indirect_dma semaphore(%run_scoped3A_195 : memref<!tpu.dma_semaphore, #tpu.memory_space<semaphore_mem>>) src(%arg12 : memref<512x16xf32, #tpu.memory_space<vmem>>) dst(%dma_wait3A_203 : memref<10240x16xf32, #tpu.memory_space<vmem_shared>>)
        tpu.yield
      }) : () -> ()
      %add3A_178 = arith.constant 2 : i32
      %add3A_179 = arith.addi %mul3A_161, %add3A_178 : i32
      %min3A = arith.constant 18 : i32
      %min3A_180 = arith.minsi %add3A_179, %min3A : i32
      %mul3A_181 = arith.constant 512 : i32
      %mul3A_182 = arith.muli %min3A_180, %mul3A_181 : i32
      %dma_start3A_183 = tpu.memref_slice %arg10[%mul3A_182] : memref<10240xi32, #tpu.memory_space<vmem>> -> memref<512xi32, #tpu.memory_space<vmem>>
      %dma_start3A_184 = arith.constant 0 : i32
      %dma_start3A_185 = arith.constant 0 : i32
      %dma_start3A_186 = tpu.memref_slice %arg20[%dma_start3A_184, %dma_start3A_185] : memref<10240x16xf32, #tpu.memory_space<vmem_shared>> -> memref<10240x16xf32, #tpu.memory_space<vmem_shared>>
      tpu.enqueue_indirect_dma source(%dma_start3A_186 : memref<10240x16xf32, #tpu.memory_space<vmem_shared>>) target(%arg12 : memref<512x16xf32, #tpu.memory_space<vmem>>) offsets(%dma_start3A_183 : memref<512xi32, #tpu.memory_space<vmem>>) semaphore(%arg22 : memref<!tpu.dma_semaphore, #tpu.memory_space<semaphore_mem>>)
      %dma_wait3A_187 = arith.constant 0 : i32
      %dma_wait3A_188 = arith.constant 0 : i32
      %dma_wait3A_189 = tpu.memref_slice %arg20[%dma_wait3A_187, %dma_wait3A_188] : memref<10240x16xf32, #tpu.memory_space<vmem_shared>> -> memref<512x16xf32, #tpu.memory_space<vmem_shared>>
      %dma_wait3A_190 = arith.constant 0 : i32
      %dma_wait3A_191 = arith.constant 0 : i32
      %dma_wait3A_192 = tpu.memref_slice %arg20[%dma_wait3A_190, %dma_wait3A_191] : memref<10240x16xf32, #tpu.memory_space<vmem_shared>> -> memref<512x16xf32, #tpu.memory_space<vmem_shared>>
      tpu.wait_dma2 semaphore(%arg23 : memref<!tpu.dma_semaphore, #tpu.memory_space<semaphore_mem>>) src(%dma_wait3A_192 : memref<512x16xf32, #tpu.memory_space<vmem_shared>>) dst(%arg13 : memref<512x16xf32, #tpu.memory_space<vmem>>)
      %mul3A_193 = arith.constant 512 : i32
      %mul3A_194 = arith.muli %add3A_163, %mul3A_193 : i32
      "tpu.region"() ({
        %run_scoped3A_195 = tpu.sem_alloc : memref<!tpu.dma_semaphore, #tpu.memory_space<semaphore_mem>>
        %dma_start3A_196 = tpu.memref_slice %arg11[%mul3A_194] : memref<10240xi32, #tpu.memory_space<vmem>> -> memref<512xi32, #tpu.memory_space<vmem>>
        %dma_start3A_197 = arith.constant 0 : i32
        %dma_start3A_198 = arith.constant 0 : i32
        %dma_start3A_199 = tpu.memref_slice %arg21[%dma_start3A_197, %dma_start3A_198] : memref<10240x16xf32, #tpu.memory_space<vmem_shared>> -> memref<10240x16xf32, #tpu.memory_space<vmem_shared>>
        tpu.enqueue_indirect_dma source(%arg13 : memref<512x16xf32, #tpu.memory_space<vmem>>) target(%dma_start3A_199 : memref<10240x16xf32, #tpu.memory_space<vmem_shared>>) offsets(%dma_start3A_196 : memref<512xi32, #tpu.memory_space<vmem>>) semaphore(%run_scoped3A_195 : memref<!tpu.dma_semaphore, #tpu.memory_space<semaphore_mem>>) {add = true}
        %dma_wait3A_200 = tpu.memref_slice %arg11[%mul3A_194] : memref<10240xi32, #tpu.memory_space<vmem>> -> memref<512xi32, #tpu.memory_space<vmem>>
        %dma_wait3A_201 = arith.constant 0 : i32
        %dma_wait3A_202 = arith.constant 0 : i32
        %dma_wait3A_203 = tpu.memref_slice %arg21[%dma_wait3A_201, %dma_wait3A_202] : memref<10240x16xf32, #tpu.memory_space<vmem_shared>> -> memref<10240x16xf32, #tpu.memory_space<vmem_shared>>
        tpu.wait_indirect_dma semaphore(%run_scoped3A_195 : memref<!tpu.dma_semaphore, #tpu.memory_space<semaphore_mem>>) src(%arg13 : memref<512x16xf32, #tpu.memory_space<vmem>>) dst(%dma_wait3A_203 : memref<10240x16xf32, #tpu.memory_space<vmem_shared>>)
        tpu.yield
      }) : () -> ()
    }
    %scan3A_152 = arith.constant 10 : i32
    %dma_wait3A = arith.constant 0 : i32
    %dma_wait3A_153 = arith.constant 0 : i32
    %dma_wait3A_154 = tpu.memref_slice %arg20[%dma_wait3A, %dma_wait3A_153] : memref<10240x16xf32, #tpu.memory_space<vmem_shared>> -> memref<512x16xf32, #tpu.memory_space<vmem_shared>>
    %dma_wait3A_155 = arith.constant 0 : i32
    %dma_wait3A_156 = arith.constant 0 : i32
    %dma_wait3A_157 = tpu.memref_slice %arg20[%dma_wait3A_155, %dma_wait3A_156] : memref<10240x16xf32, #tpu.memory_space<vmem_shared>> -> memref<512x16xf32, #tpu.memory_space<vmem_shared>>
    tpu.wait_dma2 semaphore(%arg22 : memref<!tpu.dma_semaphore, #tpu.memory_space<semaphore_mem>>) src(%dma_wait3A_157 : memref<512x16xf32, #tpu.memory_space<vmem_shared>>) dst(%arg12 : memref<512x16xf32, #tpu.memory_space<vmem>>)
    %barrier3A_158 = arith.constant 0 : index
    tpu.barrier barrier_id(%barrier3A_158)
    "tpu.region"() ({
      %run_scoped3A_159 = tpu.sem_alloc : memref<!tpu.dma_semaphore, #tpu.memory_space<semaphore_mem>>
      %dma_start3A_160 = arith.constant 0 : i32
      %dma_start3A_161 = tpu.memref_slice %arg8[%arg0, %mul3A_2, %dma_start3A_160] : memref<2x10240x16xf32, #tpu.memory_space<hbm>> -> memref<1x640x16xf32, #tpu.memory_space<hbm>>
      %dma_start3A_162 = tpu.memref_squeeze %dma_start3A_161 : memref<1x640x16xf32, #tpu.memory_space<hbm>> -> memref<640x16xf32, #tpu.memory_space<hbm>>
      %dma_start3A_163 = arith.constant 0 : i32
      %dma_start3A_164 = tpu.memref_slice %arg21[%mul3A_2, %dma_start3A_163] : memref<10240x16xf32, #tpu.memory_space<vmem_shared>> -> memref<640x16xf32, #tpu.memory_space<vmem_shared>>
      tpu.enqueue_dma source(%dma_start3A_164 : memref<640x16xf32, #tpu.memory_space<vmem_shared>>) target(%dma_start3A_162 : memref<640x16xf32, #tpu.memory_space<hbm>>) target_semaphore(%run_scoped3A_159 : memref<!tpu.dma_semaphore, #tpu.memory_space<semaphore_mem>>)
      %dma_wait3A_165 = arith.constant 0 : i32
      %dma_wait3A_166 = tpu.memref_slice %arg8[%arg0, %mul3A_2, %dma_wait3A_165] : memref<2x10240x16xf32, #tpu.memory_space<hbm>> -> memref<1x640x16xf32, #tpu.memory_space<hbm>>
      %dma_wait3A_167 = tpu.memref_squeeze %dma_wait3A_166 : memref<1x640x16xf32, #tpu.memory_space<hbm>> -> memref<640x16xf32, #tpu.memory_space<hbm>>
      %dma_wait3A_168 = arith.constant 0 : i32
      %dma_wait3A_169 = tpu.memref_slice %arg21[%mul3A_2, %dma_wait3A_168] : memref<10240x16xf32, #tpu.memory_space<vmem_shared>> -> memref<640x16xf32, #tpu.memory_space<vmem_shared>>
      tpu.wait_dma2 semaphore(%run_scoped3A_159 : memref<!tpu.dma_semaphore, #tpu.memory_space<semaphore_mem>>) src(%dma_wait3A_169 : memref<640x16xf32, #tpu.memory_space<vmem_shared>>) dst(%dma_wait3A_167 : memref<640x16xf32, #tpu.memory_space<hbm>>)
      tpu.yield
    }) : () -> ()
    return
  }
}

#map = affine_map<(d0, d1) -> (0, 0)>
#map1 = affine_map<(d0, d1) -> (0, 0, 0)>
module attributes {stable_mosaic.version = 14 : i64} {
  func.func @agg1_kernel(%arg0: i32, %arg1: i32, %arg2: memref<10240x16xf32, #tpu.memory_space<hbm>>, %arg3: memref<2x320000xi32, #tpu.memory_space<hbm>>, %arg4: memref<640x16xf32, #tpu.memory_space<hbm>>, %arg5: memref<2x10240x16xf32, #tpu.memory_space<hbm>>, %arg6: memref<10240xi32, #tpu.memory_space<vmem>>, %arg7: memref<10240xi32, #tpu.memory_space<vmem>>, %arg8: memref<512x16xf32, #tpu.memory_space<vmem>>, %arg9: memref<512x16xf32, #tpu.memory_space<vmem>>, %arg10: memref<640x16xf32, #tpu.memory_space<vmem>>, %arg11: memref<10240x16xf32, #tpu.memory_space<vmem_shared>>, %arg12: memref<10240x16xf32, #tpu.memory_space<vmem_shared>>, %arg13: memref<!tpu.dma_semaphore, #tpu.memory_space<semaphore_mem>>, %arg14: memref<!tpu.dma_semaphore, #tpu.memory_space<semaphore_mem>>) attributes {dimension_semantics = [#tpu.dimension_semantics<core_parallel>, #tpu.dimension_semantics<subcore_parallel>], iteration_bounds = array<i64: 2, 16>, scalar_prefetch = 0 : i64, scratch_operands = 9 : i64, tpu.core_type = #tpu.core_type<sc_vector_subcore>, window_params = [{transform_indices = #map}, {transform_indices = #map}, {transform_indices = #map}, {transform_indices = #map1}]} {
    %mul3A = arith.constant 2 : i32
    %mul3A_0 = arith.muli %arg1, %mul3A : i32
    %add3A = arith.addi %mul3A_0, %arg0 : i32
    %mul3A_1 = arith.constant 640 : i32
    %mul3A_2 = arith.muli %arg1, %mul3A_1 : i32
    %mul3A_3 = arith.constant 10000 : i32
    %mul3A_4 = arith.muli %add3A, %mul3A_3 : i32
    %run_scoped3A = arith.constant 0 : i32
    "tpu.region"() ({
      %run_scoped3A_145 = tpu.sem_alloc : memref<!tpu.dma_semaphore, #tpu.memory_space<semaphore_mem>>
      %dma_start3A_146 = arith.constant 0 : i32
      %dma_start3A_147 = tpu.memref_slice %arg6[%dma_start3A_146] : memref<10240xi32, #tpu.memory_space<vmem>> -> memref<10000xi32, #tpu.memory_space<vmem>>
      %dma_start3A_148 = tpu.memref_slice %arg3[%run_scoped3A, %mul3A_4] : memref<2x320000xi32, #tpu.memory_space<hbm>> -> memref<1x10000xi32, #tpu.memory_space<hbm>>
      %dma_start3A_149 = tpu.memref_squeeze %dma_start3A_148 : memref<1x10000xi32, #tpu.memory_space<hbm>> -> memref<10000xi32, #tpu.memory_space<hbm>>
      %dma_start3A_150 = arith.constant 0 : i32
      %dma_start3A_151 = tpu.memref_slice %arg6[%dma_start3A_150] : memref<10240xi32, #tpu.memory_space<vmem>> -> memref<10000xi32, #tpu.memory_space<vmem>>
      %dma_start3A_152 = tpu.memref_slice %arg3[%run_scoped3A, %mul3A_4] : memref<2x320000xi32, #tpu.memory_space<hbm>> -> memref<1x10000xi32, #tpu.memory_space<hbm>>
      %dma_start3A_153 = tpu.memref_squeeze %dma_start3A_152 : memref<1x10000xi32, #tpu.memory_space<hbm>> -> memref<10000xi32, #tpu.memory_space<hbm>>
      tpu.enqueue_dma source(%dma_start3A_153 : memref<10000xi32, #tpu.memory_space<hbm>>) target(%dma_start3A_151 : memref<10000xi32, #tpu.memory_space<vmem>>) target_semaphore(%run_scoped3A_145 : memref<!tpu.dma_semaphore, #tpu.memory_space<semaphore_mem>>)
      %dma_wait3A_154 = arith.constant 0 : i32
      %dma_wait3A_155 = tpu.memref_slice %arg6[%dma_wait3A_154] : memref<10240xi32, #tpu.memory_space<vmem>> -> memref<10000xi32, #tpu.memory_space<vmem>>
      %dma_wait3A_156 = tpu.memref_slice %arg3[%run_scoped3A, %mul3A_4] : memref<2x320000xi32, #tpu.memory_space<hbm>> -> memref<1x10000xi32, #tpu.memory_space<hbm>>
      %dma_wait3A_157 = tpu.memref_squeeze %dma_wait3A_156 : memref<1x10000xi32, #tpu.memory_space<hbm>> -> memref<10000xi32, #tpu.memory_space<hbm>>
      %dma_wait3A_158 = arith.constant 0 : i32
      %dma_wait3A_159 = tpu.memref_slice %arg6[%dma_wait3A_158] : memref<10240xi32, #tpu.memory_space<vmem>> -> memref<10000xi32, #tpu.memory_space<vmem>>
      %dma_wait3A_160 = tpu.memref_slice %arg3[%run_scoped3A, %mul3A_4] : memref<2x320000xi32, #tpu.memory_space<hbm>> -> memref<1x10000xi32, #tpu.memory_space<hbm>>
      %dma_wait3A_161 = tpu.memref_squeeze %dma_wait3A_160 : memref<1x10000xi32, #tpu.memory_space<hbm>> -> memref<10000xi32, #tpu.memory_space<hbm>>
      tpu.wait_dma2 semaphore(%run_scoped3A_145 : memref<!tpu.dma_semaphore, #tpu.memory_space<semaphore_mem>>) src(%dma_wait3A_161 : memref<10000xi32, #tpu.memory_space<hbm>>) dst(%dma_wait3A_159 : memref<10000xi32, #tpu.memory_space<vmem>>)
      tpu.yield
    }) : () -> ()
    %broadcast_in_dim3A = arith.constant 10000 : i32
    %broadcast_in_dim3A_5 = vector.broadcast %broadcast_in_dim3A : i32 to vector<16xi32>
    %swap3A = arith.constant 10000 : index
    %swap3A_6 = tpu.vector_load %arg6[%swap3A] {strides = array<i32>} : memref<10240xi32, #tpu.memory_space<vmem>>, vector<16xi32>,
    %swap3A_7 = vector.shape_cast %swap3A_6 : vector<16xi32> to vector<16xi32>
    %swap3A_8 = vector.shape_cast %broadcast_in_dim3A_5 : vector<16xi32> to vector<16xi32>
    tpu.vector_store %arg6[%swap3A], %swap3A_8 {strides = array<i32>} : memref<10240xi32, #tpu.memory_space<vmem>>, vector<16xi32>,
    %swap3A_9 = arith.constant 10016 : index
    %swap3A_10 = tpu.vector_load %arg6[%swap3A_9] {strides = array<i32>} : memref<10240xi32, #tpu.memory_space<vmem>>, vector<16xi32>,
    %swap3A_11 = vector.shape_cast %swap3A_10 : vector<16xi32> to vector<16xi32>
    %swap3A_12 = vector.shape_cast %broadcast_in_dim3A_5 : vector<16xi32> to vector<16xi32>
    tpu.vector_store %arg6[%swap3A_9], %swap3A_12 {strides = array<i32>} : memref<10240xi32, #tpu.memory_space<vmem>>, vector<16xi32>,
    %swap3A_13 = arith.constant 10032 : index
    %swap3A_14 = tpu.vector_load %arg6[%swap3A_13] {strides = array<i32>} : memref<10240xi32, #tpu.memory_space<vmem>>, vector<16xi32>,
    %swap3A_15 = vector.shape_cast %swap3A_14 : vector<16xi32> to vector<16xi32>
    %swap3A_16 = vector.shape_cast %broadcast_in_dim3A_5 : vector<16xi32> to vector<16xi32>
    tpu.vector_store %arg6[%swap3A_13], %swap3A_16 {strides = array<i32>} : memref<10240xi32, #tpu.memory_space<vmem>>, vector<16xi32>,
    %swap3A_17 = arith.constant 10048 : index
    %swap3A_18 = tpu.vector_load %arg6[%swap3A_17] {strides = array<i32>} : memref<10240xi32, #tpu.memory_space<vmem>>, vector<16xi32>,
    %swap3A_19 = vector.shape_cast %swap3A_18 : vector<16xi32> to vector<16xi32>
    %swap3A_20 = vector.shape_cast %broadcast_in_dim3A_5 : vector<16xi32> to vector<16xi32>
    tpu.vector_store %arg6[%swap3A_17], %swap3A_20 {strides = array<i32>} : memref<10240xi32, #tpu.memory_space<vmem>>, vector<16xi32>,
    %swap3A_21 = arith.constant 10064 : index
    %swap3A_22 = tpu.vector_load %arg6[%swap3A_21] {strides = array<i32>} : memref<10240xi32, #tpu.memory_space<vmem>>, vector<16xi32>,
    %swap3A_23 = vector.shape_cast %swap3A_22 : vector<16xi32> to vector<16xi32>
    %swap3A_24 = vector.shape_cast %broadcast_in_dim3A_5 : vector<16xi32> to vector<16xi32>
    tpu.vector_store %arg6[%swap3A_21], %swap3A_24 {strides = array<i32>} : memref<10240xi32, #tpu.memory_space<vmem>>, vector<16xi32>,
    %swap3A_25 = arith.constant 10080 : index
    %swap3A_26 = tpu.vector_load %arg6[%swap3A_25] {strides = array<i32>} : memref<10240xi32, #tpu.memory_space<vmem>>, vector<16xi32>,
    %swap3A_27 = vector.shape_cast %swap3A_26 : vector<16xi32> to vector<16xi32>
    %swap3A_28 = vector.shape_cast %broadcast_in_dim3A_5 : vector<16xi32> to vector<16xi32>
    tpu.vector_store %arg6[%swap3A_25], %swap3A_28 {strides = array<i32>} : memref<10240xi32, #tpu.memory_space<vmem>>, vector<16xi32>,
    %swap3A_29 = arith.constant 10096 : index
    %swap3A_30 = tpu.vector_load %arg6[%swap3A_29] {strides = array<i32>} : memref<10240xi32, #tpu.memory_space<vmem>>, vector<16xi32>,
    %swap3A_31 = vector.shape_cast %swap3A_30 : vector<16xi32> to vector<16xi32>
    %swap3A_32 = vector.shape_cast %broadcast_in_dim3A_5 : vector<16xi32> to vector<16xi32>
    tpu.vector_store %arg6[%swap3A_29], %swap3A_32 {strides = array<i32>} : memref<10240xi32, #tpu.memory_space<vmem>>, vector<16xi32>,
    %swap3A_33 = arith.constant 10112 : index
    %swap3A_34 = tpu.vector_load %arg6[%swap3A_33] {strides = array<i32>} : memref<10240xi32, #tpu.memory_space<vmem>>, vector<16xi32>,
    %swap3A_35 = vector.shape_cast %swap3A_34 : vector<16xi32> to vector<16xi32>
    %swap3A_36 = vector.shape_cast %broadcast_in_dim3A_5 : vector<16xi32> to vector<16xi32>
    tpu.vector_store %arg6[%swap3A_33], %swap3A_36 {strides = array<i32>} : memref<10240xi32, #tpu.memory_space<vmem>>, vector<16xi32>,
    %swap3A_37 = arith.constant 10128 : index
    %swap3A_38 = tpu.vector_load %arg6[%swap3A_37] {strides = array<i32>} : memref<10240xi32, #tpu.memory_space<vmem>>, vector<16xi32>,
    %swap3A_39 = vector.shape_cast %swap3A_38 : vector<16xi32> to vector<16xi32>
    %swap3A_40 = vector.shape_cast %broadcast_in_dim3A_5 : vector<16xi32> to vector<16xi32>
    tpu.vector_store %arg6[%swap3A_37], %swap3A_40 {strides = array<i32>} : memref<10240xi32, #tpu.memory_space<vmem>>, vector<16xi32>,
    %swap3A_41 = arith.constant 10144 : index
    %swap3A_42 = tpu.vector_load %arg6[%swap3A_41] {strides = array<i32>} : memref<10240xi32, #tpu.memory_space<vmem>>, vector<16xi32>,
    %swap3A_43 = vector.shape_cast %swap3A_42 : vector<16xi32> to vector<16xi32>
    %swap3A_44 = vector.shape_cast %broadcast_in_dim3A_5 : vector<16xi32> to vector<16xi32>
    tpu.vector_store %arg6[%swap3A_41], %swap3A_44 {strides = array<i32>} : memref<10240xi32, #tpu.memory_space<vmem>>, vector<16xi32>,
    %swap3A_45 = arith.constant 10160 : index
    %swap3A_46 = tpu.vector_load %arg6[%swap3A_45] {strides = array<i32>} : memref<10240xi32, #tpu.memory_space<vmem>>, vector<16xi32>,
    %swap3A_47 = vector.shape_cast %swap3A_46 : vector<16xi32> to vector<16xi32>
    %swap3A_48 = vector.shape_cast %broadcast_in_dim3A_5 : vector<16xi32> to vector<16xi32>
    tpu.vector_store %arg6[%swap3A_45], %swap3A_48 {strides = array<i32>} : memref<10240xi32, #tpu.memory_space<vmem>>, vector<16xi32>,
    %swap3A_49 = arith.constant 10176 : index
    %swap3A_50 = tpu.vector_load %arg6[%swap3A_49] {strides = array<i32>} : memref<10240xi32, #tpu.memory_space<vmem>>, vector<16xi32>,
    %swap3A_51 = vector.shape_cast %swap3A_50 : vector<16xi32> to vector<16xi32>
    %swap3A_52 = vector.shape_cast %broadcast_in_dim3A_5 : vector<16xi32> to vector<16xi32>
    tpu.vector_store %arg6[%swap3A_49], %swap3A_52 {strides = array<i32>} : memref<10240xi32, #tpu.memory_space<vmem>>, vector<16xi32>,
    %swap3A_53 = arith.constant 10192 : index
    %swap3A_54 = tpu.vector_load %arg6[%swap3A_53] {strides = array<i32>} : memref<10240xi32, #tpu.memory_space<vmem>>, vector<16xi32>,
    %swap3A_55 = vector.shape_cast %swap3A_54 : vector<16xi32> to vector<16xi32>
    %swap3A_56 = vector.shape_cast %broadcast_in_dim3A_5 : vector<16xi32> to vector<16xi32>
    tpu.vector_store %arg6[%swap3A_53], %swap3A_56 {strides = array<i32>} : memref<10240xi32, #tpu.memory_space<vmem>>, vector<16xi32>,
    %swap3A_57 = arith.constant 10208 : index
    %swap3A_58 = tpu.vector_load %arg6[%swap3A_57] {strides = array<i32>} : memref<10240xi32, #tpu.memory_space<vmem>>, vector<16xi32>,
    %swap3A_59 = vector.shape_cast %swap3A_58 : vector<16xi32> to vector<16xi32>
    %swap3A_60 = vector.shape_cast %broadcast_in_dim3A_5 : vector<16xi32> to vector<16xi32>
    tpu.vector_store %arg6[%swap3A_57], %swap3A_60 {strides = array<i32>} : memref<10240xi32, #tpu.memory_space<vmem>>, vector<16xi32>,
    %swap3A_61 = arith.constant 10224 : index
    %swap3A_62 = tpu.vector_load %arg6[%swap3A_61] {strides = array<i32>} : memref<10240xi32, #tpu.memory_space<vmem>>, vector<16xi32>,
    %swap3A_63 = vector.shape_cast %swap3A_62 : vector<16xi32> to vector<16xi32>
    %swap3A_64 = vector.shape_cast %broadcast_in_dim3A_5 : vector<16xi32> to vector<16xi32>
    tpu.vector_store %arg6[%swap3A_61], %swap3A_64 {strides = array<i32>} : memref<10240xi32, #tpu.memory_space<vmem>>, vector<16xi32>,
    %mul3A_65 = arith.constant 10000 : i32
    %mul3A_66 = arith.muli %add3A, %mul3A_65 : i32
    %run_scoped3A_67 = arith.constant 1 : i32
    "tpu.region"() ({
      %run_scoped3A_145 = tpu.sem_alloc : memref<!tpu.dma_semaphore, #tpu.memory_space<semaphore_mem>>
      %dma_start3A_146 = arith.constant 0 : i32
      %dma_start3A_147 = tpu.memref_slice %arg7[%dma_start3A_146] : memref<10240xi32, #tpu.memory_space<vmem>> -> memref<10000xi32, #tpu.memory_space<vmem>>
      %dma_start3A_148 = tpu.memref_slice %arg3[%run_scoped3A_67, %mul3A_66] : memref<2x320000xi32, #tpu.memory_space<hbm>> -> memref<1x10000xi32, #tpu.memory_space<hbm>>
      %dma_start3A_149 = tpu.memref_squeeze %dma_start3A_148 : memref<1x10000xi32, #tpu.memory_space<hbm>> -> memref<10000xi32, #tpu.memory_space<hbm>>
      %dma_start3A_150 = arith.constant 0 : i32
      %dma_start3A_151 = tpu.memref_slice %arg7[%dma_start3A_150] : memref<10240xi32, #tpu.memory_space<vmem>> -> memref<10000xi32, #tpu.memory_space<vmem>>
      %dma_start3A_152 = tpu.memref_slice %arg3[%run_scoped3A_67, %mul3A_66] : memref<2x320000xi32, #tpu.memory_space<hbm>> -> memref<1x10000xi32, #tpu.memory_space<hbm>>
      %dma_start3A_153 = tpu.memref_squeeze %dma_start3A_152 : memref<1x10000xi32, #tpu.memory_space<hbm>> -> memref<10000xi32, #tpu.memory_space<hbm>>
      tpu.enqueue_dma source(%dma_start3A_153 : memref<10000xi32, #tpu.memory_space<hbm>>) target(%dma_start3A_151 : memref<10000xi32, #tpu.memory_space<vmem>>) target_semaphore(%run_scoped3A_145 : memref<!tpu.dma_semaphore, #tpu.memory_space<semaphore_mem>>)
      %dma_wait3A_154 = arith.constant 0 : i32
      %dma_wait3A_155 = tpu.memref_slice %arg7[%dma_wait3A_154] : memref<10240xi32, #tpu.memory_space<vmem>> -> memref<10000xi32, #tpu.memory_space<vmem>>
      %dma_wait3A_156 = tpu.memref_slice %arg3[%run_scoped3A_67, %mul3A_66] : memref<2x320000xi32, #tpu.memory_space<hbm>> -> memref<1x10000xi32, #tpu.memory_space<hbm>>
      %dma_wait3A_157 = tpu.memref_squeeze %dma_wait3A_156 : memref<1x10000xi32, #tpu.memory_space<hbm>> -> memref<10000xi32, #tpu.memory_space<hbm>>
      %dma_wait3A_158 = arith.constant 0 : i32
      %dma_wait3A_159 = tpu.memref_slice %arg7[%dma_wait3A_158] : memref<10240xi32, #tpu.memory_space<vmem>> -> memref<10000xi32, #tpu.memory_space<vmem>>
      %dma_wait3A_160 = tpu.memref_slice %arg3[%run_scoped3A_67, %mul3A_66] : memref<2x320000xi32, #tpu.memory_space<hbm>> -> memref<1x10000xi32, #tpu.memory_space<hbm>>
      %dma_wait3A_161 = tpu.memref_squeeze %dma_wait3A_160 : memref<1x10000xi32, #tpu.memory_space<hbm>> -> memref<10000xi32, #tpu.memory_space<hbm>>
      tpu.wait_dma2 semaphore(%run_scoped3A_145 : memref<!tpu.dma_semaphore, #tpu.memory_space<semaphore_mem>>) src(%dma_wait3A_161 : memref<10000xi32, #tpu.memory_space<hbm>>) dst(%dma_wait3A_159 : memref<10000xi32, #tpu.memory_space<vmem>>)
      tpu.yield
    }) : () -> ()
    %broadcast_in_dim3A_68 = arith.constant 10000 : i32
    %broadcast_in_dim3A_69 = vector.broadcast %broadcast_in_dim3A_68 : i32 to vector<16xi32>
    %swap3A_70 = arith.constant 10000 : index
    %swap3A_71 = tpu.vector_load %arg7[%swap3A_70] {strides = array<i32>} : memref<10240xi32, #tpu.memory_space<vmem>>, vector<16xi32>,
    %swap3A_72 = vector.shape_cast %swap3A_71 : vector<16xi32> to vector<16xi32>
    %swap3A_73 = vector.shape_cast %broadcast_in_dim3A_69 : vector<16xi32> to vector<16xi32>
    tpu.vector_store %arg7[%swap3A_70], %swap3A_73 {strides = array<i32>} : memref<10240xi32, #tpu.memory_space<vmem>>, vector<16xi32>,
    %swap3A_74 = arith.constant 10016 : index
    %swap3A_75 = tpu.vector_load %arg7[%swap3A_74] {strides = array<i32>} : memref<10240xi32, #tpu.memory_space<vmem>>, vector<16xi32>,
    %swap3A_76 = vector.shape_cast %swap3A_75 : vector<16xi32> to vector<16xi32>
    %swap3A_77 = vector.shape_cast %broadcast_in_dim3A_69 : vector<16xi32> to vector<16xi32>
    tpu.vector_store %arg7[%swap3A_74], %swap3A_77 {strides = array<i32>} : memref<10240xi32, #tpu.memory_space<vmem>>, vector<16xi32>,
    %swap3A_78 = arith.constant 10032 : index
    %swap3A_79 = tpu.vector_load %arg7[%swap3A_78] {strides = array<i32>} : memref<10240xi32, #tpu.memory_space<vmem>>, vector<16xi32>,
    %swap3A_80 = vector.shape_cast %swap3A_79 : vector<16xi32> to vector<16xi32>
    %swap3A_81 = vector.shape_cast %broadcast_in_dim3A_69 : vector<16xi32> to vector<16xi32>
    tpu.vector_store %arg7[%swap3A_78], %swap3A_81 {strides = array<i32>} : memref<10240xi32, #tpu.memory_space<vmem>>, vector<16xi32>,
    %swap3A_82 = arith.constant 10048 : index
    %swap3A_83 = tpu.vector_load %arg7[%swap3A_82] {strides = array<i32>} : memref<10240xi32, #tpu.memory_space<vmem>>, vector<16xi32>,
    %swap3A_84 = vector.shape_cast %swap3A_83 : vector<16xi32> to vector<16xi32>
    %swap3A_85 = vector.shape_cast %broadcast_in_dim3A_69 : vector<16xi32> to vector<16xi32>
    tpu.vector_store %arg7[%swap3A_82], %swap3A_85 {strides = array<i32>} : memref<10240xi32, #tpu.memory_space<vmem>>, vector<16xi32>,
    %swap3A_86 = arith.constant 10064 : index
    %swap3A_87 = tpu.vector_load %arg7[%swap3A_86] {strides = array<i32>} : memref<10240xi32, #tpu.memory_space<vmem>>, vector<16xi32>,
    %swap3A_88 = vector.shape_cast %swap3A_87 : vector<16xi32> to vector<16xi32>
    %swap3A_89 = vector.shape_cast %broadcast_in_dim3A_69 : vector<16xi32> to vector<16xi32>
    tpu.vector_store %arg7[%swap3A_86], %swap3A_89 {strides = array<i32>} : memref<10240xi32, #tpu.memory_space<vmem>>, vector<16xi32>,
    %swap3A_90 = arith.constant 10080 : index
    %swap3A_91 = tpu.vector_load %arg7[%swap3A_90] {strides = array<i32>} : memref<10240xi32, #tpu.memory_space<vmem>>, vector<16xi32>,
    %swap3A_92 = vector.shape_cast %swap3A_91 : vector<16xi32> to vector<16xi32>
    %swap3A_93 = vector.shape_cast %broadcast_in_dim3A_69 : vector<16xi32> to vector<16xi32>
    tpu.vector_store %arg7[%swap3A_90], %swap3A_93 {strides = array<i32>} : memref<10240xi32, #tpu.memory_space<vmem>>, vector<16xi32>,
    %swap3A_94 = arith.constant 10096 : index
    %swap3A_95 = tpu.vector_load %arg7[%swap3A_94] {strides = array<i32>} : memref<10240xi32, #tpu.memory_space<vmem>>, vector<16xi32>,
    %swap3A_96 = vector.shape_cast %swap3A_95 : vector<16xi32> to vector<16xi32>
    %swap3A_97 = vector.shape_cast %broadcast_in_dim3A_69 : vector<16xi32> to vector<16xi32>
    tpu.vector_store %arg7[%swap3A_94], %swap3A_97 {strides = array<i32>} : memref<10240xi32, #tpu.memory_space<vmem>>, vector<16xi32>,
    %swap3A_98 = arith.constant 10112 : index
    %swap3A_99 = tpu.vector_load %arg7[%swap3A_98] {strides = array<i32>} : memref<10240xi32, #tpu.memory_space<vmem>>, vector<16xi32>,
    %swap3A_100 = vector.shape_cast %swap3A_99 : vector<16xi32> to vector<16xi32>
    %swap3A_101 = vector.shape_cast %broadcast_in_dim3A_69 : vector<16xi32> to vector<16xi32>
    tpu.vector_store %arg7[%swap3A_98], %swap3A_101 {strides = array<i32>} : memref<10240xi32, #tpu.memory_space<vmem>>, vector<16xi32>,
    %swap3A_102 = arith.constant 10128 : index
    %swap3A_103 = tpu.vector_load %arg7[%swap3A_102] {strides = array<i32>} : memref<10240xi32, #tpu.memory_space<vmem>>, vector<16xi32>,
    %swap3A_104 = vector.shape_cast %swap3A_103 : vector<16xi32> to vector<16xi32>
    %swap3A_105 = vector.shape_cast %broadcast_in_dim3A_69 : vector<16xi32> to vector<16xi32>
    tpu.vector_store %arg7[%swap3A_102], %swap3A_105 {strides = array<i32>} : memref<10240xi32, #tpu.memory_space<vmem>>, vector<16xi32>,
    %swap3A_106 = arith.constant 10144 : index
    %swap3A_107 = tpu.vector_load %arg7[%swap3A_106] {strides = array<i32>} : memref<10240xi32, #tpu.memory_space<vmem>>, vector<16xi32>,
    %swap3A_108 = vector.shape_cast %swap3A_107 : vector<16xi32> to vector<16xi32>
    %swap3A_109 = vector.shape_cast %broadcast_in_dim3A_69 : vector<16xi32> to vector<16xi32>
    tpu.vector_store %arg7[%swap3A_106], %swap3A_109 {strides = array<i32>} : memref<10240xi32, #tpu.memory_space<vmem>>, vector<16xi32>,
    %swap3A_110 = arith.constant 10160 : index
    %swap3A_111 = tpu.vector_load %arg7[%swap3A_110] {strides = array<i32>} : memref<10240xi32, #tpu.memory_space<vmem>>, vector<16xi32>,
    %swap3A_112 = vector.shape_cast %swap3A_111 : vector<16xi32> to vector<16xi32>
    %swap3A_113 = vector.shape_cast %broadcast_in_dim3A_69 : vector<16xi32> to vector<16xi32>
    tpu.vector_store %arg7[%swap3A_110], %swap3A_113 {strides = array<i32>} : memref<10240xi32, #tpu.memory_space<vmem>>, vector<16xi32>,
    %swap3A_114 = arith.constant 10176 : index
    %swap3A_115 = tpu.vector_load %arg7[%swap3A_114] {strides = array<i32>} : memref<10240xi32, #tpu.memory_space<vmem>>, vector<16xi32>,
    %swap3A_116 = vector.shape_cast %swap3A_115 : vector<16xi32> to vector<16xi32>
    %swap3A_117 = vector.shape_cast %broadcast_in_dim3A_69 : vector<16xi32> to vector<16xi32>
    tpu.vector_store %arg7[%swap3A_114], %swap3A_117 {strides = array<i32>} : memref<10240xi32, #tpu.memory_space<vmem>>, vector<16xi32>,
    %swap3A_118 = arith.constant 10192 : index
    %swap3A_119 = tpu.vector_load %arg7[%swap3A_118] {strides = array<i32>} : memref<10240xi32, #tpu.memory_space<vmem>>, vector<16xi32>,
    %swap3A_120 = vector.shape_cast %swap3A_119 : vector<16xi32> to vector<16xi32>
    %swap3A_121 = vector.shape_cast %broadcast_in_dim3A_69 : vector<16xi32> to vector<16xi32>
    tpu.vector_store %arg7[%swap3A_118], %swap3A_121 {strides = array<i32>} : memref<10240xi32, #tpu.memory_space<vmem>>, vector<16xi32>,
    %swap3A_122 = arith.constant 10208 : index
    %swap3A_123 = tpu.vector_load %arg7[%swap3A_122] {strides = array<i32>} : memref<10240xi32, #tpu.memory_space<vmem>>, vector<16xi32>,
    %swap3A_124 = vector.shape_cast %swap3A_123 : vector<16xi32> to vector<16xi32>
    %swap3A_125 = vector.shape_cast %broadcast_in_dim3A_69 : vector<16xi32> to vector<16xi32>
    tpu.vector_store %arg7[%swap3A_122], %swap3A_125 {strides = array<i32>} : memref<10240xi32, #tpu.memory_space<vmem>>, vector<16xi32>,
    %swap3A_126 = arith.constant 10224 : index
    %swap3A_127 = tpu.vector_load %arg7[%swap3A_126] {strides = array<i32>} : memref<10240xi32, #tpu.memory_space<vmem>>, vector<16xi32>,
    %swap3A_128 = vector.shape_cast %swap3A_127 : vector<16xi32> to vector<16xi32>
    %swap3A_129 = vector.shape_cast %broadcast_in_dim3A_69 : vector<16xi32> to vector<16xi32>
    tpu.vector_store %arg7[%swap3A_126], %swap3A_129 {strides = array<i32>} : memref<10240xi32, #tpu.memory_space<vmem>>, vector<16xi32>,
    "tpu.region"() ({
      %run_scoped3A_145 = tpu.sem_alloc : memref<!tpu.dma_semaphore, #tpu.memory_space<semaphore_mem>>
      tpu.enqueue_dma source(%arg4 : memref<640x16xf32, #tpu.memory_space<hbm>>) target(%arg10 : memref<640x16xf32, #tpu.memory_space<vmem>>) target_semaphore(%run_scoped3A_145 : memref<!tpu.dma_semaphore, #tpu.memory_space<semaphore_mem>>)
      tpu.wait_dma2 semaphore(%run_scoped3A_145 : memref<!tpu.dma_semaphore, #tpu.memory_space<semaphore_mem>>) src(%arg4 : memref<640x16xf32, #tpu.memory_space<hbm>>) dst(%arg10 : memref<640x16xf32, #tpu.memory_space<vmem>>)
      tpu.yield
    }) : () -> ()
    "tpu.region"() ({
      %run_scoped3A_145 = tpu.sem_alloc : memref<!tpu.dma_semaphore, #tpu.memory_space<semaphore_mem>>
      %dma_start3A_146 = arith.constant 0 : i32
      %dma_start3A_147 = tpu.memref_slice %arg12[%mul3A_2, %dma_start3A_146] : memref<10240x16xf32, #tpu.memory_space<vmem_shared>> -> memref<640x16xf32, #tpu.memory_space<vmem_shared>>
      %dma_start3A_148 = arith.constant 0 : i32
      %dma_start3A_149 = tpu.memref_slice %arg12[%mul3A_2, %dma_start3A_148] : memref<10240x16xf32, #tpu.memory_space<vmem_shared>> -> memref<640x16xf32, #tpu.memory_space<vmem_shared>>
      tpu.enqueue_dma source(%arg10 : memref<640x16xf32, #tpu.memory_space<vmem>>) target(%dma_start3A_149 : memref<640x16xf32, #tpu.memory_space<vmem_shared>>) target_semaphore(%run_scoped3A_145 : memref<!tpu.dma_semaphore, #tpu.memory_space<semaphore_mem>>)
      %dma_wait3A_150 = arith.constant 0 : i32
      %dma_wait3A_151 = tpu.memref_slice %arg12[%mul3A_2, %dma_wait3A_150] : memref<10240x16xf32, #tpu.memory_space<vmem_shared>> -> memref<640x16xf32, #tpu.memory_space<vmem_shared>>
      %dma_wait3A_152 = arith.constant 0 : i32
      %dma_wait3A_153 = tpu.memref_slice %arg12[%mul3A_2, %dma_wait3A_152] : memref<10240x16xf32, #tpu.memory_space<vmem_shared>> -> memref<640x16xf32, #tpu.memory_space<vmem_shared>>
      tpu.wait_dma2 semaphore(%run_scoped3A_145 : memref<!tpu.dma_semaphore, #tpu.memory_space<semaphore_mem>>) src(%arg10 : memref<640x16xf32, #tpu.memory_space<vmem>>) dst(%dma_wait3A_153 : memref<640x16xf32, #tpu.memory_space<vmem_shared>>)
      tpu.yield
    }) : () -> ()
    "tpu.region"() ({
      %run_scoped3A_145 = tpu.sem_alloc : memref<!tpu.dma_semaphore, #tpu.memory_space<semaphore_mem>>
      %dma_start3A_146 = arith.constant 0 : i32
      %dma_start3A_147 = tpu.memref_slice %arg11[%mul3A_2, %dma_start3A_146] : memref<10240x16xf32, #tpu.memory_space<vmem_shared>> -> memref<640x16xf32, #tpu.memory_space<vmem_shared>>
      %dma_start3A_148 = arith.constant 0 : i32
      %dma_start3A_149 = tpu.memref_slice %arg2[%mul3A_2, %dma_start3A_148] : memref<10240x16xf32, #tpu.memory_space<hbm>> -> memref<640x16xf32, #tpu.memory_space<hbm>>
      tpu.enqueue_dma source(%dma_start3A_149 : memref<640x16xf32, #tpu.memory_space<hbm>>) target(%dma_start3A_147 : memref<640x16xf32, #tpu.memory_space<vmem_shared>>) target_semaphore(%run_scoped3A_145 : memref<!tpu.dma_semaphore, #tpu.memory_space<semaphore_mem>>)
      %dma_wait3A_150 = arith.constant 0 : i32
      %dma_wait3A_151 = tpu.memref_slice %arg11[%mul3A_2, %dma_wait3A_150] : memref<10240x16xf32, #tpu.memory_space<vmem_shared>> -> memref<640x16xf32, #tpu.memory_space<vmem_shared>>
      %dma_wait3A_152 = arith.constant 0 : i32
      %dma_wait3A_153 = tpu.memref_slice %arg2[%mul3A_2, %dma_wait3A_152] : memref<10240x16xf32, #tpu.memory_space<hbm>> -> memref<640x16xf32, #tpu.memory_space<hbm>>
      tpu.wait_dma2 semaphore(%run_scoped3A_145 : memref<!tpu.dma_semaphore, #tpu.memory_space<semaphore_mem>>) src(%dma_wait3A_153 : memref<640x16xf32, #tpu.memory_space<hbm>>) dst(%dma_wait3A_151 : memref<640x16xf32, #tpu.memory_space<vmem_shared>>)
      tpu.yield
    }) : () -> ()
    %barrier3A = arith.constant 0 : index
    tpu.barrier barrier_id(%barrier3A)
    %dma_start3A = arith.constant 0 : i32
    %dma_start3A_130 = tpu.memref_slice %arg6[%dma_start3A] : memref<10240xi32, #tpu.memory_space<vmem>> -> memref<512xi32, #tpu.memory_space<vmem>>
    %dma_start3A_131 = arith.constant 0 : i32
    %dma_start3A_132 = arith.constant 0 : i32
    %dma_start3A_133 = tpu.memref_slice %arg11[%dma_start3A_131, %dma_start3A_132] : memref<10240x16xf32, #tpu.memory_space<vmem_shared>> -> memref<10240x16xf32, #tpu.memory_space<vmem_shared>>
    tpu.enqueue_indirect_dma source(%dma_start3A_133 : memref<10240x16xf32, #tpu.memory_space<vmem_shared>>) target(%arg8 : memref<512x16xf32, #tpu.memory_space<vmem>>) offsets(%dma_start3A_130 : memref<512xi32, #tpu.memory_space<vmem>>) semaphore(%arg13 : memref<!tpu.dma_semaphore, #tpu.memory_space<semaphore_mem>>)
    %scan3A = arith.constant 0 : i32
    %scan3A_134 = arith.constant 0 : i32
    %scan3A_135 = arith.constant 10 : i32
    %scan3A_136 = arith.addi %scan3A_134, %scan3A_135 : i32
    %scan3A_137 = arith.constant 1 : i32
    scf.for %scan3A_145 = %scan3A_134 to %scan3A_136 step %scan3A_137  : i32 {
      %mul3A_146 = arith.constant 2 : i32
      %mul3A_147 = arith.muli %mul3A_146, %scan3A_145 : i32
      %add3A_148 = arith.constant 1 : i32
      %add3A_149 = arith.addi %mul3A_147, %add3A_148 : i32
      %dma_wait3A_150 = arith.constant 0 : i32
      %dma_wait3A_151 = arith.constant 0 : i32
      %dma_wait3A_152 = tpu.memref_slice %arg11[%dma_wait3A_150, %dma_wait3A_151] : memref<10240x16xf32, #tpu.memory_space<vmem_shared>> -> memref<512x16xf32, #tpu.memory_space<vmem_shared>>
      %dma_wait3A_153 = arith.constant 0 : i32
      %dma_wait3A_154 = arith.constant 0 : i32
      %dma_wait3A_155 = tpu.memref_slice %arg11[%dma_wait3A_153, %dma_wait3A_154] : memref<10240x16xf32, #tpu.memory_space<vmem_shared>> -> memref<512x16xf32, #tpu.memory_space<vmem_shared>>
      tpu.wait_dma2 semaphore(%arg13 : memref<!tpu.dma_semaphore, #tpu.memory_space<semaphore_mem>>) src(%dma_wait3A_155 : memref<512x16xf32, #tpu.memory_space<vmem_shared>>) dst(%arg8 : memref<512x16xf32, #tpu.memory_space<vmem>>)
      %mul3A_156 = arith.constant 512 : i32
      %mul3A_157 = arith.muli %add3A_149, %mul3A_156 : i32
      %dma_start3A_158 = tpu.memref_slice %arg6[%mul3A_157] : memref<10240xi32, #tpu.memory_space<vmem>> -> memref<512xi32, #tpu.memory_space<vmem>>
      %dma_start3A_159 = arith.constant 0 : i32
      %dma_start3A_160 = arith.constant 0 : i32
      %dma_start3A_161 = tpu.memref_slice %arg11[%dma_start3A_159, %dma_start3A_160] : memref<10240x16xf32, #tpu.memory_space<vmem_shared>> -> memref<10240x16xf32, #tpu.memory_space<vmem_shared>>
      tpu.enqueue_indirect_dma source(%dma_start3A_161 : memref<10240x16xf32, #tpu.memory_space<vmem_shared>>) target(%arg9 : memref<512x16xf32, #tpu.memory_space<vmem>>) offsets(%dma_start3A_158 : memref<512xi32, #tpu.memory_space<vmem>>) semaphore(%arg14 : memref<!tpu.dma_semaphore, #tpu.memory_space<semaphore_mem>>)
      %mul3A_162 = arith.constant 512 : i32
      %mul3A_163 = arith.muli %mul3A_147, %mul3A_162 : i32
      "tpu.region"() ({
        %run_scoped3A_181 = tpu.sem_alloc : memref<!tpu.dma_semaphore, #tpu.memory_space<semaphore_mem>>
        %dma_start3A_182 = tpu.memref_slice %arg7[%mul3A_163] : memref<10240xi32, #tpu.memory_space<vmem>> -> memref<512xi32, #tpu.memory_space<vmem>>
        %dma_start3A_183 = arith.constant 0 : i32
        %dma_start3A_184 = arith.constant 0 : i32
        %dma_start3A_185 = tpu.memref_slice %arg12[%dma_start3A_183, %dma_start3A_184] : memref<10240x16xf32, #tpu.memory_space<vmem_shared>> -> memref<10240x16xf32, #tpu.memory_space<vmem_shared>>
        tpu.enqueue_indirect_dma source(%arg8 : memref<512x16xf32, #tpu.memory_space<vmem>>) target(%dma_start3A_185 : memref<10240x16xf32, #tpu.memory_space<vmem_shared>>) offsets(%dma_start3A_182 : memref<512xi32, #tpu.memory_space<vmem>>) semaphore(%run_scoped3A_181 : memref<!tpu.dma_semaphore, #tpu.memory_space<semaphore_mem>>) {add = true}
        %dma_wait3A_186 = tpu.memref_slice %arg7[%mul3A_163] : memref<10240xi32, #tpu.memory_space<vmem>> -> memref<512xi32, #tpu.memory_space<vmem>>
        %dma_wait3A_187 = arith.constant 0 : i32
        %dma_wait3A_188 = arith.constant 0 : i32
        %dma_wait3A_189 = tpu.memref_slice %arg12[%dma_wait3A_187, %dma_wait3A_188] : memref<10240x16xf32, #tpu.memory_space<vmem_shared>> -> memref<10240x16xf32, #tpu.memory_space<vmem_shared>>
        tpu.wait_indirect_dma semaphore(%run_scoped3A_181 : memref<!tpu.dma_semaphore, #tpu.memory_space<semaphore_mem>>) src(%arg8 : memref<512x16xf32, #tpu.memory_space<vmem>>) dst(%dma_wait3A_189 : memref<10240x16xf32, #tpu.memory_space<vmem_shared>>)
        tpu.yield
      }) : () -> ()
      %add3A_164 = arith.constant 2 : i32
      %add3A_165 = arith.addi %mul3A_147, %add3A_164 : i32
      %min3A = arith.constant 18 : i32
      %min3A_166 = arith.minsi %add3A_165, %min3A : i32
      %mul3A_167 = arith.constant 512 : i32
      %mul3A_168 = arith.muli %min3A_166, %mul3A_167 : i32
      %dma_start3A_169 = tpu.memref_slice %arg6[%mul3A_168] : memref<10240xi32, #tpu.memory_space<vmem>> -> memref<512xi32, #tpu.memory_space<vmem>>
      %dma_start3A_170 = arith.constant 0 : i32
      %dma_start3A_171 = arith.constant 0 : i32
      %dma_start3A_172 = tpu.memref_slice %arg11[%dma_start3A_170, %dma_start3A_171] : memref<10240x16xf32, #tpu.memory_space<vmem_shared>> -> memref<10240x16xf32, #tpu.memory_space<vmem_shared>>
      tpu.enqueue_indirect_dma source(%dma_start3A_172 : memref<10240x16xf32, #tpu.memory_space<vmem_shared>>) target(%arg8 : memref<512x16xf32, #tpu.memory_space<vmem>>) offsets(%dma_start3A_169 : memref<512xi32, #tpu.memory_space<vmem>>) semaphore(%arg13 : memref<!tpu.dma_semaphore, #tpu.memory_space<semaphore_mem>>)
      %dma_wait3A_173 = arith.constant 0 : i32
      %dma_wait3A_174 = arith.constant 0 : i32
      %dma_wait3A_175 = tpu.memref_slice %arg11[%dma_wait3A_173, %dma_wait3A_174] : memref<10240x16xf32, #tpu.memory_space<vmem_shared>> -> memref<512x16xf32, #tpu.memory_space<vmem_shared>>
      %dma_wait3A_176 = arith.constant 0 : i32
      %dma_wait3A_177 = arith.constant 0 : i32
      %dma_wait3A_178 = tpu.memref_slice %arg11[%dma_wait3A_176, %dma_wait3A_177] : memref<10240x16xf32, #tpu.memory_space<vmem_shared>> -> memref<512x16xf32, #tpu.memory_space<vmem_shared>>
      tpu.wait_dma2 semaphore(%arg14 : memref<!tpu.dma_semaphore, #tpu.memory_space<semaphore_mem>>) src(%dma_wait3A_178 : memref<512x16xf32, #tpu.memory_space<vmem_shared>>) dst(%arg9 : memref<512x16xf32, #tpu.memory_space<vmem>>)
      %mul3A_179 = arith.constant 512 : i32
      %mul3A_180 = arith.muli %add3A_149, %mul3A_179 : i32
      "tpu.region"() ({
        %run_scoped3A_181 = tpu.sem_alloc : memref<!tpu.dma_semaphore, #tpu.memory_space<semaphore_mem>>
        %dma_start3A_182 = tpu.memref_slice %arg7[%mul3A_180] : memref<10240xi32, #tpu.memory_space<vmem>> -> memref<512xi32, #tpu.memory_space<vmem>>
        %dma_start3A_183 = arith.constant 0 : i32
        %dma_start3A_184 = arith.constant 0 : i32
        %dma_start3A_185 = tpu.memref_slice %arg12[%dma_start3A_183, %dma_start3A_184] : memref<10240x16xf32, #tpu.memory_space<vmem_shared>> -> memref<10240x16xf32, #tpu.memory_space<vmem_shared>>
        tpu.enqueue_indirect_dma source(%arg9 : memref<512x16xf32, #tpu.memory_space<vmem>>) target(%dma_start3A_185 : memref<10240x16xf32, #tpu.memory_space<vmem_shared>>) offsets(%dma_start3A_182 : memref<512xi32, #tpu.memory_space<vmem>>) semaphore(%run_scoped3A_181 : memref<!tpu.dma_semaphore, #tpu.memory_space<semaphore_mem>>) {add = true}
        %dma_wait3A_186 = tpu.memref_slice %arg7[%mul3A_180] : memref<10240xi32, #tpu.memory_space<vmem>> -> memref<512xi32, #tpu.memory_space<vmem>>
        %dma_wait3A_187 = arith.constant 0 : i32
        %dma_wait3A_188 = arith.constant 0 : i32
        %dma_wait3A_189 = tpu.memref_slice %arg12[%dma_wait3A_187, %dma_wait3A_188] : memref<10240x16xf32, #tpu.memory_space<vmem_shared>> -> memref<10240x16xf32, #tpu.memory_space<vmem_shared>>
        tpu.wait_indirect_dma semaphore(%run_scoped3A_181 : memref<!tpu.dma_semaphore, #tpu.memory_space<semaphore_mem>>) src(%arg9 : memref<512x16xf32, #tpu.memory_space<vmem>>) dst(%dma_wait3A_189 : memref<10240x16xf32, #tpu.memory_space<vmem_shared>>)
        tpu.yield
      }) : () -> ()
    }
    %scan3A_138 = arith.constant 10 : i32
    %dma_wait3A = arith.constant 0 : i32
    %dma_wait3A_139 = arith.constant 0 : i32
    %dma_wait3A_140 = tpu.memref_slice %arg11[%dma_wait3A, %dma_wait3A_139] : memref<10240x16xf32, #tpu.memory_space<vmem_shared>> -> memref<512x16xf32, #tpu.memory_space<vmem_shared>>
    %dma_wait3A_141 = arith.constant 0 : i32
    %dma_wait3A_142 = arith.constant 0 : i32
    %dma_wait3A_143 = tpu.memref_slice %arg11[%dma_wait3A_141, %dma_wait3A_142] : memref<10240x16xf32, #tpu.memory_space<vmem_shared>> -> memref<512x16xf32, #tpu.memory_space<vmem_shared>>
    tpu.wait_dma2 semaphore(%arg13 : memref<!tpu.dma_semaphore, #tpu.memory_space<semaphore_mem>>) src(%dma_wait3A_143 : memref<512x16xf32, #tpu.memory_space<vmem_shared>>) dst(%arg8 : memref<512x16xf32, #tpu.memory_space<vmem>>)
    %barrier3A_144 = arith.constant 0 : index
    tpu.barrier barrier_id(%barrier3A_144)
    "tpu.region"() ({
      %run_scoped3A_145 = tpu.sem_alloc : memref<!tpu.dma_semaphore, #tpu.memory_space<semaphore_mem>>
      %dma_start3A_146 = arith.constant 0 : i32
      %dma_start3A_147 = tpu.memref_slice %arg5[%arg0, %mul3A_2, %dma_start3A_146] : memref<2x10240x16xf32, #tpu.memory_space<hbm>> -> memref<1x640x16xf32, #tpu.memory_space<hbm>>
      %dma_start3A_148 = tpu.memref_squeeze %dma_start3A_147 : memref<1x640x16xf32, #tpu.memory_space<hbm>> -> memref<640x16xf32, #tpu.memory_space<hbm>>
      %dma_start3A_149 = arith.constant 0 : i32
      %dma_start3A_150 = tpu.memref_slice %arg12[%mul3A_2, %dma_start3A_149] : memref<10240x16xf32, #tpu.memory_space<vmem_shared>> -> memref<640x16xf32, #tpu.memory_space<vmem_shared>>
      tpu.enqueue_dma source(%dma_start3A_150 : memref<640x16xf32, #tpu.memory_space<vmem_shared>>) target(%dma_start3A_148 : memref<640x16xf32, #tpu.memory_space<hbm>>) target_semaphore(%run_scoped3A_145 : memref<!tpu.dma_semaphore, #tpu.memory_space<semaphore_mem>>)
      %dma_wait3A_151 = arith.constant 0 : i32
      %dma_wait3A_152 = tpu.memref_slice %arg5[%arg0, %mul3A_2, %dma_wait3A_151] : memref<2x10240x16xf32, #tpu.memory_space<hbm>> -> memref<1x640x16xf32, #tpu.memory_space<hbm>>
      %dma_wait3A_153 = tpu.memref_squeeze %dma_wait3A_152 : memref<1x640x16xf32, #tpu.memory_space<hbm>> -> memref<640x16xf32, #tpu.memory_space<hbm>>
      %dma_wait3A_154 = arith.constant 0 : i32
      %dma_wait3A_155 = tpu.memref_slice %arg12[%mul3A_2, %dma_wait3A_154] : memref<10240x16xf32, #tpu.memory_space<vmem_shared>> -> memref<640x16xf32, #tpu.memory_space<vmem_shared>>
      tpu.wait_dma2 semaphore(%run_scoped3A_145 : memref<!tpu.dma_semaphore, #tpu.memory_space<semaphore_mem>>) src(%dma_wait3A_155 : memref<640x16xf32, #tpu.memory_space<vmem_shared>>) dst(%dma_wait3A_153 : memref<640x16xf32, #tpu.memory_space<hbm>>)
      tpu.yield
    }) : () -> ()
    return
  }
}

#map = affine_map<(d0, d1) -> (0, 0)>
#map1 = affine_map<(d0, d1) -> (0, 0, 0)>
module attributes {stable_mosaic.version = 14 : i64} {
  func.func @deg_kernel(%arg0: i32, %arg1: i32, %arg2: memref<2x320000xi32, #tpu.memory_space<hbm>>, %arg3: memref<512x16xf32, #tpu.memory_space<hbm>>, %arg4: memref<640x16xf32, #tpu.memory_space<hbm>>, %arg5: memref<2x10240x16xf32, #tpu.memory_space<hbm>>, %arg6: memref<10240xi32, #tpu.memory_space<vmem>>, %arg7: memref<512x16xf32, #tpu.memory_space<vmem>>, %arg8: memref<640x16xf32, #tpu.memory_space<vmem>>, %arg9: memref<10240x16xf32, #tpu.memory_space<vmem_shared>>, %arg10: memref<!tpu.dma_semaphore, #tpu.memory_space<semaphore_mem>>) attributes {dimension_semantics = [#tpu.dimension_semantics<core_parallel>, #tpu.dimension_semantics<subcore_parallel>], iteration_bounds = array<i64: 2, 16>, scalar_prefetch = 0 : i64, scratch_operands = 5 : i64, tpu.core_type = #tpu.core_type<sc_vector_subcore>, window_params = [{transform_indices = #map}, {transform_indices = #map}, {transform_indices = #map}, {transform_indices = #map1}]} {
    %mul3A = arith.constant 2 : i32
    %mul3A_0 = arith.muli %arg1, %mul3A : i32
    %add3A = arith.addi %mul3A_0, %arg0 : i32
    %mul3A_1 = arith.constant 10000 : i32
    %mul3A_2 = arith.muli %add3A, %mul3A_1 : i32
    %run_scoped3A = arith.constant 1 : i32
    "tpu.region"() ({
      %run_scoped3A_75 = tpu.sem_alloc : memref<!tpu.dma_semaphore, #tpu.memory_space<semaphore_mem>>
      %dma_start3A = arith.constant 0 : i32
      %dma_start3A_76 = tpu.memref_slice %arg6[%dma_start3A] : memref<10240xi32, #tpu.memory_space<vmem>> -> memref<10000xi32, #tpu.memory_space<vmem>>
      %dma_start3A_77 = tpu.memref_slice %arg2[%run_scoped3A, %mul3A_2] : memref<2x320000xi32, #tpu.memory_space<hbm>> -> memref<1x10000xi32, #tpu.memory_space<hbm>>
      %dma_start3A_78 = tpu.memref_squeeze %dma_start3A_77 : memref<1x10000xi32, #tpu.memory_space<hbm>> -> memref<10000xi32, #tpu.memory_space<hbm>>
      %dma_start3A_79 = arith.constant 0 : i32
      %dma_start3A_80 = tpu.memref_slice %arg6[%dma_start3A_79] : memref<10240xi32, #tpu.memory_space<vmem>> -> memref<10000xi32, #tpu.memory_space<vmem>>
      %dma_start3A_81 = tpu.memref_slice %arg2[%run_scoped3A, %mul3A_2] : memref<2x320000xi32, #tpu.memory_space<hbm>> -> memref<1x10000xi32, #tpu.memory_space<hbm>>
      %dma_start3A_82 = tpu.memref_squeeze %dma_start3A_81 : memref<1x10000xi32, #tpu.memory_space<hbm>> -> memref<10000xi32, #tpu.memory_space<hbm>>
      tpu.enqueue_dma source(%dma_start3A_82 : memref<10000xi32, #tpu.memory_space<hbm>>) target(%dma_start3A_80 : memref<10000xi32, #tpu.memory_space<vmem>>) target_semaphore(%run_scoped3A_75 : memref<!tpu.dma_semaphore, #tpu.memory_space<semaphore_mem>>)
      %dma_wait3A = arith.constant 0 : i32
      %dma_wait3A_83 = tpu.memref_slice %arg6[%dma_wait3A] : memref<10240xi32, #tpu.memory_space<vmem>> -> memref<10000xi32, #tpu.memory_space<vmem>>
      %dma_wait3A_84 = tpu.memref_slice %arg2[%run_scoped3A, %mul3A_2] : memref<2x320000xi32, #tpu.memory_space<hbm>> -> memref<1x10000xi32, #tpu.memory_space<hbm>>
      %dma_wait3A_85 = tpu.memref_squeeze %dma_wait3A_84 : memref<1x10000xi32, #tpu.memory_space<hbm>> -> memref<10000xi32, #tpu.memory_space<hbm>>
      %dma_wait3A_86 = arith.constant 0 : i32
      %dma_wait3A_87 = tpu.memref_slice %arg6[%dma_wait3A_86] : memref<10240xi32, #tpu.memory_space<vmem>> -> memref<10000xi32, #tpu.memory_space<vmem>>
      %dma_wait3A_88 = tpu.memref_slice %arg2[%run_scoped3A, %mul3A_2] : memref<2x320000xi32, #tpu.memory_space<hbm>> -> memref<1x10000xi32, #tpu.memory_space<hbm>>
      %dma_wait3A_89 = tpu.memref_squeeze %dma_wait3A_88 : memref<1x10000xi32, #tpu.memory_space<hbm>> -> memref<10000xi32, #tpu.memory_space<hbm>>
      tpu.wait_dma2 semaphore(%run_scoped3A_75 : memref<!tpu.dma_semaphore, #tpu.memory_space<semaphore_mem>>) src(%dma_wait3A_89 : memref<10000xi32, #tpu.memory_space<hbm>>) dst(%dma_wait3A_87 : memref<10000xi32, #tpu.memory_space<vmem>>)
      tpu.yield
    }) : () -> ()
    %broadcast_in_dim3A = arith.constant 10000 : i32
    %broadcast_in_dim3A_3 = vector.broadcast %broadcast_in_dim3A : i32 to vector<16xi32>
    %swap3A = arith.constant 10000 : index
    %swap3A_4 = tpu.vector_load %arg6[%swap3A] {strides = array<i32>} : memref<10240xi32, #tpu.memory_space<vmem>>, vector<16xi32>,
    %swap3A_5 = vector.shape_cast %swap3A_4 : vector<16xi32> to vector<16xi32>
    %swap3A_6 = vector.shape_cast %broadcast_in_dim3A_3 : vector<16xi32> to vector<16xi32>
    tpu.vector_store %arg6[%swap3A], %swap3A_6 {strides = array<i32>} : memref<10240xi32, #tpu.memory_space<vmem>>, vector<16xi32>,
    %swap3A_7 = arith.constant 10016 : index
    %swap3A_8 = tpu.vector_load %arg6[%swap3A_7] {strides = array<i32>} : memref<10240xi32, #tpu.memory_space<vmem>>, vector<16xi32>,
    %swap3A_9 = vector.shape_cast %swap3A_8 : vector<16xi32> to vector<16xi32>
    %swap3A_10 = vector.shape_cast %broadcast_in_dim3A_3 : vector<16xi32> to vector<16xi32>
    tpu.vector_store %arg6[%swap3A_7], %swap3A_10 {strides = array<i32>} : memref<10240xi32, #tpu.memory_space<vmem>>, vector<16xi32>,
    %swap3A_11 = arith.constant 10032 : index
    %swap3A_12 = tpu.vector_load %arg6[%swap3A_11] {strides = array<i32>} : memref<10240xi32, #tpu.memory_space<vmem>>, vector<16xi32>,
    %swap3A_13 = vector.shape_cast %swap3A_12 : vector<16xi32> to vector<16xi32>
    %swap3A_14 = vector.shape_cast %broadcast_in_dim3A_3 : vector<16xi32> to vector<16xi32>
    tpu.vector_store %arg6[%swap3A_11], %swap3A_14 {strides = array<i32>} : memref<10240xi32, #tpu.memory_space<vmem>>, vector<16xi32>,
    %swap3A_15 = arith.constant 10048 : index
    %swap3A_16 = tpu.vector_load %arg6[%swap3A_15] {strides = array<i32>} : memref<10240xi32, #tpu.memory_space<vmem>>, vector<16xi32>,
    %swap3A_17 = vector.shape_cast %swap3A_16 : vector<16xi32> to vector<16xi32>
    %swap3A_18 = vector.shape_cast %broadcast_in_dim3A_3 : vector<16xi32> to vector<16xi32>
    tpu.vector_store %arg6[%swap3A_15], %swap3A_18 {strides = array<i32>} : memref<10240xi32, #tpu.memory_space<vmem>>, vector<16xi32>,
    %swap3A_19 = arith.constant 10064 : index
    %swap3A_20 = tpu.vector_load %arg6[%swap3A_19] {strides = array<i32>} : memref<10240xi32, #tpu.memory_space<vmem>>, vector<16xi32>,
    %swap3A_21 = vector.shape_cast %swap3A_20 : vector<16xi32> to vector<16xi32>
    %swap3A_22 = vector.shape_cast %broadcast_in_dim3A_3 : vector<16xi32> to vector<16xi32>
    tpu.vector_store %arg6[%swap3A_19], %swap3A_22 {strides = array<i32>} : memref<10240xi32, #tpu.memory_space<vmem>>, vector<16xi32>,
    %swap3A_23 = arith.constant 10080 : index
    %swap3A_24 = tpu.vector_load %arg6[%swap3A_23] {strides = array<i32>} : memref<10240xi32, #tpu.memory_space<vmem>>, vector<16xi32>,
    %swap3A_25 = vector.shape_cast %swap3A_24 : vector<16xi32> to vector<16xi32>
    %swap3A_26 = vector.shape_cast %broadcast_in_dim3A_3 : vector<16xi32> to vector<16xi32>
    tpu.vector_store %arg6[%swap3A_23], %swap3A_26 {strides = array<i32>} : memref<10240xi32, #tpu.memory_space<vmem>>, vector<16xi32>,
    %swap3A_27 = arith.constant 10096 : index
    %swap3A_28 = tpu.vector_load %arg6[%swap3A_27] {strides = array<i32>} : memref<10240xi32, #tpu.memory_space<vmem>>, vector<16xi32>,
    %swap3A_29 = vector.shape_cast %swap3A_28 : vector<16xi32> to vector<16xi32>
    %swap3A_30 = vector.shape_cast %broadcast_in_dim3A_3 : vector<16xi32> to vector<16xi32>
    tpu.vector_store %arg6[%swap3A_27], %swap3A_30 {strides = array<i32>} : memref<10240xi32, #tpu.memory_space<vmem>>, vector<16xi32>,
    %swap3A_31 = arith.constant 10112 : index
    %swap3A_32 = tpu.vector_load %arg6[%swap3A_31] {strides = array<i32>} : memref<10240xi32, #tpu.memory_space<vmem>>, vector<16xi32>,
    %swap3A_33 = vector.shape_cast %swap3A_32 : vector<16xi32> to vector<16xi32>
    %swap3A_34 = vector.shape_cast %broadcast_in_dim3A_3 : vector<16xi32> to vector<16xi32>
    tpu.vector_store %arg6[%swap3A_31], %swap3A_34 {strides = array<i32>} : memref<10240xi32, #tpu.memory_space<vmem>>, vector<16xi32>,
    %swap3A_35 = arith.constant 10128 : index
    %swap3A_36 = tpu.vector_load %arg6[%swap3A_35] {strides = array<i32>} : memref<10240xi32, #tpu.memory_space<vmem>>, vector<16xi32>,
    %swap3A_37 = vector.shape_cast %swap3A_36 : vector<16xi32> to vector<16xi32>
    %swap3A_38 = vector.shape_cast %broadcast_in_dim3A_3 : vector<16xi32> to vector<16xi32>
    tpu.vector_store %arg6[%swap3A_35], %swap3A_38 {strides = array<i32>} : memref<10240xi32, #tpu.memory_space<vmem>>, vector<16xi32>,
    %swap3A_39 = arith.constant 10144 : index
    %swap3A_40 = tpu.vector_load %arg6[%swap3A_39] {strides = array<i32>} : memref<10240xi32, #tpu.memory_space<vmem>>, vector<16xi32>,
    %swap3A_41 = vector.shape_cast %swap3A_40 : vector<16xi32> to vector<16xi32>
    %swap3A_42 = vector.shape_cast %broadcast_in_dim3A_3 : vector<16xi32> to vector<16xi32>
    tpu.vector_store %arg6[%swap3A_39], %swap3A_42 {strides = array<i32>} : memref<10240xi32, #tpu.memory_space<vmem>>, vector<16xi32>,
    %swap3A_43 = arith.constant 10160 : index
    %swap3A_44 = tpu.vector_load %arg6[%swap3A_43] {strides = array<i32>} : memref<10240xi32, #tpu.memory_space<vmem>>, vector<16xi32>,
    %swap3A_45 = vector.shape_cast %swap3A_44 : vector<16xi32> to vector<16xi32>
    %swap3A_46 = vector.shape_cast %broadcast_in_dim3A_3 : vector<16xi32> to vector<16xi32>
    tpu.vector_store %arg6[%swap3A_43], %swap3A_46 {strides = array<i32>} : memref<10240xi32, #tpu.memory_space<vmem>>, vector<16xi32>,
    %swap3A_47 = arith.constant 10176 : index
    %swap3A_48 = tpu.vector_load %arg6[%swap3A_47] {strides = array<i32>} : memref<10240xi32, #tpu.memory_space<vmem>>, vector<16xi32>,
    %swap3A_49 = vector.shape_cast %swap3A_48 : vector<16xi32> to vector<16xi32>
    %swap3A_50 = vector.shape_cast %broadcast_in_dim3A_3 : vector<16xi32> to vector<16xi32>
    tpu.vector_store %arg6[%swap3A_47], %swap3A_50 {strides = array<i32>} : memref<10240xi32, #tpu.memory_space<vmem>>, vector<16xi32>,
    %swap3A_51 = arith.constant 10192 : index
    %swap3A_52 = tpu.vector_load %arg6[%swap3A_51] {strides = array<i32>} : memref<10240xi32, #tpu.memory_space<vmem>>, vector<16xi32>,
    %swap3A_53 = vector.shape_cast %swap3A_52 : vector<16xi32> to vector<16xi32>
    %swap3A_54 = vector.shape_cast %broadcast_in_dim3A_3 : vector<16xi32> to vector<16xi32>
    tpu.vector_store %arg6[%swap3A_51], %swap3A_54 {strides = array<i32>} : memref<10240xi32, #tpu.memory_space<vmem>>, vector<16xi32>,
    %swap3A_55 = arith.constant 10208 : index
    %swap3A_56 = tpu.vector_load %arg6[%swap3A_55] {strides = array<i32>} : memref<10240xi32, #tpu.memory_space<vmem>>, vector<16xi32>,
    %swap3A_57 = vector.shape_cast %swap3A_56 : vector<16xi32> to vector<16xi32>
    %swap3A_58 = vector.shape_cast %broadcast_in_dim3A_3 : vector<16xi32> to vector<16xi32>
    tpu.vector_store %arg6[%swap3A_55], %swap3A_58 {strides = array<i32>} : memref<10240xi32, #tpu.memory_space<vmem>>, vector<16xi32>,
    %swap3A_59 = arith.constant 10224 : index
    %swap3A_60 = tpu.vector_load %arg6[%swap3A_59] {strides = array<i32>} : memref<10240xi32, #tpu.memory_space<vmem>>, vector<16xi32>,
    %swap3A_61 = vector.shape_cast %swap3A_60 : vector<16xi32> to vector<16xi32>
    %swap3A_62 = vector.shape_cast %broadcast_in_dim3A_3 : vector<16xi32> to vector<16xi32>
    tpu.vector_store %arg6[%swap3A_59], %swap3A_62 {strides = array<i32>} : memref<10240xi32, #tpu.memory_space<vmem>>, vector<16xi32>,
    "tpu.region"() ({
      %run_scoped3A_75 = tpu.sem_alloc : memref<!tpu.dma_semaphore, #tpu.memory_space<semaphore_mem>>
      tpu.enqueue_dma source(%arg3 : memref<512x16xf32, #tpu.memory_space<hbm>>) target(%arg7 : memref<512x16xf32, #tpu.memory_space<vmem>>) target_semaphore(%run_scoped3A_75 : memref<!tpu.dma_semaphore, #tpu.memory_space<semaphore_mem>>)
      tpu.wait_dma2 semaphore(%run_scoped3A_75 : memref<!tpu.dma_semaphore, #tpu.memory_space<semaphore_mem>>) src(%arg3 : memref<512x16xf32, #tpu.memory_space<hbm>>) dst(%arg7 : memref<512x16xf32, #tpu.memory_space<vmem>>)
      tpu.yield
    }) : () -> ()
    "tpu.region"() ({
      %run_scoped3A_75 = tpu.sem_alloc : memref<!tpu.dma_semaphore, #tpu.memory_space<semaphore_mem>>
      tpu.enqueue_dma source(%arg4 : memref<640x16xf32, #tpu.memory_space<hbm>>) target(%arg8 : memref<640x16xf32, #tpu.memory_space<vmem>>) target_semaphore(%run_scoped3A_75 : memref<!tpu.dma_semaphore, #tpu.memory_space<semaphore_mem>>)
      tpu.wait_dma2 semaphore(%run_scoped3A_75 : memref<!tpu.dma_semaphore, #tpu.memory_space<semaphore_mem>>) src(%arg4 : memref<640x16xf32, #tpu.memory_space<hbm>>) dst(%arg8 : memref<640x16xf32, #tpu.memory_space<vmem>>)
      tpu.yield
    }) : () -> ()
    %mul3A_63 = arith.constant 640 : i32
    %mul3A_64 = arith.muli %arg1, %mul3A_63 : i32
    "tpu.region"() ({
      %run_scoped3A_75 = tpu.sem_alloc : memref<!tpu.dma_semaphore, #tpu.memory_space<semaphore_mem>>
      %dma_start3A = arith.constant 0 : i32
      %dma_start3A_76 = tpu.memref_slice %arg9[%mul3A_64, %dma_start3A] : memref<10240x16xf32, #tpu.memory_space<vmem_shared>> -> memref<640x16xf32, #tpu.memory_space<vmem_shared>>
      %dma_start3A_77 = arith.constant 0 : i32
      %dma_start3A_78 = tpu.memref_slice %arg9[%mul3A_64, %dma_start3A_77] : memref<10240x16xf32, #tpu.memory_space<vmem_shared>> -> memref<640x16xf32, #tpu.memory_space<vmem_shared>>
      tpu.enqueue_dma source(%arg8 : memref<640x16xf32, #tpu.memory_space<vmem>>) target(%dma_start3A_78 : memref<640x16xf32, #tpu.memory_space<vmem_shared>>) target_semaphore(%run_scoped3A_75 : memref<!tpu.dma_semaphore, #tpu.memory_space<semaphore_mem>>)
      %dma_wait3A = arith.constant 0 : i32
      %dma_wait3A_79 = tpu.memref_slice %arg9[%mul3A_64, %dma_wait3A] : memref<10240x16xf32, #tpu.memory_space<vmem_shared>> -> memref<640x16xf32, #tpu.memory_space<vmem_shared>>
      %dma_wait3A_80 = arith.constant 0 : i32
      %dma_wait3A_81 = tpu.memref_slice %arg9[%mul3A_64, %dma_wait3A_80] : memref<10240x16xf32, #tpu.memory_space<vmem_shared>> -> memref<640x16xf32, #tpu.memory_space<vmem_shared>>
      tpu.wait_dma2 semaphore(%run_scoped3A_75 : memref<!tpu.dma_semaphore, #tpu.memory_space<semaphore_mem>>) src(%arg8 : memref<640x16xf32, #tpu.memory_space<vmem>>) dst(%dma_wait3A_81 : memref<640x16xf32, #tpu.memory_space<vmem_shared>>)
      tpu.yield
    }) : () -> ()
    %barrier3A = arith.constant 0 : index
    tpu.barrier barrier_id(%barrier3A)
    %scan3A = arith.constant 0 : i32
    %scan3A_65 = arith.constant 0 : i32
    %scan3A_66 = arith.constant 20 : i32
    %scan3A_67 = arith.addi %scan3A_65, %scan3A_66 : i32
    %scan3A_68 = arith.constant 1 : i32
    scf.for %scan3A_75 = %scan3A_65 to %scan3A_67 step %scan3A_68  : i32 {
      %mul3A_76 = arith.constant 512 : i32
      %mul3A_77 = arith.muli %scan3A_75, %mul3A_76 : i32
      "tpu.region"() ({
        %run_scoped3A_78 = tpu.sem_alloc : memref<!tpu.dma_semaphore, #tpu.memory_space<semaphore_mem>>
        %dma_start3A = tpu.memref_slice %arg6[%mul3A_77] : memref<10240xi32, #tpu.memory_space<vmem>> -> memref<512xi32, #tpu.memory_space<vmem>>
        %dma_start3A_79 = arith.constant 0 : i32
        %dma_start3A_80 = arith.constant 0 : i32
        %dma_start3A_81 = tpu.memref_slice %arg9[%dma_start3A_79, %dma_start3A_80] : memref<10240x16xf32, #tpu.memory_space<vmem_shared>> -> memref<10240x16xf32, #tpu.memory_space<vmem_shared>>
        tpu.enqueue_indirect_dma source(%arg7 : memref<512x16xf32, #tpu.memory_space<vmem>>) target(%dma_start3A_81 : memref<10240x16xf32, #tpu.memory_space<vmem_shared>>) offsets(%dma_start3A : memref<512xi32, #tpu.memory_space<vmem>>) semaphore(%run_scoped3A_78 : memref<!tpu.dma_semaphore, #tpu.memory_space<semaphore_mem>>) {add = true}
        %dma_wait3A = tpu.memref_slice %arg6[%mul3A_77] : memref<10240xi32, #tpu.memory_space<vmem>> -> memref<512xi32, #tpu.memory_space<vmem>>
        %dma_wait3A_82 = arith.constant 0 : i32
        %dma_wait3A_83 = arith.constant 0 : i32
        %dma_wait3A_84 = tpu.memref_slice %arg9[%dma_wait3A_82, %dma_wait3A_83] : memref<10240x16xf32, #tpu.memory_space<vmem_shared>> -> memref<10240x16xf32, #tpu.memory_space<vmem_shared>>
        tpu.wait_indirect_dma semaphore(%run_scoped3A_78 : memref<!tpu.dma_semaphore, #tpu.memory_space<semaphore_mem>>) src(%arg7 : memref<512x16xf32, #tpu.memory_space<vmem>>) dst(%dma_wait3A_84 : memref<10240x16xf32, #tpu.memory_space<vmem_shared>>)
        tpu.yield
      }) : () -> ()
    }
    %scan3A_69 = arith.constant 20 : i32
    %barrier3A_70 = arith.constant 0 : index
    tpu.barrier barrier_id(%barrier3A_70)
    %mul3A_71 = arith.constant 640 : i32
    %mul3A_72 = arith.muli %arg1, %mul3A_71 : i32
    %mul3A_73 = arith.constant 640 : i32
    %mul3A_74 = arith.muli %arg1, %mul3A_73 : i32
    "tpu.region"() ({
      %run_scoped3A_75 = tpu.sem_alloc : memref<!tpu.dma_semaphore, #tpu.memory_space<semaphore_mem>>
      %dma_start3A = arith.constant 0 : i32
      %dma_start3A_76 = tpu.memref_slice %arg5[%arg0, %mul3A_74, %dma_start3A] : memref<2x10240x16xf32, #tpu.memory_space<hbm>> -> memref<1x640x16xf32, #tpu.memory_space<hbm>>
      %dma_start3A_77 = tpu.memref_squeeze %dma_start3A_76 : memref<1x640x16xf32, #tpu.memory_space<hbm>> -> memref<640x16xf32, #tpu.memory_space<hbm>>
      %dma_start3A_78 = arith.constant 0 : i32
      %dma_start3A_79 = tpu.memref_slice %arg9[%mul3A_72, %dma_start3A_78] : memref<10240x16xf32, #tpu.memory_space<vmem_shared>> -> memref<640x16xf32, #tpu.memory_space<vmem_shared>>
      tpu.enqueue_dma source(%dma_start3A_79 : memref<640x16xf32, #tpu.memory_space<vmem_shared>>) target(%dma_start3A_77 : memref<640x16xf32, #tpu.memory_space<hbm>>) target_semaphore(%run_scoped3A_75 : memref<!tpu.dma_semaphore, #tpu.memory_space<semaphore_mem>>)
      %dma_wait3A = arith.constant 0 : i32
      %dma_wait3A_80 = tpu.memref_slice %arg5[%arg0, %mul3A_74, %dma_wait3A] : memref<2x10240x16xf32, #tpu.memory_space<hbm>> -> memref<1x640x16xf32, #tpu.memory_space<hbm>>
      %dma_wait3A_81 = tpu.memref_squeeze %dma_wait3A_80 : memref<1x640x16xf32, #tpu.memory_space<hbm>> -> memref<640x16xf32, #tpu.memory_space<hbm>>
      %dma_wait3A_82 = arith.constant 0 : i32
      %dma_wait3A_83 = tpu.memref_slice %arg9[%mul3A_72, %dma_wait3A_82] : memref<10240x16xf32, #tpu.memory_space<vmem_shared>> -> memref<640x16xf32, #tpu.memory_space<vmem_shared>>
      tpu.wait_dma2 semaphore(%run_scoped3A_75 : memref<!tpu.dma_semaphore, #tpu.memory_space<semaphore_mem>>) src(%dma_wait3A_83 : memref<640x16xf32, #tpu.memory_space<vmem_shared>>) dst(%dma_wait3A_81 : memref<640x16xf32, #tpu.memory_space<hbm>>)
      tpu.yield
    }) : () -> ()
    return
  }
}

module attributes {stable_mosaic.version = 14 : i64} {
  func.func @_tc_a_body(%arg0: i32, %arg1: memref<2x10240x16xf32, #tpu.memory_space<vmem>>, %arg2: memref<10240x128xf32, #tpu.memory_space<vmem>>, %arg3: memref<128x16xf32, #tpu.memory_space<vmem>>, %arg4: memref<10240x16xf32, #tpu.memory_space<vmem>>, %arg5: memref<10240x16xf32, #tpu.memory_space<vmem>>) attributes {dimension_semantics = [#tpu.dimension_semantics<arbitrary>], iteration_bounds = array<i64: 1>, scalar_prefetch = 0 : i64, scratch_operands = 0 : i64, tpu.core_type = #tpu.core_type<tc>, window_params = [{pipeline_mode = #tpu.pipeline_mode<synchronous>, transform_indices = @transform_0, window_bounds = array<i64: 2, 10240, 16>}, {transform_indices = @transform_1, window_bounds = array<i64: 10240, 128>}, {pipeline_mode = #tpu.pipeline_mode<synchronous>, transform_indices = @transform_2, window_bounds = array<i64: 128, 16>}, {pipeline_mode = #tpu.pipeline_mode<synchronous>, transform_indices = @transform_3, window_bounds = array<i64: 10240, 16>}, {pipeline_mode = #tpu.pipeline_mode<synchronous>, transform_indices = @transform_4, window_bounds = array<i64: 10240, 16>}]} {
    %get3A = arith.constant 0 : index
    %get3A_0 = arith.constant 0 : index
    %get3A_1 = arith.constant 0 : index
    %get3A_2 = vector.load %arg1[%get3A, %get3A_0, %get3A_1] : memref<2x10240x16xf32, #tpu.memory_space<vmem>>, vector<1x10240x16xf32>
    %get3A_3 = vector.shape_cast %get3A_2 : vector<1x10240x16xf32> to vector<10240x16xf32>
    %get3A_4 = arith.constant 1 : index
    %get3A_5 = arith.constant 0 : index
    %get3A_6 = arith.constant 0 : index
    %get3A_7 = vector.load %arg1[%get3A_4, %get3A_5, %get3A_6] : memref<2x10240x16xf32, #tpu.memory_space<vmem>>, vector<1x10240x16xf32>
    %get3A_8 = vector.shape_cast %get3A_7 : vector<1x10240x16xf32> to vector<10240x16xf32>
    %add3A = arith.addf %get3A_3, %get3A_8 : vector<10240x16xf32>
    %add3A_9 = arith.constant 1.000000e+00 : f32
    %add3A_10 = vector.broadcast %add3A_9 : f32 to vector<10240x16xf32>
    %add3A_11 = arith.addf %add3A, %add3A_10 : vector<10240x16xf32>
    %rsqrt3A = math.rsqrt %add3A_11 : vector<10240x16xf32>
    %get3A_12 = arith.constant 0 : index
    %get3A_13 = arith.constant 0 : index
    %get3A_14 = vector.load %arg2[%get3A_12, %get3A_13] : memref<10240x128xf32, #tpu.memory_space<vmem>>, vector<10240x128xf32>
    %get3A_15 = arith.constant 0 : index
    %get3A_16 = arith.constant 0 : index
    %get3A_17 = vector.load %arg3[%get3A_15, %get3A_16] : memref<128x16xf32, #tpu.memory_space<vmem>>, vector<128x16xf32>
    %dot_general3A = arith.constant dense<0.000000e+00> : vector<10240x16xf32>
    %dot_general3A_18 = tpu.matmul %get3A_14, %get3A_17, %dot_general3A {dimension_numbers = #tpu.dot_dimension_numbers<[1], [0], [0], [1], [0, 0, 1, 1], [], []>, transpose_lhs_hint = false} : vector<10240x128xf32>, vector<128x16xf32>, vector<10240x16xf32> -> vector<10240x16xf32>
    %mul3A = arith.mulf %dot_general3A_18, %rsqrt3A : vector<10240x16xf32>
    %swap3A = arith.constant 0 : index
    %swap3A_19 = arith.constant 0 : index
    %swap3A_20 = vector.load %arg4[%swap3A, %swap3A_19] : memref<10240x16xf32, #tpu.memory_space<vmem>>, vector<10240x16xf32>
    tpu.vector_store %arg4[%swap3A, %swap3A_19], %mul3A {strides = array<i32>} : memref<10240x16xf32, #tpu.memory_space<vmem>>, vector<10240x16xf32>,
    %swap3A_21 = arith.constant 0 : index
    %swap3A_22 = arith.constant 0 : index
    %swap3A_23 = vector.load %arg5[%swap3A_21, %swap3A_22] : memref<10240x16xf32, #tpu.memory_space<vmem>>, vector<10240x16xf32>
    tpu.vector_store %arg5[%swap3A_21, %swap3A_22], %rsqrt3A {strides = array<i32>} : memref<10240x16xf32, #tpu.memory_space<vmem>>, vector<10240x16xf32>,
    return
  }
  func.func @transform_0(%arg0: i32) -> (i32, i32, i32) {
    %c0_i32 = arith.constant 0 : i32
    %c0_i32_0 = arith.constant 0 : i32
    %c0_i32_1 = arith.constant 0 : i32
    %c0_i32_2 = arith.constant 0 : i32
    return %c0_i32, %c0_i32_0, %c0_i32_1 : i32, i32, i32
  }
  func.func @transform_1(%arg0: i32) -> (i32, i32) {
    %c0_i32 = arith.constant 0 : i32
    %c0_i32_0 = arith.constant 0 : i32
    %c0_i32_1 = arith.constant 0 : i32
    return %c0_i32, %c0_i32_0 : i32, i32
  }
  func.func @transform_2(%arg0: i32) -> (i32, i32) {
    %c0_i32 = arith.constant 0 : i32
    %c0_i32_0 = arith.constant 0 : i32
    %c0_i32_1 = arith.constant 0 : i32
    return %c0_i32, %c0_i32_0 : i32, i32
  }
  func.func @transform_3(%arg0: i32) -> (i32, i32) {
    %c0_i32 = arith.constant 0 : i32
    %c0_i32_0 = arith.constant 0 : i32
    %c0_i32_1 = arith.constant 0 : i32
    return %c0_i32, %c0_i32_0 : i32, i32
  }
  func.func @transform_4(%arg0: i32) -> (i32, i32) {
    %c0_i32 = arith.constant 0 : i32
    %c0_i32_0 = arith.constant 0 : i32
    %c0_i32_1 = arith.constant 0 : i32
    return %c0_i32, %c0_i32_0 : i32, i32
  }
}

module attributes {stable_mosaic.version = 14 : i64} {
  func.func @_tc_c_body(%arg0: i32, %arg1: memref<2x10000x16xf32, #tpu.memory_space<vmem>>, %arg2: memref<10000x16xf32, #tpu.memory_space<vmem>>, %arg3: memref<10000x16xf32, #tpu.memory_space<vmem>>, %arg4: memref<16x40xf32, #tpu.memory_space<vmem>>, %arg5: memref<1x40xf32, #tpu.memory_space<vmem>>, %arg6: memref<10000x40xf32, #tpu.memory_space<vmem>>) attributes {dimension_semantics = [#tpu.dimension_semantics<arbitrary>], iteration_bounds = array<i64: 1>, scalar_prefetch = 0 : i64, scratch_operands = 0 : i64, tpu.core_type = #tpu.core_type<tc>, window_params = [{transform_indices = @transform_0, window_bounds = array<i64: 2, 10000, 16>}, {transform_indices = @transform_1, window_bounds = array<i64: 10000, 16>}, {transform_indices = @transform_2, window_bounds = array<i64: 10000, 16>}, {pipeline_mode = #tpu.pipeline_mode<synchronous>, transform_indices = @transform_3, window_bounds = array<i64: 16, 40>}, {pipeline_mode = #tpu.pipeline_mode<synchronous>, transform_indices = @transform_4, window_bounds = array<i64: 1, 40>}, {pipeline_mode = #tpu.pipeline_mode<synchronous>, transform_indices = @transform_5, window_bounds = array<i64: 10000, 40>}]} {
    %get3A = arith.constant 0 : index
    %get3A_0 = arith.constant 0 : index
    %get3A_1 = arith.constant 0 : index
    %get3A_2 = vector.load %arg1[%get3A, %get3A_0, %get3A_1] : memref<2x10000x16xf32, #tpu.memory_space<vmem>>, vector<1x10000x16xf32>
    %get3A_3 = vector.shape_cast %get3A_2 : vector<1x10000x16xf32> to vector<10000x16xf32>
    %get3A_4 = arith.constant 1 : index
    %get3A_5 = arith.constant 0 : index
    %get3A_6 = arith.constant 0 : index
    %get3A_7 = vector.load %arg1[%get3A_4, %get3A_5, %get3A_6] : memref<2x10000x16xf32, #tpu.memory_space<vmem>>, vector<1x10000x16xf32>
    %get3A_8 = vector.shape_cast %get3A_7 : vector<1x10000x16xf32> to vector<10000x16xf32>
    %add3A = arith.addf %get3A_3, %get3A_8 : vector<10000x16xf32>
    %get3A_9 = arith.constant 0 : index
    %get3A_10 = arith.constant 0 : index
    %get3A_11 = vector.load %arg2[%get3A_9, %get3A_10] : memref<10000x16xf32, #tpu.memory_space<vmem>>, vector<10000x16xf32>
    %add3A_12 = arith.addf %add3A, %get3A_11 : vector<10000x16xf32>
    %get3A_13 = arith.constant 0 : index
    %get3A_14 = arith.constant 0 : index
    %get3A_15 = vector.load %arg3[%get3A_13, %get3A_14] : memref<10000x16xf32, #tpu.memory_space<vmem>>, vector<10000x16xf32>
    %mul3A = arith.mulf %add3A_12, %get3A_15 : vector<10000x16xf32>
    %get3A_16 = arith.constant 0 : index
    %get3A_17 = arith.constant 0 : index
    %get3A_18 = vector.load %arg4[%get3A_16, %get3A_17] : memref<16x40xf32, #tpu.memory_space<vmem>>, vector<16x40xf32>
    %dot_general3A = arith.constant dense<0.000000e+00> : vector<10000x40xf32>
    %dot_general3A_19 = tpu.matmul %mul3A, %get3A_18, %dot_general3A {dimension_numbers = #tpu.dot_dimension_numbers<[1], [0], [0], [1], [0, 0, 1, 1], [], []>, transpose_lhs_hint = false} : vector<10000x16xf32>, vector<16x40xf32>, vector<10000x40xf32> -> vector<10000x40xf32>
    %get3A_20 = arith.constant 0 : index
    %get3A_21 = arith.constant 0 : index
    %get3A_22 = vector.load %arg5[%get3A_20, %get3A_21] : memref<1x40xf32, #tpu.memory_space<vmem>>, vector<1x40xf32>
    %add3A_23 = vector.broadcast %get3A_22 : vector<1x40xf32> to vector<10000x40xf32>
    %add3A_24 = arith.addf %dot_general3A_19, %add3A_23 : vector<10000x40xf32>
    %reduce_max3A = arith.constant dense<0xFF800000> : vector<10000xf32>
    %reduce_max3A_25 = vector.multi_reduction <maximumf>, %add3A_24, %reduce_max3A [1] : vector<10000x40xf32> to vector<10000xf32>
    %broadcast_in_dim3A = vector.shape_cast %reduce_max3A_25 : vector<10000xf32> to vector<10000x1xf32>
    %sub3A = vector.broadcast %broadcast_in_dim3A : vector<10000x1xf32> to vector<10000x40xf32>
    %sub3A_26 = arith.subf %add3A_24, %sub3A : vector<10000x40xf32>
    %exp3A = math.exp %sub3A_26 : vector<10000x40xf32>
    %reduce_sum3A = arith.constant dense<0.000000e+00> : vector<10000xf32>
    %reduce_sum3A_27 = vector.multi_reduction <add>, %exp3A, %reduce_sum3A [1] : vector<10000x40xf32> to vector<10000xf32>
    %broadcast_in_dim3A_28 = vector.shape_cast %reduce_sum3A_27 : vector<10000xf32> to vector<10000x1xf32>
    %log3A = math.log %broadcast_in_dim3A_28 : vector<10000x1xf32>
    %add3A_29 = arith.addf %log3A, %broadcast_in_dim3A : vector<10000x1xf32>
    %sub3A_30 = vector.broadcast %add3A_29 : vector<10000x1xf32> to vector<10000x40xf32>
    %sub3A_31 = arith.subf %add3A_24, %sub3A_30 : vector<10000x40xf32>
    %swap3A = arith.constant 0 : index
    %swap3A_32 = arith.constant 0 : index
    %swap3A_33 = vector.load %arg6[%swap3A, %swap3A_32] : memref<10000x40xf32, #tpu.memory_space<vmem>>, vector<10000x40xf32>
    tpu.vector_store %arg6[%swap3A, %swap3A_32], %sub3A_31 {strides = array<i32>} : memref<10000x40xf32, #tpu.memory_space<vmem>>, vector<10000x40xf32>,
    return
  }
  func.func @transform_0(%arg0: i32) -> (i32, i32, i32) {
    %c0_i32 = arith.constant 0 : i32
    %c0_i32_0 = arith.constant 0 : i32
    %c0_i32_1 = arith.constant 0 : i32
    %c0_i32_2 = arith.constant 0 : i32
    return %c0_i32, %c0_i32_0, %c0_i32_1 : i32, i32, i32
  }
  func.func @transform_1(%arg0: i32) -> (i32, i32) {
    %c0_i32 = arith.constant 0 : i32
    %c0_i32_0 = arith.constant 0 : i32
    %c0_i32_1 = arith.constant 0 : i32
    return %c0_i32, %c0_i32_0 : i32, i32
  }
  func.func @transform_2(%arg0: i32) -> (i32, i32) {
    %c0_i32 = arith.constant 0 : i32
    %c0_i32_0 = arith.constant 0 : i32
    %c0_i32_1 = arith.constant 0 : i32
    return %c0_i32, %c0_i32_0 : i32, i32
  }
  func.func @transform_3(%arg0: i32) -> (i32, i32) {
    %c0_i32 = arith.constant 0 : i32
    %c0_i32_0 = arith.constant 0 : i32
    %c0_i32_1 = arith.constant 0 : i32
    return %c0_i32, %c0_i32_0 : i32, i32
  }
  func.func @transform_4(%arg0: i32) -> (i32, i32) {
    %c0_i32 = arith.constant 0 : i32
    %c0_i32_0 = arith.constant 0 : i32
    %c0_i32_1 = arith.constant 0 : i32
    return %c0_i32, %c0_i32_0 : i32, i32
  }
  func.func @transform_5(%arg0: i32) -> (i32, i32) {
    %c0_i32 = arith.constant 0 : i32
    %c0_i32_0 = arith.constant 0 : i32
    %c0_i32_1 = arith.constant 0 : i32
    return %c0_i32, %c0_i32_0 : i32, i32
  }
}

</mosaic_0001>

<sc_bundles>
// kernel: kernel.10.cloned.1.call-start
scs
__scs_entry_jumppad:
0x0: {  	(pc) =	sbr.rel $0x88, $3  }
0x1: {  	(tag) =	ssettag $0x0;
	lr =	simm.s32 $0x1  }
0x2: {  	[smem:$0x3F9B] =	sst lr;
	_ =	strace $0xD0000000  }
0x3: {  	_ = 	snop  }
0x4: {  	_ = 	snop  }
0x5: {  	_ = 	snop  }
0x6: {  	_ = 	snop  }
0x7: {  	_ = 	snop  }
__scs_overlays_trampoline_lowered:
0x8: {  	[smem:$0x3FAA] =	sst s0  }
0x9: {  	[smem:$0x3FAB] =	sst s1  }
0xa: {  	[smem:$0x3FAC] =	sst s2  }
0xb: {  	[smem:$0x3FAD] =	sst s3  }
0xc: {  	[smem:$0x3FAE] =	sst s4  }
0xd: {  	[smem:$0x3FAF] =	sst s5  }
0xe: {  	[smem:$0x3FB0] =	sst s6  }
0xf: {  	[smem:$0x3FB1] =	sst s7  }
0x10: {  	[smem:$0x3FB2] =	sst s8  }
0x11: {  	[smem:$0x3FB3] =	sst s9;
	s0 =	simm.s32 @!p0 $0x0  }
0x12: {  	s1 =	sld [smem:$0x3F99];
	s0 =	simm.s32 @p0 $0x1  }
0x13: {  	[smem:$0x3FB4] =	sst s0;
	s0 =	simm.s32 @!p1 $0x0  }
0x14: {  	s2 =	sld [smem:$0x3F98];
	s0 =	simm.s32 @p1 $0x1  }
0x15: {  	[smem:$0x3FB5] =	sst s0;
	s0 =	simm.s32 @!p2 $0x0  }
0x16: {  	s3 =	sld [smem:$0x3FDB];
	s0 =	simm.s32 @p2 $0x1  }
0x17: {  	s4 =	simm.s32 $0x1BF5;
	[smem:$0x3FB7] =	sst s0  }
0x18: {  	s0 =	sld [smem:$0x3F9A];
	_ =	swait.ge [sflag:s4], $0x0  }
0x19: {  	s7 =	sld [smem:$0x3F9B]  }
0x1a: {  	s8 =	sadd.s32 $0xFFFFE003, lr  }
0x1b: {  	s9 =	sadd.s32 $0xFFFFFEF7, lr;
	s5 =	simm.s32 $0xFFFFFFFF;
	p2 =	slt.u32 s8, $0xFFFFF086  }
0x1c: {  	p1 =	slt.u32 s9, $0xF7A;
	s5 =	simm.s32 @!p2 $0x0  }
0x1d: {  	s5 =	simm.s32 @p1 $0x1;
	p0 =	seq.s32 s7, s2  }
0x1e: {  	s7 =	smul.u32 @!p0 $0xF7A, s2;
	p2 =	seq.s32 @!p0 s5, $0x0  }
0x1f: {  	s9 =	smul.u32 $0xF7A, s1;
	s8 =	simm.s32 @!p0 $0x1BF5;
	p2 =	por !p2, p0  }
0x20: {  	[sflag:s8] =	ssyncset.s32 @!p0 $0xFFFFF086;
	s6 =	sadd.s32 @!p0 s3, s7;
	s7 =	simm.s32 @!p0 $0x108  }
0x21: {  	s3 =	sadd.s32 s3, s9;
	s6 =	sadd.s32 @!p0 $0x88, s6;
	s7 =	simm.s32 @p2 $0x1082  }
0x22: {  	[simem:s7], [sflag:s8] =	dma.local @!p0 [hbm:s6], $0xF7A  }
0x23: {  	s9 =	sor.u32 $0xD0000000, s2;
	s6 =	simm.s32 $0x108;
	_ =	swait.ge @!p0 [sflag:s8], $0x0  }
0x24: {  	s3 =	sadd.s32 $0x88, s3;
	s6 =	simm.s32 @!p1 $0x1082;
	[sflag:s4] =	ssyncset.s32 $0xFFFFF086  }
0x25: {  	[simem:s6], [sflag:s4] =	dma.local [hbm:s3], $0xF7A  }
0x26: {  	[smem:$0x3F9B] =	sst s1;
	(tag) =	ssettag s2;
	_ =	strace s9  }
0x27: {  	s1 =	sld [smem:$0x3FAB]  }
0x28: {  	s2 =	sld [smem:$0x3FAC]  }
0x29: {  	s4 =	sld [smem:$0x3FAE]  }
0x2a: {  	p0 =	seq.s32 s5, $0x0;
	s5 =	sld [smem:$0x3FAF]  }
0x2b: {  	s6 =	sld [smem:$0x3FB0]  }
0x2c: {  	s7 =	sld [smem:$0x3FB1]  }
0x2d: {  	s3 =	simm.s32 $0x108;
	s8 =	sld [smem:$0x3FB2]  }
0x2e: {  	s3 =	simm.s32 @!p0 $0x1082;
	s9 =	sld [smem:$0x3FB3]  }
0x2f: {  	lr =	sadd.s32 s0, s3;
	s0 =	sld [smem:$0x3FAA]  }
0x30: {  	s3 =	sld [smem:$0x3FAD]  }
0x31: {  	[smem:$0x3FB6] =	sst s10  }
0x32: {  	s10 =	sld [smem:$0x3FB4];
	_ =	sdelay $0x3  }
0x33: {  	p0 =	seq.s32 s10, $0x1;
	s10 =	sld [smem:$0x3FB6];
	_ =	sdelay $0x3  }
0x34: {  	[smem:$0x3FB6] =	sst s10  }
0x35: {  	s10 =	sld [smem:$0x3FB5];
	_ =	sdelay $0x3  }
0x36: {  	p1 =	seq.s32 s10, $0x1;
	s10 =	sld [smem:$0x3FB6];
	_ =	sdelay $0x3  }
0x37: {  	[smem:$0x3FB6] =	sst s10  }
0x38: {  	s10 =	sld [smem:$0x3FB7]  }
0x39: {  	_ = 	snop;
	(pc) =	sbr.ind lr, $3  }
0x3a: {  	_ = 	snop  }
0x3b: {  	_ = 	snop  }
0x3c: {  	p2 =	seq.s32 s10, $0x1;
	s10 =	sld [smem:$0x3FB6]  }
0x3d: {  	_ =	shalt  }
0x3e: {  	_ =	shalt  }
0x3f: {  	_ =	shalt  }
0x40: {  	_ =	shalt  }
0x41: {  	_ =	shalt  }
0x42: {  	_ =	shalt  }
0x43: {  	_ =	shalt  }
0x44: {  	_ =	shalt  }
0x45: {  	_ =	shalt  }
0x46: {  	_ =	shalt  }
0x47: {  	_ =	shalt  }
0x48: {  	_ =	shalt  }
0x49: {  	_ =	shalt  }
0x4a: {  	_ =	shalt  }
0x4b: {  	_ =	shalt  }
0x4c: {  	_ =	shalt  }
0x4d: {  	_ =	shalt  }
0x4e: {  	_ =	shalt  }
0x4f: {  	_ =	shalt  }
0x50: {  	_ =	shalt  }
0x51: {  	_ =	shalt  }
0x52: {  	_ =	shalt  }
0x53: {  	_ =	shalt  }
0x54: {  	_ =	shalt  }
0x55: {  	_ =	shalt  }
0x56: {  	_ =	shalt  }
0x57: {  	_ =	shalt  }
0x58: {  	_ =	shalt  }
0x59: {  	_ =	shalt  }
0x5a: {  	_ =	shalt  }
0x5b: {  	_ =	shalt  }
0x5c: {  	_ =	shalt  }
0x5d: {  	_ =	shalt  }
0x5e: {  	_ =	shalt  }
0x5f: {  	_ =	shalt  }
0x60: {  	_ =	shalt  }
0x61: {  	_ =	shalt  }
0x62: {  	_ =	shalt  }
0x63: {  	_ =	shalt  }
0x64: {  	_ =	shalt  }
0x65: {  	_ =	shalt  }
0x66: {  	_ =	shalt  }
0x67: {  	_ =	shalt  }
0x68: {  	_ =	shalt  }
0x69: {  	_ =	shalt  }
0x6a: {  	_ =	shalt  }
0x6b: {  	_ =	shalt  }
0x6c: {  	_ =	shalt  }
0x6d: {  	_ =	shalt  }
0x6e: {  	_ =	shalt  }
0x6f: {  	_ =	shalt  }
0x70: {  	_ =	shalt  }
0x71: {  	_ =	shalt  }
0x72: {  	_ =	shalt  }
0x73: {  	_ =	shalt  }
0x74: {  	_ =	shalt  }
0x75: {  	_ =	shalt  }
0x76: {  	_ =	shalt  }
0x77: {  	_ =	shalt  }
0x78: {  	_ =	shalt  }
0x79: {  	_ =	shalt  }
0x7a: {  	_ =	shalt  }
0x7b: {  	_ =	shalt  }
0x7c: {  	_ =	shalt  }
0x7d: {  	_ =	shalt  }
0x7e: {  	_ =	shalt  }
0x7f: {  	_ =	shalt  }
0x80: {  	_ =	shalt  }
0x81: {  	_ =	shalt  }
0x82: {  	_ =	shalt  }
0x83: {  	_ =	shalt  }
0x84: {  	_ =	shalt  }
0x85: {  	_ =	shalt  }
0x86: {  	_ =	shalt  }
0x87: {  	_ =	shalt  }
.Lfunc_end0:
.L_simem_size_0:
called_computation.1_lowered:
.L_overlay_start_0:
0x88: {  	s2 =	sld [smem:$0x3FD9]  }
0x89: {  	s3 =	sld [smem:$0x3FFE];
	_ =	sdelay $0x1  }
0x8a: {  	s1 =	srdreg.scid  }
0x8b: {  	s0 =	sand.u32 $0x1, s1  }
0x8c: {  	s16 =	sshll.u32 s0, $0xA;
	s2 =	sadd.s32 s3, s2  }
0x8d: {  	s2 =	sadd.s32 s2, s16  }
0x8e: {  	[smem:$0x3FC2] =	sst s2  }
0x8f: {  	_ = 	snop  }
0x90: {  	(tm) =	ssettm $0x1  }
0x91: {  	s17 =	sld [smem:$0x3FFB];
	_ =	sdelay $0x3  }
0x92: {  	_ =	strace s17  }
0x93: {  	s2 =	sld [smem:$0x3FFC];
	_ =	sdelay $0x3  }
0x94: {  	_ =	strace s2  }
0x95: {  	s2 =	sld [smem:$0x3FFD];
	_ =	sdelay $0x3  }
0x96: {  	_ =	strace s2  }
0x97: {  	_ =	strace $0x8FFFFFFF  }
0x98: {  	s18 =	sld [smem:$0x3FDB];
	_ =	sdelay $0x1  }
0x99: {  	s19 =	simm.s32 $_scs_section_size  }
0x9a: {  	s4 =	simm.s32 $_size__tile_overlayer_lowered;
	s5 =	simm.s32 $_tile_overlayer_lowered  }
0x9b: {  	s22 =	simm.s32 $0x1BFF;
	s21 =	sshll.u32 s5, $0x1;
	s2 =	sadd.s32 s19, s18  }
0x9c: {  	s6 =	simm.s32 $0x0;
	s20 =	sshll.u32 s4, $0x1;
	s4 =	sadd.s32 s21, s2  }
0x9d: {  	[timem:s6], [sflag:s22] =	dma.local [hbm:s4], s20  }
0x9e: {  	_ =	swait.ge [sflag:s22], s20  }
0x9f: {  	s3 =	ssub.s32 $0x0, s20;
	[sflag:s22] =	ssyncset.done $0x0  }
0xa0: {  	[sflag:s22] =	ssyncadd.s32 s3;
	_ =	sdelay $0x1  }
0xa1: {  	s23 =	simm.s32 $0x1B8B  }
0xa2: {  	_ =	swait.ge [sflag:s23], $0x1  }
0xa3: {  	[sflag:s23] =	ssyncset.done $0x0  }
0xa4: {  	s25 =	simm.s32 $0x1B8E;
	s24 =	sld [smem:$0x3FFE];
	[sflag:s23] =	ssyncadd.s32 $0xFFFFFFFF  }
0xa5: {  	s26 =	simm.s32 $execute0_lowered;
	[smem:$0x3FD2] =	sst s25  }
0xa6: {  	s4 =	sshll.u32 s26, $0x1;
	_ =	strace $0x80000049;
	[dreg:$0x1] =	wrdreg $0xFFFFFFFF  }
0xa7: {  	s28 =	simm.s32 $_size_execute0_lowered;
	s2 =	sadd.s32 s2, s4;
	[dreg:$0x0] =	wrdreg $0x0  }
0xa8: {  	s4 =	sshll.u32 s28, $0x1;
	[dreg:$0x2] =	wrdreg s2  }
0xa9: {  	[dreg:$0x3] =	wrdreg s4  }
0xaa: {  	[dreg:$0x4] =	wrdreg $0xC0  }
0xab: {  	_ =	task [dreg:s6], $0x5FFFF  }
0xac: {  	[dreg:$0x1] =	wrdreg $0xFFFFFFFF  }
0xad: {  	[dreg:$0x0] =	wrdreg $0x60  }
0xae: {  	[dreg:$0x2] =	wrdreg s24  }
0xaf: {  	[dreg:$0x3] =	wrdreg $0xE0000  }
0xb0: {  	[dreg:$0x4] =	wrdreg $0xB8000  }
0xb1: {  	[dreg:$0x5] =	wrdreg $0x9  }
0xb2: {  	_ =	task.clear_ibuf [dreg:s6], $0x6FFFF;
	_ =	strace $0x90000049  }
0xb3: {  	s29 =	simm.s32 $0x9;
	_ =	strace $0x8000004B  }
0xb4: {  	_ =	swait.ge [sflag:s29], $0x1  }
0xb5: {  	[sflag:s29] =	ssyncadd.s32 $0xFFFFFFFF  }
0xb6: {  	_ =	strace $0x9000004B  }
0xb7: {  	_ =	sfence  }
0xb8: {  	s30 =	sld [smem:$0x0];
	_ =	sdelay $0x2  }
0xb9: {  	s31 =	sshll.u32 s1, $0xD;
	s1 =	sshrl.u32 s1, $0x2  }
0xba: {  	s3 =	sand.u32 $0x4000, s31;
	s1 =	sadd.s32 s1, s30  }
0xbb: {  	s0 =	sor.u32 s3, s0;
	s1 =	sshll.u32 s1, $0x11  }
0xbc: {  	s0 =	sor.u32 s1, s0  }
0xbd: {  	s0 =	sadd.s32 $0x8F2B, s0  }
0xbe: {  	[sflag:s0] =	ssyncadd.remote.s32 $0x1  }
0xbf: {  	_ =	sfence.sel $0xFFFF  }
0xc0: {  	[dreg:$0x0] =	wrdreg $0xFFFFFFFF;
	(pc) =	sbr.abs _section_cstart, $3  }
0xc1: {  	[dreg:$0x1] =	wrdreg $0xFFFFFFFF  }
0xc2: {  	_ =	task.clear_ibuf [dreg:s6], $0x2FFFF;
	_ =	strace $0x9FFFFFFF  }
0xc3: {  	(tm) =	ssettm $0x7FFFFFFF  }
tec
execute0_lowered:
.L_overlay_start_1:
0x0: {  	(tag) =	ssettag $0x1  }
0x1: {  	s5 =	rddreg [dreg:$0x0]  }
0x2: {  	s2 =	rddreg [dreg:$0x1];
	s4 =	srdreg.scid  }
0x3: {  	s3 =	rddreg [dreg:$0x2];
	s23 =	sand.u32 $0x1, s4;
	s4 =	simm.s32 $0x0  }
0x4: {  	s10 =	sadd.s32 $0x16000, s5;
	[smem:$0x7FF] =	sst s4  }
0x5: {  	s11 =	simm.s32 $0x400;
	_ =	strace $0x8000004A;
	[dreg:$0x4] =	wrdreg s10  }
0x6: {  	s12 =	simm.s32 $0x2A00;
	[dreg:$0xa] =	wrdreg s11  }
0x7: {  	s13 =	simm.s32 $0x600;
	[dreg:$0xb] =	wrdreg s12  }
0x8: {  	s14 =	simm.s32 $0x2C00;
	[dreg:$0xc] =	wrdreg s13  }
0x9: {  	s15 =	simm.s32 $0x800;
	[dreg:$0xd] =	wrdreg s14  }
0xa: {  	s16 =	simm.s32 $0x2E00;
	[dreg:$0xe] =	wrdreg s15  }
0xb: {  	s17 =	simm.s32 $0xA00;
	[dreg:$0xf] =	wrdreg s16  }
0xc: {  	s18 =	simm.s32 $0x3000;
	[dreg:$0x10] =	wrdreg s17  }
0xd: {  	s0 =	stileid.u32;
	s19 =	simm.s32 $0xC00;
	[dreg:$0x11] =	wrdreg s18  }
0xe: {  	s20 =	simm.s32 $0x3200;
	s21 =	simm.s32 $0xE00;
	[dreg:$0x12] =	wrdreg s19  }
0xf: {  	s22 =	simm.s32 $0x3400;
	s24 =	simm.s32 $0x1000;
	[dreg:$0x13] =	wrdreg s20  }
0x10: {  	s25 =	simm.s32 $0x3600;
	s26 =	simm.s32 $0x1200;
	[dreg:$0x14] =	wrdreg s21  }
0x11: {  	s6 =	sshll.u32 s0, $0x1;
	s7 =	smul.u32 $0x2800, s0;
	[dreg:$0x15] =	wrdreg s22  }
0x12: {  	s6 =	sor.u32 s23, s6;
	s9 =	smul.u32 $0x28000, s23;
	[dreg:$0x16] =	wrdreg s24  }
0x13: {  	s6 =	smul.u32 $0x2710, s6;
	s8 =	sshrl.u32 s7, $0x3;
	[dreg:$0x17] =	wrdreg s25  }
0x14: {  	[dreg:$0x18] =	wrdreg s26;
	s11 =	simm.s32 $0x1800;
	s13 =	simm.s32 $0x3E00  }
0x15: {  	s8 =	sadd.s32 s8, s5;
	s9 =	sadd.s32 s7, s9;
	[dreg:$0x1e] =	wrdreg s11  }
0x16: {  	[dreg:$0x1f] =	wrdreg s13;
	s6 =	sshrl.u32 s6, $0x3;
	s8 =	sadd.s32 $0x16600, s8  }
0x17: {  	s6 =	sadd.s32 s6, s5;
	[dreg:$0x7] =	wrdreg s8;
	s8 =	simm.s32 $0x3A00  }
0x18: {  	s9 =	sshrl.u32 s9, $0x3;
	s1 =	sadd.s32 $0x2200, s6;
	[dreg:$0x1b] =	wrdreg s8  }
0x19: {  	s5 =	sadd.s32 s9, s5;
	s6 =	sadd.s32 $0xBE40, s6;
	[dreg:$0x5] =	wrdreg s1  }
0x1a: {  	s9 =	sadd.s32 s7, s3;
	s5 =	sadd.s32 $0x1B600, s5;
	[dreg:$0x6] =	wrdreg s6  }
0x1b: {  	s10 =	sshrl.u32 s9, $0x3;
	[dreg:$0x8] =	wrdreg s5  }
0x1c: {  	s9 =	simm.s32 $0x1600;
	[dreg:$0x9] =	wrdreg s10  }
0x1d: {  	s1 =	simm.s32 $0x3800;
	[dreg:$0x1c] =	wrdreg s9  }
0x1e: {  	s6 =	simm.s32 $0x1400;
	[dreg:$0x19] =	wrdreg s1  }
0x1f: {  	s10 =	simm.s32 $0x3C00;
	[dreg:$0x1a] =	wrdreg s6  }
0x20: {  	[dreg:$0x1d] =	wrdreg s10  }
0x21: {  	s5 =	simm.s32 $0x3;
	s12 =	rddreg [dreg:$0x5]  }
0x22: {  	[tilespmem:s4], [sflag:$0x3] =	stream.linear.gather [hbm4b:s12+s4], $0x2710, $0x38;
	[tilespmem:$0x10800] =	vst v63  }
0x23: {  	_ =	swait.ge [sflag:s5], $0x2710  }
0x24: {  	[sflag:s5] =	ssyncset.done $0x0  }
0x25: {  	v0 =	vimm.s32 $0x2710;
	[sflag:s5] =	ssyncadd.s32 $0xFFFFD8F0  }
0x26: {  	[tilespmem:$0x27F0] =	vst v0  }
0x27: {  	[tilespmem:$0x27E0] =	vst v0  }
0x28: {  	[tilespmem:$0x27D0] =	vst v0  }
0x29: {  	[tilespmem:$0x27C0] =	vst v0  }
0x2a: {  	[tilespmem:$0x27B0] =	vst v0  }
0x2b: {  	[tilespmem:$0x27A0] =	vst v0  }
0x2c: {  	[tilespmem:$0x2790] =	vst v0  }
0x2d: {  	[tilespmem:$0x2780] =	vst v0  }
0x2e: {  	[tilespmem:$0x2770] =	vst v0  }
0x2f: {  	[tilespmem:$0x2760] =	vst v0  }
0x30: {  	[tilespmem:$0x2750] =	vst v0  }
0x31: {  	[tilespmem:$0x2740] =	vst v0  }
0x32: {  	[tilespmem:$0x2730] =	vst v0  }
0x33: {  	[tilespmem:$0x2710] =	vst v0  }
0x34: {  	s6 =	simm.s32 $0x2800;
	s14 =	rddreg [dreg:$0x6];
	[tilespmem:$0x2720] =	vst v0  }
0x35: {  	[tilespmem:s6], [sflag:$0x3] =	stream.linear.gather [hbm4b:s14+s4], $0x2710, $0x38;
	[tilespmem:$0x10800] =	vst v63  }
0x36: {  	_ =	swait.ge [sflag:s5], $0x2710  }
0x37: {  	[sflag:s5] =	ssyncset.done $0x0  }
0x38: {  	[sflag:s5] =	ssyncadd.s32 $0xFFFFD8F0  }
0x39: {  	[tilespmem:$0x4F10] =	vst v0  }
0x3a: {  	[tilespmem:$0x4F20] =	vst v0  }
0x3b: {  	[tilespmem:$0x4F30] =	vst v0  }
0x3c: {  	[tilespmem:$0x4FE0] =	vst v0  }
0x3d: {  	[tilespmem:$0x4FF0] =	vst v0  }
0x3e: {  	[tilespmem:$0x4FC0] =	vst v0  }
0x3f: {  	[tilespmem:$0x4FA0] =	vst v0  }
0x40: {  	[tilespmem:$0x4FD0] =	vst v0  }
0x41: {  	[tilespmem:$0x4F70] =	vst v0  }
0x42: {  	[tilespmem:$0x4FB0] =	vst v0  }
0x43: {  	[tilespmem:$0x4F90] =	vst v0  }
0x44: {  	[tilespmem:$0x4F60] =	vst v0  }
0x45: {  	[tilespmem:$0x4F80] =	vst v0  }
0x46: {  	[tilespmem:$0x4F40] =	vst v0  }
0x47: {  	s10 =	simm.s32 $0x9000;
	s15 =	rddreg [dreg:$0x4];
	[tilespmem:$0x4F50] =	vst v0  }
0x48: {  	[tilespmem:s10], [sflag:$0x3] =	stream.linear.gather [hbm4b:s15+s4], $0x2800, $0x38;
	[tilespmem:$0x10800] =	vst v63  }
0x49: {  	_ =	swait.ge [sflag:s5], $0x2800  }
0x4a: {  	[sflag:s5] =	ssyncset.done $0x0  }
0x4b: {  	s7 =	sadd.s32 s7, s2;
	[sflag:s5] =	ssyncadd.s32 $0xFFFFD800  }
0x4c: {  	[spmem:s7] =	stream.linear.scatter [tilespmem:s10], [sflag:$0x3], $0x2800, $0x38;
	[tilespmem:$0x10800] =	vst v63  }
0x4d: {  	_ =	swait.ge [sflag:s5], $0x2800  }
0x4e: {  	s17 =	sshll.u32 s0, $0x6;
	s16 =	rddreg [dreg:$0x7];
	[sflag:s5] =	ssyncset.done $0x0  }
0x4f: {  	s8 =	sor.u32 $0x1C03, s17;
	s11 =	rddreg [dreg:$0x9];
	[sflag:s5] =	ssyncadd.s32 $0xFFFFD800  }
0x50: {  	[spmem:s11], [sflag:s8] =	dma.local [hbm:s16], $0x500  }
0x51: {  	_ =	swait.ge [sflag:s5], $0x500  }
0x52: {  	[sflag:s5] =	ssyncset.done $0x0  }
0x53: {  	s9 =	simm.s32 $0x1;
	[sflag:s5] =	ssyncadd.s32 $0xFFFFFB00  }
0x54: {  	s12 =	simm.s32 $0x5000;
	s11 =	simm.s32 $0x200;
	[bflag:$0x0] =	sbarrier.arrive $0xFFFF  }
0x55: {  	[tilespmem:s12], [sflag:$0x1] =	stream.indirect.gather [spmem:s3], $0x10, s4, s11, $0xb8;
	[tilespmem:$0x10800] =	vst v63  }
0x56: {  	_ =	swait.ge [sflag:s9], $0x2000  }
0x57: {  	[sflag:s9] =	ssyncset.done $0x0  }
0x58: {  	s13 =	simm.s32 $0x7000;
	[sflag:s9] =	ssyncadd.s32 $0xFFFFE000  }
0x59: {  	[tilespmem:s13], [sflag:$0x2] =	stream.indirect.gather [spmem:s3], $0x10, s11, s11, $0xb8;
	[tilespmem:$0x10800] =	vst v63  }
0x5a: {  	_ = 	snop  }
0x5b: {  	[spmem:s2] =	stream.indirect.scatter.add.f32 [tilespmem:s12], [sflag:$0x3], $0x10, s6, s11, $0xb8;
	[tilespmem:$0x10800] =	vst v63  }
0x5c: {  	_ =	swait.ge [sflag:s5], $0x2000  }
0x5d: {  	[sflag:s5] =	ssyncset.done $0x0  }
0x5e: {  	s14 =	simm.s32 $0x2;
	s15 =	rddreg [dreg:$0xa];
	[sflag:s5] =	ssyncadd.s32 $0xFFFFE000  }
0x5f: {  	[tilespmem:s12], [sflag:$0x1] =	stream.indirect.gather [spmem:s3], $0x10, s15, s11, $0xb8;
	[tilespmem:$0x10800] =	vst v63  }
0x60: {  	_ =	swait.ge [sflag:s14], $0x2000  }
0x61: {  	[sflag:s14] =	ssyncset.done $0x0  }
0x62: {  	s18 =	rddreg [dreg:$0xb];
	[sflag:s14] =	ssyncadd.s32 $0xFFFFE000  }
0x63: {  	[spmem:s2] =	stream.indirect.scatter.add.f32 [tilespmem:s13], [sflag:$0x3], $0x10, s18, s11, $0xb8;
	[tilespmem:$0x10800] =	vst v63  }
0x64: {  	_ =	swait.ge [sflag:s5], $0x2000  }
0x65: {  	[sflag:s5] =	ssyncset.done $0x0  }
0x66: {  	[sflag:s5] =	ssyncadd.s32 $0xFFFFE000  }
0x67: {  	_ =	swait.ge [sflag:s9], $0x2000  }
0x68: {  	[sflag:s9] =	ssyncset.done $0x0  }
0x69: {  	s19 =	rddreg [dreg:$0xc];
	[sflag:s9] =	ssyncadd.s32 $0xFFFFE000  }
0x6a: {  	[tilespmem:s13], [sflag:$0x2] =	stream.indirect.gather [spmem:s3], $0x10, s19, s11, $0xb8;
	[tilespmem:$0x10800] =	vst v63  }
0x6b: {  	s16 =	rddreg [dreg:$0xd]  }
0x6c: {  	[spmem:s2] =	stream.indirect.scatter.add.f32 [tilespmem:s12], [sflag:$0x3], $0x10, s16, s11, $0xb8;
	[tilespmem:$0x10800] =	vst v63  }
0x6d: {  	_ =	swait.ge [sflag:s5], $0x2000  }
0x6e: {  	[sflag:s5] =	ssyncset.done $0x0  }
0x6f: {  	s20 =	rddreg [dreg:$0xe];
	[sflag:s5] =	ssyncadd.s32 $0xFFFFE000  }
0x70: {  	[tilespmem:s12], [sflag:$0x1] =	stream.indirect.gather [spmem:s3], $0x10, s20, s11, $0xb8;
	[tilespmem:$0x10800] =	vst v63  }
0x71: {  	_ =	swait.ge [sflag:s14], $0x2000  }
0x72: {  	[sflag:s14] =	ssyncset.done $0x0  }
0x73: {  	s21 =	rddreg [dreg:$0xf];
	[sflag:s14] =	ssyncadd.s32 $0xFFFFE000  }
0x74: {  	[spmem:s2] =	stream.indirect.scatter.add.f32 [tilespmem:s13], [sflag:$0x3], $0x10, s21, s11, $0xb8;
	[tilespmem:$0x10800] =	vst v63  }
0x75: {  	_ =	swait.ge [sflag:s5], $0x2000  }
0x76: {  	[sflag:s5] =	ssyncset.done $0x0  }
0x77: {  	[sflag:s5] =	ssyncadd.s32 $0xFFFFE000  }
0x78: {  	_ =	swait.ge [sflag:s9], $0x2000  }
0x79: {  	[sflag:s9] =	ssyncset.done $0x0  }
0x7a: {  	s22 =	rddreg [dreg:$0x10];
	[sflag:s9] =	ssyncadd.s32 $0xFFFFE000  }
0x7b: {  	[tilespmem:s13], [sflag:$0x2] =	stream.indirect.gather [spmem:s3], $0x10, s22, s11, $0xb8;
	[tilespmem:$0x10800] =	vst v63  }
0x7c: {  	s24 =	rddreg [dreg:$0x11]  }
0x7d: {  	[spmem:s2] =	stream.indirect.scatter.add.f32 [tilespmem:s12], [sflag:$0x3], $0x10, s24, s11, $0xb8;
	[tilespmem:$0x10800] =	vst v63  }
0x7e: {  	_ =	swait.ge [sflag:s5], $0x2000  }
0x7f: {  	[sflag:s5] =	ssyncset.done $0x0  }
0x80: {  	s25 =	rddreg [dreg:$0x12];
	[sflag:s5] =	ssyncadd.s32 $0xFFFFE000  }
0x81: {  	[tilespmem:s12], [sflag:$0x1] =	stream.indirect.gather [spmem:s3], $0x10, s25, s11, $0xb8;
	[tilespmem:$0x10800] =	vst v63  }
0x82: {  	_ =	swait.ge [sflag:s14], $0x2000  }
0x83: {  	[sflag:s14] =	ssyncset.done $0x0  }
0x84: {  	s26 =	rddreg [dreg:$0x13];
	[sflag:s14] =	ssyncadd.s32 $0xFFFFE000  }
0x85: {  	[spmem:s2] =	stream.indirect.scatter.add.f32 [tilespmem:s13], [sflag:$0x3], $0x10, s26, s11, $0xb8;
	[tilespmem:$0x10800] =	vst v63  }
0x86: {  	_ =	swait.ge [sflag:s5], $0x2000  }
0x87: {  	[sflag:s5] =	ssyncset.done $0x0  }
0x88: {  	[sflag:s5] =	ssyncadd.s32 $0xFFFFE000  }
0x89: {  	_ =	swait.ge [sflag:s9], $0x2000  }
0x8a: {  	[sflag:s9] =	ssyncset.done $0x0  }
0x8b: {  	s0 =	rddreg [dreg:$0x14];
	[sflag:s9] =	ssyncadd.s32 $0xFFFFE000  }
0x8c: {  	[tilespmem:s13], [sflag:$0x2] =	stream.indirect.gather [spmem:s3], $0x10, s0, s11, $0xb8;
	[tilespmem:$0x10800] =	vst v63  }
0x8d: {  	s1 =	rddreg [dreg:$0x15]  }
0x8e: {  	[spmem:s2] =	stream.indirect.scatter.add.f32 [tilespmem:s12], [sflag:$0x3], $0x10, s1, s11, $0xb8;
	[tilespmem:$0x10800] =	vst v63  }
0x8f: {  	_ =	swait.ge [sflag:s5], $0x2000  }
0x90: {  	[sflag:s5] =	ssyncset.done $0x0  }
0x91: {  	s16 =	rddreg [dreg:$0x16];
	[sflag:s5] =	ssyncadd.s32 $0xFFFFE000  }
0x92: {  	[tilespmem:s12], [sflag:$0x1] =	stream.indirect.gather [spmem:s3], $0x10, s16, s11, $0xb8;
	[tilespmem:$0x10800] =	vst v63  }
0x93: {  	_ =	swait.ge [sflag:s14], $0x2000  }
0x94: {  	[sflag:s14] =	ssyncset.done $0x0  }
0x95: {  	s17 =	rddreg [dreg:$0x17];
	[sflag:s14] =	ssyncadd.s32 $0xFFFFE000  }
0x96: {  	[spmem:s2] =	stream.indirect.scatter.add.f32 [tilespmem:s13], [sflag:$0x3], $0x10, s17, s11, $0xb8;
	[tilespmem:$0x10800] =	vst v63  }
0x97: {  	_ =	swait.ge [sflag:s5], $0x2000  }
0x98: {  	[sflag:s5] =	ssyncset.done $0x0  }
0x99: {  	[sflag:s5] =	ssyncadd.s32 $0xFFFFE000  }
0x9a: {  	_ =	swait.ge [sflag:s9], $0x2000  }
0x9b: {  	[sflag:s9] =	ssyncset.done $0x0  }
0x9c: {  	s18 =	rddreg [dreg:$0x18];
	[sflag:s9] =	ssyncadd.s32 $0xFFFFE000  }
0x9d: {  	[tilespmem:s13], [sflag:$0x2] =	stream.indirect.gather [spmem:s3], $0x10, s18, s11, $0xb8;
	[tilespmem:$0x10800] =	vst v63  }
0x9e: {  	s19 =	rddreg [dreg:$0x19]  }
0x9f: {  	[spmem:s2] =	stream.indirect.scatter.add.f32 [tilespmem:s12], [sflag:$0x3], $0x10, s19, s11, $0xb8;
	[tilespmem:$0x10800] =	vst v63  }
0xa0: {  	_ =	swait.ge [sflag:s5], $0x2000  }
0xa1: {  	[sflag:s5] =	ssyncset.done $0x0  }
0xa2: {  	s20 =	rddreg [dreg:$0x1a];
	[sflag:s5] =	ssyncadd.s32 $0xFFFFE000  }
0xa3: {  	[tilespmem:s12], [sflag:$0x1] =	stream.indirect.gather [spmem:s3], $0x10, s20, s11, $0xb8;
	[tilespmem:$0x10800] =	vst v63  }
0xa4: {  	_ =	swait.ge [sflag:s14], $0x2000  }
0xa5: {  	[sflag:s14] =	ssyncset.done $0x0  }
0xa6: {  	s21 =	rddreg [dreg:$0x1b];
	[sflag:s14] =	ssyncadd.s32 $0xFFFFE000  }
0xa7: {  	[spmem:s2] =	stream.indirect.scatter.add.f32 [tilespmem:s13], [sflag:$0x3], $0x10, s21, s11, $0xb8;
	[tilespmem:$0x10800] =	vst v63  }
0xa8: {  	_ =	swait.ge [sflag:s5], $0x2000  }
0xa9: {  	[sflag:s5] =	ssyncset.done $0x0  }
0xaa: {  	[sflag:s5] =	ssyncadd.s32 $0xFFFFE000  }
0xab: {  	_ =	swait.ge [sflag:s9], $0x2000  }
0xac: {  	[sflag:s9] =	ssyncset.done $0x0  }
0xad: {  	s22 =	rddreg [dreg:$0x1c];
	[sflag:s9] =	ssyncadd.s32 $0xFFFFE000  }
0xae: {  	[tilespmem:s13], [sflag:$0x2] =	stream.indirect.gather [spmem:s3], $0x10, s22, s11, $0xb8;
	[tilespmem:$0x10800] =	vst v63  }
0xaf: {  	s24 =	rddreg [dreg:$0x1d]  }
0xb0: {  	[spmem:s2] =	stream.indirect.scatter.add.f32 [tilespmem:s12], [sflag:$0x3], $0x10, s24, s11, $0xb8;
	[tilespmem:$0x10800] =	vst v63  }
0xb1: {  	_ =	swait.ge [sflag:s5], $0x2000  }
0xb2: {  	[sflag:s5] =	ssyncset.done $0x0  }
0xb3: {  	s25 =	rddreg [dreg:$0x1e];
	[sflag:s5] =	ssyncadd.s32 $0xFFFFE000  }
0xb4: {  	[tilespmem:s12], [sflag:$0x1] =	stream.indirect.gather [spmem:s3], $0x10, s25, s11, $0xb8;
	[tilespmem:$0x10800] =	vst v63  }
0xb5: {  	_ =	swait.ge [sflag:s14], $0x2000  }
0xb6: {  	[sflag:s14] =	ssyncset.done $0x0  }
0xb7: {  	s26 =	rddreg [dreg:$0x1f];
	[sflag:s14] =	ssyncadd.s32 $0xFFFFE000  }
0xb8: {  	[spmem:s2] =	stream.indirect.scatter.add.f32 [tilespmem:s13], [sflag:$0x3], $0x10, s26, s11, $0xb8;
	[tilespmem:$0x10800] =	vst v63  }
0xb9: {  	_ =	swait.ge [sflag:s5], $0x2000  }
0xba: {  	[sflag:s5] =	ssyncset.done $0x0  }
0xbb: {  	[sflag:s5] =	ssyncadd.s32 $0xFFFFE000  }
0xbc: {  	_ =	swait.ge [sflag:s9], $0x2000  }
0xbd: {  	[sflag:s9] =	ssyncset.done $0x0  }
0xbe: {  	s15 =	simm.s32 $0x1A00;
	[sflag:s9] =	ssyncadd.s32 $0xFFFFE000  }
0xbf: {  	[tilespmem:s13], [sflag:$0x2] =	stream.indirect.gather [spmem:s3], $0x10, s15, s11, $0xb8;
	[tilespmem:$0x10800] =	vst v63  }
0xc0: {  	s16 =	simm.s32 $0x4000  }
0xc1: {  	[spmem:s2] =	stream.indirect.scatter.add.f32 [tilespmem:s12], [sflag:$0x3], $0x10, s16, s11, $0xb8;
	[tilespmem:$0x10800] =	vst v63  }
0xc2: {  	_ =	swait.ge [sflag:s5], $0x2000  }
0xc3: {  	[sflag:s5] =	ssyncset.done $0x0  }
0xc4: {  	s17 =	simm.s32 $0x1C00;
	[sflag:s5] =	ssyncadd.s32 $0xFFFFE000  }
0xc5: {  	[tilespmem:s12], [sflag:$0x1] =	stream.indirect.gather [spmem:s3], $0x10, s17, s11, $0xb8;
	[tilespmem:$0x10800] =	vst v63  }
0xc6: {  	_ =	swait.ge [sflag:s14], $0x2000  }
0xc7: {  	[sflag:s14] =	ssyncset.done $0x0  }
0xc8: {  	s18 =	simm.s32 $0x4200;
	[sflag:s14] =	ssyncadd.s32 $0xFFFFE000  }
0xc9: {  	[spmem:s2] =	stream.indirect.scatter.add.f32 [tilespmem:s13], [sflag:$0x3], $0x10, s18, s11, $0xb8;
	[tilespmem:$0x10800] =	vst v63  }
0xca: {  	_ =	swait.ge [sflag:s5], $0x2000  }
0xcb: {  	[sflag:s5] =	ssyncset.done $0x0  }
0xcc: {  	[sflag:s5] =	ssyncadd.s32 $0xFFFFE000  }
0xcd: {  	_ =	swait.ge [sflag:s9], $0x2000  }
0xce: {  	[sflag:s9] =	ssyncset.done $0x0  }
0xcf: {  	s19 =	simm.s32 $0x1E00;
	[sflag:s9] =	ssyncadd.s32 $0xFFFFE000  }
0xd0: {  	[tilespmem:s13], [sflag:$0x2] =	stream.indirect.gather [spmem:s3], $0x10, s19, s11, $0xb8;
	[tilespmem:$0x10800] =	vst v63  }
0xd1: {  	s20 =	simm.s32 $0x4400  }
0xd2: {  	[spmem:s2] =	stream.indirect.scatter.add.f32 [tilespmem:s12], [sflag:$0x3], $0x10, s20, s11, $0xb8;
	[tilespmem:$0x10800] =	vst v63  }
0xd3: {  	_ =	swait.ge [sflag:s5], $0x2000  }
0xd4: {  	[sflag:s5] =	ssyncset.done $0x0  }
0xd5: {  	s21 =	simm.s32 $0x2000;
	[sflag:s5] =	ssyncadd.s32 $0xFFFFE000  }
0xd6: {  	[tilespmem:s12], [sflag:$0x1] =	stream.indirect.gather [spmem:s3], $0x10, s21, s11, $0xb8;
	[tilespmem:$0x10800] =	vst v63  }
0xd7: {  	_ =	swait.ge [sflag:s14], $0x2000  }
0xd8: {  	[sflag:s14] =	ssyncset.done $0x0  }
0xd9: {  	s22 =	simm.s32 $0x4600;
	[sflag:s14] =	ssyncadd.s32 $0xFFFFE000  }
0xda: {  	[spmem:s2] =	stream.indirect.scatter.add.f32 [tilespmem:s13], [sflag:$0x3], $0x10, s22, s11, $0xb8;
	[tilespmem:$0x10800] =	vst v63  }
0xdb: {  	_ =	swait.ge [sflag:s5], $0x2000  }
0xdc: {  	[sflag:s5] =	ssyncset.done $0x0  }
0xdd: {  	[sflag:s5] =	ssyncadd.s32 $0xFFFFE000  }
0xde: {  	_ =	swait.ge [sflag:s9], $0x2000  }
0xdf: {  	[sflag:s9] =	ssyncset.done $0x0  }
0xe0: {  	s24 =	simm.s32 $0x2200;
	s26 =	ssub.s32 $0x2, s23;
	[sflag:s9] =	ssyncadd.s32 $0xFFFFE000  }
0xe1: {  	[tilespmem:s13], [sflag:$0x2] =	stream.indirect.gather [spmem:s3], $0x10, s24, s11, $0xb8;
	[tilespmem:$0x10800] =	vst v63  }
0xe2: {  	s25 =	simm.s32 $0x4800;
	s28 =	sshrl.u32 s26, $0x1  }
0xe3: {  	[spmem:s2] =	stream.indirect.scatter.add.f32 [tilespmem:s12], [sflag:$0x3], $0x10, s25, s11, $0xb8;
	[tilespmem:$0x10800] =	vst v63  }
0xe4: {  	s26 =	ssub.s32 s26, s28;
	_ =	swait.ge [sflag:s5], $0x2000  }
0xe5: {  	s26 =	smax.u32 s26, $0x1;
	[sflag:s5] =	ssyncset.done $0x0  }
0xe6: {  	s23 =	simm.s32 $0x2400;
	p0 =	sne.s32 s26, $0x1;
	[sflag:s5] =	ssyncadd.s32 $0xFFFFE000  }
0xe7: {  	[tilespmem:s12], [sflag:$0x1] =	stream.indirect.gather [spmem:s3], $0x10, s23, s11, $0xb8;
	[tilespmem:$0x10800] =	vst v63  }
.Ltmp0:
0xe8: {  	_ =	swait.ge [sflag:s14], $0x2000;
	(pc) =	sbr.rel @!p0 .LBB2_2-.Ltmp0, $4  }
0xe9: {  	s30 =	simm.s32 $0x4A00;
	[sflag:s14] =	ssyncset.done $0x0  }
0xea: {  	s29 =	simm.s32 $0x4C00;
	s28 =	simm.s32 $0x2600;
	[sflag:s14] =	ssyncadd.s32 $0xFFFFE000  }
0xeb: {  	[spmem:s2] =	stream.indirect.scatter.add.f32 [tilespmem:s13], [sflag:$0x3], $0x10, s30, s11, $0xb8;
	[tilespmem:$0x10800] =	vst v63  }
0xec: {  	s31 =	sadd.s32 $0xFFFFFFFF, s26;
	s26 =	simm.s32 $0x4E00;
	_ =	swait.ge [sflag:s5], $0x2000  }
.LBB2_1:
0xed: {  	[sflag:s5] =	ssyncset.done $0x0  }
0xee: {  	[sflag:s5] =	ssyncadd.s32 $0xFFFFE000  }
0xef: {  	_ =	swait.ge [sflag:s9], $0x2000  }
0xf0: {  	[sflag:s9] =	ssyncset.done $0x0  }
0xf1: {  	[sflag:s9] =	ssyncadd.s32 $0xFFFFE000  }
0xf2: {  	[tilespmem:s13], [sflag:$0x2] =	stream.indirect.gather [spmem:s3], $0x10, s28, s11, $0xb8;
	[tilespmem:$0x10800] =	vst v63  }
0xf3: {  	_ = 	snop  }
0xf4: {  	[spmem:s2] =	stream.indirect.scatter.add.f32 [tilespmem:s12], [sflag:$0x3], $0x10, s29, s11, $0xb8;
	[tilespmem:$0x10800] =	vst v63  }
0xf5: {  	_ =	swait.ge [sflag:s5], $0x2000  }
0xf6: {  	[sflag:s5] =	ssyncset.done $0x0  }
0xf7: {  	[sflag:s5] =	ssyncadd.s32 $0xFFFFE000  }
0xf8: {  	[tilespmem:s12], [sflag:$0x1] =	stream.indirect.gather [spmem:s3], $0x10, s23, s11, $0xb8;
	[tilespmem:$0x10800] =	vst v63  }
0xf9: {  	_ =	swait.ge [sflag:s14], $0x2000  }
0xfa: {  	[sflag:s14] =	ssyncset.done $0x0  }
0xfb: {  	[sflag:s14] =	ssyncadd.s32 $0xFFFFE000  }
0xfc: {  	[spmem:s2] =	stream.indirect.scatter.add.f32 [tilespmem:s13], [sflag:$0x3], $0x10, s26, s11, $0xb8;
	[tilespmem:$0x10800] =	vst v63  }
0xfd: {  	_ =	swait.ge [sflag:s5], $0x2000  }
0xfe: {  	[sflag:s5] =	ssyncset.done $0x0  }
0xff: {  	[sflag:s5] =	ssyncadd.s32 $0xFFFFE000  }
0x100: {  	_ =	swait.ge [sflag:s9], $0x2000  }
0x101: {  	[sflag:s9] =	ssyncset.done $0x0  }
0x102: {  	[sflag:s9] =	ssyncadd.s32 $0xFFFFE000  }
0x103: {  	[bflag:$0x0] =	sbarrier.arrive $0xFFFF  }
0x104: {  	s1 =	sshrl.u32 s7, $0x3;
	s0 =	rddreg [dreg:$0x8]  }
0x105: {  	[hbm:s0], [sflag:s8] =	dma.local [spmem:s1], $0x500  }
0x106: {  	_ =	swait.ge [sflag:s5], $0x500  }
0x107: {  	[sflag:s5] =	ssyncset.done $0x0  }
0x108: {  	s1 =	rddreg [dreg:$0x5];
	[sflag:s5] =	ssyncadd.s32 $0xFFFFFB00  }
0x109: {  	[tilespmem:s4], [sflag:$0x3] =	stream.linear.gather [hbm4b:s1+s4], $0x2710, $0x38;
	[tilespmem:$0x10800] =	vst v63  }
0x10a: {  	_ =	swait.ge [sflag:s5], $0x2710  }
0x10b: {  	[sflag:s5] =	ssyncset.done $0x0  }
0x10c: {  	[sflag:s5] =	ssyncadd.s32 $0xFFFFD8F0  }
0x10d: {  	[tilespmem:$0x27F0] =	vst v0  }
0x10e: {  	[tilespmem:$0x27E0] =	vst v0  }
0x10f: {  	[tilespmem:$0x27D0] =	vst v0  }
0x110: {  	[tilespmem:$0x27C0] =	vst v0  }
0x111: {  	[tilespmem:$0x27B0] =	vst v0  }
0x112: {  	[tilespmem:$0x27A0] =	vst v0  }
0x113: {  	[tilespmem:$0x2790] =	vst v0  }
0x114: {  	[tilespmem:$0x2780] =	vst v0  }
0x115: {  	[tilespmem:$0x2770] =	vst v0  }
0x116: {  	[tilespmem:$0x2760] =	vst v0  }
0x117: {  	[tilespmem:$0x2750] =	vst v0  }
0x118: {  	[tilespmem:$0x2740] =	vst v0  }
0x119: {  	[tilespmem:$0x2730] =	vst v0  }
0x11a: {  	[tilespmem:$0x2710] =	vst v0  }
0x11b: {  	s1 =	rddreg [dreg:$0x6];
	[tilespmem:$0x2720] =	vst v0  }
0x11c: {  	[tilespmem:s6], [sflag:$0x3] =	stream.linear.gather [hbm4b:s1+s4], $0x2710, $0x38;
	[tilespmem:$0x10800] =	vst v63  }
0x11d: {  	_ =	swait.ge [sflag:s5], $0x2710  }
0x11e: {  	[sflag:s5] =	ssyncset.done $0x0  }
0x11f: {  	[sflag:s5] =	ssyncadd.s32 $0xFFFFD8F0  }
0x120: {  	[tilespmem:$0x4F10] =	vst v0  }
0x121: {  	[tilespmem:$0x4F20] =	vst v0  }
0x122: {  	[tilespmem:$0x4F30] =	vst v0  }
0x123: {  	[tilespmem:$0x4FE0] =	vst v0  }
0x124: {  	[tilespmem:$0x4FF0] =	vst v0  }
0x125: {  	[tilespmem:$0x4FC0] =	vst v0  }
0x126: {  	[tilespmem:$0x4FA0] =	vst v0  }
0x127: {  	[tilespmem:$0x4FD0] =	vst v0  }
0x128: {  	[tilespmem:$0x4F70] =	vst v0  }
0x129: {  	[tilespmem:$0x4FB0] =	vst v0  }
0x12a: {  	[tilespmem:$0x4F90] =	vst v0  }
0x12b: {  	[tilespmem:$0x4F60] =	vst v0  }
0x12c: {  	[tilespmem:$0x4F80] =	vst v0  }
0x12d: {  	[tilespmem:$0x4F40] =	vst v0  }
0x12e: {  	s1 =	rddreg [dreg:$0x4];
	[tilespmem:$0x4F50] =	vst v0  }
0x12f: {  	[tilespmem:s10], [sflag:$0x3] =	stream.linear.gather [hbm4b:s1+s4], $0x2800, $0x38;
	[tilespmem:$0x10800] =	vst v63  }
0x130: {  	_ =	swait.ge [sflag:s5], $0x2800  }
0x131: {  	[sflag:s5] =	ssyncset.done $0x0  }
0x132: {  	[sflag:s5] =	ssyncadd.s32 $0xFFFFD800  }
0x133: {  	[spmem:s7] =	stream.linear.scatter [tilespmem:s10], [sflag:$0x3], $0x2800, $0x38;
	[tilespmem:$0x10800] =	vst v63  }
0x134: {  	_ =	swait.ge [sflag:s5], $0x2800  }
0x135: {  	[sflag:s5] =	ssyncset.done $0x0;
	s0 =	rddreg [dreg:$0x7]  }
0x136: {  	s1 =	rddreg [dreg:$0x9];
	[sflag:s5] =	ssyncadd.s32 $0xFFFFD800  }
0x137: {  	[spmem:s1], [sflag:s8] =	dma.local [hbm:s0], $0x500  }
0x138: {  	_ =	swait.ge [sflag:s5], $0x500  }
0x139: {  	[sflag:s5] =	ssyncset.done $0x0  }
0x13a: {  	[sflag:s5] =	ssyncadd.s32 $0xFFFFFB00  }
0x13b: {  	[bflag:$0x0] =	sbarrier.arrive $0xFFFF  }
0x13c: {  	[tilespmem:s12], [sflag:$0x1] =	stream.indirect.gather [spmem:s3], $0x10, s4, s11, $0xb8;
	[tilespmem:$0x10800] =	vst v63  }
0x13d: {  	_ =	swait.ge [sflag:s9], $0x2000  }
0x13e: {  	[sflag:s9] =	ssyncset.done $0x0  }
0x13f: {  	[sflag:s9] =	ssyncadd.s32 $0xFFFFE000  }
0x140: {  	[tilespmem:s13], [sflag:$0x2] =	stream.indirect.gather [spmem:s3], $0x10, s11, s11, $0xb8;
	[tilespmem:$0x10800] =	vst v63  }
0x141: {  	_ = 	snop  }
0x142: {  	[spmem:s2] =	stream.indirect.scatter.add.f32 [tilespmem:s12], [sflag:$0x3], $0x10, s6, s11, $0xb8;
	[tilespmem:$0x10800] =	vst v63  }
0x143: {  	_ =	swait.ge [sflag:s5], $0x2000  }
0x144: {  	[sflag:s5] =	ssyncset.done $0x0  }
0x145: {  	s1 =	rddreg [dreg:$0xa];
	[sflag:s5] =	ssyncadd.s32 $0xFFFFE000  }
0x146: {  	[tilespmem:s12], [sflag:$0x1] =	stream.indirect.gather [spmem:s3], $0x10, s1, s11, $0xb8;
	[tilespmem:$0x10800] =	vst v63  }
0x147: {  	_ =	swait.ge [sflag:s14], $0x2000  }
0x148: {  	[sflag:s14] =	ssyncset.done $0x0  }
0x149: {  	s1 =	rddreg [dreg:$0xb];
	[sflag:s14] =	ssyncadd.s32 $0xFFFFE000  }
0x14a: {  	[spmem:s2] =	stream.indirect.scatter.add.f32 [tilespmem:s13], [sflag:$0x3], $0x10, s1, s11, $0xb8;
	[tilespmem:$0x10800] =	vst v63  }
0x14b: {  	_ =	swait.ge [sflag:s5], $0x2000  }
0x14c: {  	[sflag:s5] =	ssyncset.done $0x0  }
0x14d: {  	[sflag:s5] =	ssyncadd.s32 $0xFFFFE000  }
0x14e: {  	_ =	swait.ge [sflag:s9], $0x2000  }
0x14f: {  	[sflag:s9] =	ssyncset.done $0x0  }
0x150: {  	s0 =	rddreg [dreg:$0xc];
	[sflag:s9] =	ssyncadd.s32 $0xFFFFE000  }
0x151: {  	[tilespmem:s13], [sflag:$0x2] =	stream.indirect.gather [spmem:s3], $0x10, s0, s11, $0xb8;
	[tilespmem:$0x10800] =	vst v63  }
0x152: {  	s1 =	rddreg [dreg:$0xd]  }
0x153: {  	[spmem:s2] =	stream.indirect.scatter.add.f32 [tilespmem:s12], [sflag:$0x3], $0x10, s1, s11, $0xb8;
	[tilespmem:$0x10800] =	vst v63  }
0x154: {  	_ =	swait.ge [sflag:s5], $0x2000  }
0x155: {  	[sflag:s5] =	ssyncset.done $0x0  }
0x156: {  	s1 =	rddreg [dreg:$0xe];
	[sflag:s5] =	ssyncadd.s32 $0xFFFFE000  }
0x157: {  	[tilespmem:s12], [sflag:$0x1] =	stream.indirect.gather [spmem:s3], $0x10, s1, s11, $0xb8;
	[tilespmem:$0x10800] =	vst v63  }
0x158: {  	_ =	swait.ge [sflag:s14], $0x2000  }
0x159: {  	[sflag:s14] =	ssyncset.done $0x0  }
0x15a: {  	s1 =	rddreg [dreg:$0xf];
	[sflag:s14] =	ssyncadd.s32 $0xFFFFE000  }
0x15b: {  	[spmem:s2] =	stream.indirect.scatter.add.f32 [tilespmem:s13], [sflag:$0x3], $0x10, s1, s11, $0xb8;
	[tilespmem:$0x10800] =	vst v63  }
0x15c: {  	_ =	swait.ge [sflag:s5], $0x2000  }
0x15d: {  	[sflag:s5] =	ssyncset.done $0x0  }
0x15e: {  	[sflag:s5] =	ssyncadd.s32 $0xFFFFE000  }
0x15f: {  	_ =	swait.ge [sflag:s9], $0x2000  }
0x160: {  	[sflag:s9] =	ssyncset.done $0x0  }
0x161: {  	s0 =	rddreg [dreg:$0x10];
	[sflag:s9] =	ssyncadd.s32 $0xFFFFE000  }
0x162: {  	[tilespmem:s13], [sflag:$0x2] =	stream.indirect.gather [spmem:s3], $0x10, s0, s11, $0xb8;
	[tilespmem:$0x10800] =	vst v63  }
0x163: {  	s1 =	rddreg [dreg:$0x11]  }
0x164: {  	[spmem:s2] =	stream.indirect.scatter.add.f32 [tilespmem:s12], [sflag:$0x3], $0x10, s1, s11, $0xb8;
	[tilespmem:$0x10800] =	vst v63  }
0x165: {  	_ =	swait.ge [sflag:s5], $0x2000  }
0x166: {  	[sflag:s5] =	ssyncset.done $0x0  }
0x167: {  	s1 =	rddreg [dreg:$0x12];
	[sflag:s5] =	ssyncadd.s32 $0xFFFFE000  }
0x168: {  	[tilespmem:s12], [sflag:$0x1] =	stream.indirect.gather [spmem:s3], $0x10, s1, s11, $0xb8;
	[tilespmem:$0x10800] =	vst v63  }
0x169: {  	_ =	swait.ge [sflag:s14], $0x2000  }
0x16a: {  	[sflag:s14] =	ssyncset.done $0x0  }
0x16b: {  	s1 =	rddreg [dreg:$0x13];
	[sflag:s14] =	ssyncadd.s32 $0xFFFFE000  }
0x16c: {  	[spmem:s2] =	stream.indirect.scatter.add.f32 [tilespmem:s13], [sflag:$0x3], $0x10, s1, s11, $0xb8;
	[tilespmem:$0x10800] =	vst v63  }
0x16d: {  	_ =	swait.ge [sflag:s5], $0x2000  }
0x16e: {  	[sflag:s5] =	ssyncset.done $0x0  }
0x16f: {  	[sflag:s5] =	ssyncadd.s32 $0xFFFFE000  }
0x170: {  	_ =	swait.ge [sflag:s9], $0x2000  }
0x171: {  	[sflag:s9] =	ssyncset.done $0x0  }
0x172: {  	s0 =	rddreg [dreg:$0x14];
	[sflag:s9] =	ssyncadd.s32 $0xFFFFE000  }
0x173: {  	[tilespmem:s13], [sflag:$0x2] =	stream.indirect.gather [spmem:s3], $0x10, s0, s11, $0xb8;
	[tilespmem:$0x10800] =	vst v63  }
0x174: {  	s1 =	rddreg [dreg:$0x15]  }
0x175: {  	[spmem:s2] =	stream.indirect.scatter.add.f32 [tilespmem:s12], [sflag:$0x3], $0x10, s1, s11, $0xb8;
	[tilespmem:$0x10800] =	vst v63  }
0x176: {  	_ =	swait.ge [sflag:s5], $0x2000  }
0x177: {  	[sflag:s5] =	ssyncset.done $0x0  }
0x178: {  	s1 =	rddreg [dreg:$0x16];
	[sflag:s5] =	ssyncadd.s32 $0xFFFFE000  }
0x179: {  	[tilespmem:s12], [sflag:$0x1] =	stream.indirect.gather [spmem:s3], $0x10, s1, s11, $0xb8;
	[tilespmem:$0x10800] =	vst v63  }
0x17a: {  	_ =	swait.ge [sflag:s14], $0x2000  }
0x17b: {  	[sflag:s14] =	ssyncset.done $0x0  }
0x17c: {  	s1 =	rddreg [dreg:$0x17];
	[sflag:s14] =	ssyncadd.s32 $0xFFFFE000  }
0x17d: {  	[spmem:s2] =	stream.indirect.scatter.add.f32 [tilespmem:s13], [sflag:$0x3], $0x10, s1, s11, $0xb8;
	[tilespmem:$0x10800] =	vst v63  }
0x17e: {  	_ =	swait.ge [sflag:s5], $0x2000  }
0x17f: {  	[sflag:s5] =	ssyncset.done $0x0  }
0x180: {  	[sflag:s5] =	ssyncadd.s32 $0xFFFFE000  }
0x181: {  	_ =	swait.ge [sflag:s9], $0x2000  }
0x182: {  	[sflag:s9] =	ssyncset.done $0x0  }
0x183: {  	s0 =	rddreg [dreg:$0x18];
	[sflag:s9] =	ssyncadd.s32 $0xFFFFE000  }
0x184: {  	[tilespmem:s13], [sflag:$0x2] =	stream.indirect.gather [spmem:s3], $0x10, s0, s11, $0xb8;
	[tilespmem:$0x10800] =	vst v63  }
0x185: {  	s1 =	rddreg [dreg:$0x19]  }
0x186: {  	[spmem:s2] =	stream.indirect.scatter.add.f32 [tilespmem:s12], [sflag:$0x3], $0x10, s1, s11, $0xb8;
	[tilespmem:$0x10800] =	vst v63  }
0x187: {  	_ =	swait.ge [sflag:s5], $0x2000  }
0x188: {  	[sflag:s5] =	ssyncset.done $0x0  }
0x189: {  	s1 =	rddreg [dreg:$0x1a];
	[sflag:s5] =	ssyncadd.s32 $0xFFFFE000  }
0x18a: {  	[tilespmem:s12], [sflag:$0x1] =	stream.indirect.gather [spmem:s3], $0x10, s1, s11, $0xb8;
	[tilespmem:$0x10800] =	vst v63  }
0x18b: {  	_ =	swait.ge [sflag:s14], $0x2000  }
0x18c: {  	[sflag:s14] =	ssyncset.done $0x0  }
0x18d: {  	s1 =	rddreg [dreg:$0x1b];
	[sflag:s14] =	ssyncadd.s32 $0xFFFFE000  }
0x18e: {  	[spmem:s2] =	stream.indirect.scatter.add.f32 [tilespmem:s13], [sflag:$0x3], $0x10, s1, s11, $0xb8;
	[tilespmem:$0x10800] =	vst v63  }
0x18f: {  	_ =	swait.ge [sflag:s5], $0x2000  }
0x190: {  	[sflag:s5] =	ssyncset.done $0x0  }
0x191: {  	[sflag:s5] =	ssyncadd.s32 $0xFFFFE000  }
0x192: {  	_ =	swait.ge [sflag:s9], $0x2000  }
0x193: {  	[sflag:s9] =	ssyncset.done $0x0  }
0x194: {  	s0 =	rddreg [dreg:$0x1c];
	[sflag:s9] =	ssyncadd.s32 $0xFFFFE000  }
0x195: {  	[tilespmem:s13], [sflag:$0x2] =	stream.indirect.gather [spmem:s3], $0x10, s0, s11, $0xb8;
	[tilespmem:$0x10800] =	vst v63  }
0x196: {  	s1 =	rddreg [dreg:$0x1d]  }
0x197: {  	[spmem:s2] =	stream.indirect.scatter.add.f32 [tilespmem:s12], [sflag:$0x3], $0x10, s1, s11, $0xb8;
	[tilespmem:$0x10800] =	vst v63  }
0x198: {  	_ =	swait.ge [sflag:s5], $0x2000  }
0x199: {  	[sflag:s5] =	ssyncset.done $0x0  }
0x19a: {  	s1 =	rddreg [dreg:$0x1e];
	[sflag:s5] =	ssyncadd.s32 $0xFFFFE000  }
0x19b: {  	[tilespmem:s12], [sflag:$0x1] =	stream.indirect.gather [spmem:s3], $0x10, s1, s11, $0xb8;
	[tilespmem:$0x10800] =	vst v63  }
0x19c: {  	_ =	swait.ge [sflag:s14], $0x2000  }
0x19d: {  	[sflag:s14] =	ssyncset.done $0x0  }
0x19e: {  	s1 =	rddreg [dreg:$0x1f];
	[sflag:s14] =	ssyncadd.s32 $0xFFFFE000  }
0x19f: {  	[spmem:s2] =	stream.indirect.scatter.add.f32 [tilespmem:s13], [sflag:$0x3], $0x10, s1, s11, $0xb8;
	[tilespmem:$0x10800] =	vst v63  }
0x1a0: {  	_ =	swait.ge [sflag:s5], $0x2000  }
0x1a1: {  	[sflag:s5] =	ssyncset.done $0x0  }
0x1a2: {  	[sflag:s5] =	ssyncadd.s32 $0xFFFFE000  }
0x1a3: {  	_ =	swait.ge [sflag:s9], $0x2000  }
0x1a4: {  	[sflag:s9] =	ssyncset.done $0x0  }
0x1a5: {  	[sflag:s9] =	ssyncadd.s32 $0xFFFFE000  }
0x1a6: {  	[tilespmem:s13], [sflag:$0x2] =	stream.indirect.gather [spmem:s3], $0x10, s15, s11, $0xb8;
	[tilespmem:$0x10800] =	vst v63  }
0x1a7: {  	_ = 	snop  }
0x1a8: {  	[spmem:s2] =	stream.indirect.scatter.add.f32 [tilespmem:s12], [sflag:$0x3], $0x10, s16, s11, $0xb8;
	[tilespmem:$0x10800] =	vst v63  }
0x1a9: {  	_ =	swait.ge [sflag:s5], $0x2000  }
0x1aa: {  	[sflag:s5] =	ssyncset.done $0x0  }
0x1ab: {  	[sflag:s5] =	ssyncadd.s32 $0xFFFFE000  }
0x1ac: {  	[tilespmem:s12], [sflag:$0x1] =	stream.indirect.gather [spmem:s3], $0x10, s17, s11, $0xb8;
	[tilespmem:$0x10800] =	vst v63  }
0x1ad: {  	_ =	swait.ge [sflag:s14], $0x2000  }
0x1ae: {  	[sflag:s14] =	ssyncset.done $0x0  }
0x1af: {  	[sflag:s14] =	ssyncadd.s32 $0xFFFFE000  }
0x1b0: {  	[spmem:s2] =	stream.indirect.scatter.add.f32 [tilespmem:s13], [sflag:$0x3], $0x10, s18, s11, $0xb8;
	[tilespmem:$0x10800] =	vst v63  }
0x1b1: {  	_ =	swait.ge [sflag:s5], $0x2000  }
0x1b2: {  	[sflag:s5] =	ssyncset.done $0x0  }
0x1b3: {  	[sflag:s5] =	ssyncadd.s32 $0xFFFFE000  }
0x1b4: {  	_ =	swait.ge [sflag:s9], $0x2000  }
0x1b5: {  	[sflag:s9] =	ssyncset.done $0x0  }
0x1b6: {  	[sflag:s9] =	ssyncadd.s32 $0xFFFFE000  }
0x1b7: {  	[tilespmem:s13], [sflag:$0x2] =	stream.indirect.gather [spmem:s3], $0x10, s19, s11, $0xb8;
	[tilespmem:$0x10800] =	vst v63  }
0x1b8: {  	_ = 	snop  }
0x1b9: {  	[spmem:s2] =	stream.indirect.scatter.add.f32 [tilespmem:s12], [sflag:$0x3], $0x10, s20, s11, $0xb8;
	[tilespmem:$0x10800] =	vst v63  }
0x1ba: {  	_ =	swait.ge [sflag:s5], $0x2000  }
0x1bb: {  	[sflag:s5] =	ssyncset.done $0x0  }
0x1bc: {  	[sflag:s5] =	ssyncadd.s32 $0xFFFFE000  }
0x1bd: {  	[tilespmem:s12], [sflag:$0x1] =	stream.indirect.gather [spmem:s3], $0x10, s21, s11, $0xb8;
	[tilespmem:$0x10800] =	vst v63  }
0x1be: {  	_ =	swait.ge [sflag:s14], $0x2000  }
0x1bf: {  	[sflag:s14] =	ssyncset.done $0x0  }
0x1c0: {  	[sflag:s14] =	ssyncadd.s32 $0xFFFFE000  }
0x1c1: {  	[spmem:s2] =	stream.indirect.scatter.add.f32 [tilespmem:s13], [sflag:$0x3], $0x10, s22, s11, $0xb8;
	[tilespmem:$0x10800] =	vst v63  }
0x1c2: {  	_ =	swait.ge [sflag:s5], $0x2000  }
0x1c3: {  	[sflag:s5] =	ssyncset.done $0x0  }
0x1c4: {  	[sflag:s5] =	ssyncadd.s32 $0xFFFFE000  }
0x1c5: {  	_ =	swait.ge [sflag:s9], $0x2000  }
0x1c6: {  	[sflag:s9] =	ssyncset.done $0x0  }
0x1c7: {  	[sflag:s9] =	ssyncadd.s32 $0xFFFFE000  }
0x1c8: {  	[tilespmem:s13], [sflag:$0x2] =	stream.indirect.gather [spmem:s3], $0x10, s24, s11, $0xb8;
	[tilespmem:$0x10800] =	vst v63  }
0x1c9: {  	_ = 	snop  }
0x1ca: {  	[spmem:s2] =	stream.indirect.scatter.add.f32 [tilespmem:s12], [sflag:$0x3], $0x10, s25, s11, $0xb8;
	[tilespmem:$0x10800] =	vst v63  }
0x1cb: {  	_ =	swait.ge [sflag:s5], $0x2000  }
0x1cc: {  	[sflag:s5] =	ssyncset.done $0x0  }
0x1cd: {  	p0 =	sne.s32 s31, $0x1;
	[sflag:s5] =	ssyncadd.s32 $0xFFFFE000  }
0x1ce: {  	[tilespmem:s12], [sflag:$0x1] =	stream.indirect.gather [spmem:s3], $0x10, s23, s11, $0xb8;
	[tilespmem:$0x10800] =	vst v63  }
.Ltmp1:
0x1cf: {  	_ =	swait.ge [sflag:s14], $0x2000;
	(pc) =	sbr.rel @p0 .LBB2_1-.Ltmp1, $4  }
0x1d0: {  	[sflag:s14] =	ssyncset.done $0x0  }
0x1d1: {  	[sflag:s14] =	ssyncadd.s32 $0xFFFFE000  }
0x1d2: {  	[spmem:s2] =	stream.indirect.scatter.add.f32 [tilespmem:s13], [sflag:$0x3], $0x10, s30, s11, $0xb8;
	[tilespmem:$0x10800] =	vst v63  }
0x1d3: {  	s31 =	sadd.s32 $0xFFFFFFFF, s31;
	_ =	swait.ge [sflag:s5], $0x2000  }
.LBB2_2:
0x1d4: {  	[sflag:s5] =	ssyncset.done $0x0  }
0x1d5: {  	[sflag:s5] =	ssyncadd.s32 $0xFFFFE000  }
0x1d6: {  	_ =	swait.ge [sflag:s9], $0x2000  }
0x1d7: {  	[sflag:s9] =	ssyncset.done $0x0  }
0x1d8: {  	[sflag:s9] =	ssyncadd.s32 $0xFFFFE000  }
0x1d9: {  	[tilespmem:s13], [sflag:$0x2] =	stream.indirect.gather [spmem:s3], $0x10, s28, s11, $0xb8;
	[tilespmem:$0x10800] =	vst v63  }
0x1da: {  	_ = 	snop  }
0x1db: {  	[spmem:s2] =	stream.indirect.scatter.add.f32 [tilespmem:s12], [sflag:$0x3], $0x10, s29, s11, $0xb8;
	[tilespmem:$0x10800] =	vst v63  }
0x1dc: {  	_ =	swait.ge [sflag:s5], $0x2000  }
0x1dd: {  	[sflag:s5] =	ssyncset.done $0x0  }
0x1de: {  	[sflag:s5] =	ssyncadd.s32 $0xFFFFE000  }
0x1df: {  	[tilespmem:s12], [sflag:$0x1] =	stream.indirect.gather [spmem:s3], $0x10, s23, s11, $0xb8;
	[tilespmem:$0x10800] =	vst v63  }
0x1e0: {  	_ =	swait.ge [sflag:s14], $0x2000  }
0x1e1: {  	[sflag:s14] =	ssyncset.done $0x0  }
0x1e2: {  	[sflag:s14] =	ssyncadd.s32 $0xFFFFE000  }
0x1e3: {  	[spmem:s2] =	stream.indirect.scatter.add.f32 [tilespmem:s13], [sflag:$0x3], $0x10, s26, s11, $0xb8;
	[tilespmem:$0x10800] =	vst v63  }
0x1e4: {  	_ =	swait.ge [sflag:s5], $0x2000  }
0x1e5: {  	[sflag:s5] =	ssyncset.done $0x0  }
0x1e6: {  	[sflag:s5] =	ssyncadd.s32 $0xFFFFE000  }
0x1e7: {  	_ =	swait.ge [sflag:s9], $0x2000  }
0x1e8: {  	[sflag:s9] =	ssyncset.done $0x0  }
0x1e9: {  	[sflag:s9] =	ssyncadd.s32 $0xFFFFE000  }
0x1ea: {  	[bflag:$0x0] =	sbarrier.arrive $0xFFFF  }
0x1eb: {  	s1 =	sshrl.u32 s7, $0x3;
	s0 =	rddreg [dreg:$0x8]  }
0x1ec: {  	[hbm:s0], [sflag:s8] =	dma.local [spmem:s1], $0x500  }
0x1ed: {  	_ =	swait.ge [sflag:s5], $0x500  }
0x1ee: {  	[sflag:s5] =	ssyncset.done $0x0  }
0x1ef: {  	[sflag:s5] =	ssyncadd.s32 $0xFFFFFB00  }
0x1f0: {  	_ =	sfence.sel $0x180000  }
0x1f1: {  	[bflag:$0x0] =	sbarrier.arrive $0xFFFF  }
0x1f2: {  	_ =	strace $0x9000004A  }
0x1f3: {  	s31 =	stileid.u32;
	[bflag:$0x2] =	sbarrier.arrive $0xFFFF  }
0x1f4: {  	p0 =	sne.s32 s31, $0x0;
	s0 =	rddreg [dreg:$0x3]  }
0x1f5: {  	s0 =	sadd.s32 @!p0 $0x100000, s0  }
0x1f6: {  	[sflag:s0] =	ssyncadd.tile.s32 @!p0 $0x1;
	_ =	shalt  }
.Lfunc_end2:
_tile_overlayer_lowered:
.L_overlay_start_2:
0x1f7: {  	(tag) =	ssettag $0x2  }
0x1f8: {  	s0 =	rddreg [dreg:$0x0];
	s2 =	stileid.u32  }
0x1f9: {  	s1 =	rddreg [dreg:$0x1];
	p0 =	sne.s32 s2, $0x0  }
0x1fa: {  	s3 =	rddreg [dreg:$0x2];
	[bflag:$0x3] =	sbarrier.arrive $0xFFFF;
	s2 =	simm.s32 @!p0 $0x1C03  }
0x1fb: {  	[timem:s3], [sflag:s2] =	dma.local @!p0 [hbm:s0], s1  }
0x1fc: {  	s0 =	simm.s32 @!p0 $0x3  }
0x1fd: {  	_ =	swait.ge @!p0 [sflag:s0], s1  }
0x1fe: {  	s1 =	ssub.s32 @!p0 $0x0, s1;
	[sflag:s0] =	ssyncset.done @!p0 $0x0  }
0x1ff: {  	[sflag:s0] =	ssyncadd.s32 @!p0 s1  }
0x200: {  	[bflag:$0x3] =	sbarrier.arrive $0xFFFF  }
0x201: {  	_ =	shalt  }

// kernel: kernel.13.cloned.1.call-start
scs
__scs_entry_jumppad:
0x0: {  	(pc) =	sbr.rel $0x88, $3  }
0x1: {  	(tag) =	ssettag $0x0;
	lr =	simm.s32 $0x1  }
0x2: {  	[smem:$0x3F9B] =	sst lr;
	_ =	strace $0xD0000000  }
0x3: {  	_ = 	snop  }
0x4: {  	_ = 	snop  }
0x5: {  	_ = 	snop  }
0x6: {  	_ = 	snop  }
0x7: {  	_ = 	snop  }
__scs_overlays_trampoline_lowered:
0x8: {  	[smem:$0x3FAA] =	sst s0  }
0x9: {  	[smem:$0x3FAB] =	sst s1  }
0xa: {  	[smem:$0x3FAC] =	sst s2  }
0xb: {  	[smem:$0x3FAD] =	sst s3  }
0xc: {  	[smem:$0x3FAE] =	sst s4  }
0xd: {  	[smem:$0x3FAF] =	sst s5  }
0xe: {  	[smem:$0x3FB0] =	sst s6  }
0xf: {  	[smem:$0x3FB1] =	sst s7  }
0x10: {  	[smem:$0x3FB2] =	sst s8  }
0x11: {  	[smem:$0x3FB3] =	sst s9;
	s0 =	simm.s32 @!p0 $0x0  }
0x12: {  	s1 =	sld [smem:$0x3F99];
	s0 =	simm.s32 @p0 $0x1  }
0x13: {  	[smem:$0x3FB4] =	sst s0;
	s0 =	simm.s32 @!p1 $0x0  }
0x14: {  	s2 =	sld [smem:$0x3F98];
	s0 =	simm.s32 @p1 $0x1  }
0x15: {  	[smem:$0x3FB5] =	sst s0;
	s0 =	simm.s32 @!p2 $0x0  }
0x16: {  	s3 =	sld [smem:$0x3FDB];
	s0 =	simm.s32 @p2 $0x1  }
0x17: {  	s4 =	simm.s32 $0x1BF5;
	[smem:$0x3FB7] =	sst s0  }
0x18: {  	s0 =	sld [smem:$0x3F9A];
	_ =	swait.ge [sflag:s4], $0x0  }
0x19: {  	s7 =	sld [smem:$0x3F9B]  }
0x1a: {  	s8 =	sadd.s32 $0xFFFFE003, lr  }
0x1b: {  	s9 =	sadd.s32 $0xFFFFFEF7, lr;
	s5 =	simm.s32 $0xFFFFFFFF;
	p2 =	slt.u32 s8, $0xFFFFF086  }
0x1c: {  	p1 =	slt.u32 s9, $0xF7A;
	s5 =	simm.s32 @!p2 $0x0  }
0x1d: {  	s5 =	simm.s32 @p1 $0x1;
	p0 =	seq.s32 s7, s2  }
0x1e: {  	s7 =	smul.u32 @!p0 $0xF7A, s2;
	p2 =	seq.s32 @!p0 s5, $0x0  }
0x1f: {  	s9 =	smul.u32 $0xF7A, s1;
	s8 =	simm.s32 @!p0 $0x1BF5;
	p2 =	por !p2, p0  }
0x20: {  	[sflag:s8] =	ssyncset.s32 @!p0 $0xFFFFF086;
	s6 =	sadd.s32 @!p0 s3, s7;
	s7 =	simm.s32 @!p0 $0x108  }
0x21: {  	s3 =	sadd.s32 s3, s9;
	s6 =	sadd.s32 @!p0 $0x88, s6;
	s7 =	simm.s32 @p2 $0x1082  }
0x22: {  	[simem:s7], [sflag:s8] =	dma.local @!p0 [hbm:s6], $0xF7A  }
0x23: {  	s9 =	sor.u32 $0xD0000000, s2;
	s6 =	simm.s32 $0x108;
	_ =	swait.ge @!p0 [sflag:s8], $0x0  }
0x24: {  	s3 =	sadd.s32 $0x88, s3;
	s6 =	simm.s32 @!p1 $0x1082;
	[sflag:s4] =	ssyncset.s32 $0xFFFFF086  }
0x25: {  	[simem:s6], [sflag:s4] =	dma.local [hbm:s3], $0xF7A  }
0x26: {  	[smem:$0x3F9B] =	sst s1;
	(tag) =	ssettag s2;
	_ =	strace s9  }
0x27: {  	s1 =	sld [smem:$0x3FAB]  }
0x28: {  	s2 =	sld [smem:$0x3FAC]  }
0x29: {  	s4 =	sld [smem:$0x3FAE]  }
0x2a: {  	p0 =	seq.s32 s5, $0x0;
	s5 =	sld [smem:$0x3FAF]  }
0x2b: {  	s6 =	sld [smem:$0x3FB0]  }
0x2c: {  	s7 =	sld [smem:$0x3FB1]  }
0x2d: {  	s3 =	simm.s32 $0x108;
	s8 =	sld [smem:$0x3FB2]  }
0x2e: {  	s3 =	simm.s32 @!p0 $0x1082;
	s9 =	sld [smem:$0x3FB3]  }
0x2f: {  	lr =	sadd.s32 s0, s3;
	s0 =	sld [smem:$0x3FAA]  }
0x30: {  	s3 =	sld [smem:$0x3FAD]  }
0x31: {  	[smem:$0x3FB6] =	sst s10  }
0x32: {  	s10 =	sld [smem:$0x3FB4];
	_ =	sdelay $0x3  }
0x33: {  	p0 =	seq.s32 s10, $0x1;
	s10 =	sld [smem:$0x3FB6];
	_ =	sdelay $0x3  }
0x34: {  	[smem:$0x3FB6] =	sst s10  }
0x35: {  	s10 =	sld [smem:$0x3FB5];
	_ =	sdelay $0x3  }
0x36: {  	p1 =	seq.s32 s10, $0x1;
	s10 =	sld [smem:$0x3FB6];
	_ =	sdelay $0x3  }
0x37: {  	[smem:$0x3FB6] =	sst s10  }
0x38: {  	s10 =	sld [smem:$0x3FB7]  }
0x39: {  	_ = 	snop;
	(pc) =	sbr.ind lr, $3  }
0x3a: {  	_ = 	snop  }
0x3b: {  	_ = 	snop  }
0x3c: {  	p2 =	seq.s32 s10, $0x1;
	s10 =	sld [smem:$0x3FB6]  }
0x3d: {  	_ =	shalt  }
0x3e: {  	_ =	shalt  }
0x3f: {  	_ =	shalt  }
0x40: {  	_ =	shalt  }
0x41: {  	_ =	shalt  }
0x42: {  	_ =	shalt  }
0x43: {  	_ =	shalt  }
0x44: {  	_ =	shalt  }
0x45: {  	_ =	shalt  }
0x46: {  	_ =	shalt  }
0x47: {  	_ =	shalt  }
0x48: {  	_ =	shalt  }
0x49: {  	_ =	shalt  }
0x4a: {  	_ =	shalt  }
0x4b: {  	_ =	shalt  }
0x4c: {  	_ =	shalt  }
0x4d: {  	_ =	shalt  }
0x4e: {  	_ =	shalt  }
0x4f: {  	_ =	shalt  }
0x50: {  	_ =	shalt  }
0x51: {  	_ =	shalt  }
0x52: {  	_ =	shalt  }
0x53: {  	_ =	shalt  }
0x54: {  	_ =	shalt  }
0x55: {  	_ =	shalt  }
0x56: {  	_ =	shalt  }
0x57: {  	_ =	shalt  }
0x58: {  	_ =	shalt  }
0x59: {  	_ =	shalt  }
0x5a: {  	_ =	shalt  }
0x5b: {  	_ =	shalt  }
0x5c: {  	_ =	shalt  }
0x5d: {  	_ =	shalt  }
0x5e: {  	_ =	shalt  }
0x5f: {  	_ =	shalt  }
0x60: {  	_ =	shalt  }
0x61: {  	_ =	shalt  }
0x62: {  	_ =	shalt  }
0x63: {  	_ =	shalt  }
0x64: {  	_ =	shalt  }
0x65: {  	_ =	shalt  }
0x66: {  	_ =	shalt  }
0x67: {  	_ =	shalt  }
0x68: {  	_ =	shalt  }
0x69: {  	_ =	shalt  }
0x6a: {  	_ =	shalt  }
0x6b: {  	_ =	shalt  }
0x6c: {  	_ =	shalt  }
0x6d: {  	_ =	shalt  }
0x6e: {  	_ =	shalt  }
0x6f: {  	_ =	shalt  }
0x70: {  	_ =	shalt  }
0x71: {  	_ =	shalt  }
0x72: {  	_ =	shalt  }
0x73: {  	_ =	shalt  }
0x74: {  	_ =	shalt  }
0x75: {  	_ =	shalt  }
0x76: {  	_ =	shalt  }
0x77: {  	_ =	shalt  }
0x78: {  	_ =	shalt  }
0x79: {  	_ =	shalt  }
0x7a: {  	_ =	shalt  }
0x7b: {  	_ =	shalt  }
0x7c: {  	_ =	shalt  }
0x7d: {  	_ =	shalt  }
0x7e: {  	_ =	shalt  }
0x7f: {  	_ =	shalt  }
0x80: {  	_ =	shalt  }
0x81: {  	_ =	shalt  }
0x82: {  	_ =	shalt  }
0x83: {  	_ =	shalt  }
0x84: {  	_ =	shalt  }
0x85: {  	_ =	shalt  }
0x86: {  	_ =	shalt  }
0x87: {  	_ =	shalt  }
.Lfunc_end0:
.L_simem_size_0:
called_computation.2_lowered:
.L_overlay_start_0:
0x88: {  	s2 =	sld [smem:$0x3FD9]  }
0x89: {  	s3 =	sld [smem:$0x3FFE];
	_ =	sdelay $0x1  }
0x8a: {  	s1 =	srdreg.scid  }
0x8b: {  	s0 =	sand.u32 $0x1, s1  }
0x8c: {  	s17 =	sshll.u32 s0, $0xA;
	s2 =	sadd.s32 s3, s2  }
0x8d: {  	s2 =	sadd.s32 s2, s17  }
0x8e: {  	[smem:$0x3FC2] =	sst s2  }
0x8f: {  	_ = 	snop  }
0x90: {  	s2 =	sld [smem:$0x3FC6]  }
0x91: {  	s18 =	sld [smem:$0x3FD0];
	(tm) =	ssettm $0x1  }
0x92: {  	s4 =	sld [smem:$0x3FFB];
	_ =	sdelay $0x3  }
0x93: {  	_ =	strace s4  }
0x94: {  	s4 =	sld [smem:$0x3FFC];
	_ =	sdelay $0x3  }
0x95: {  	_ =	strace s4  }
0x96: {  	s4 =	sld [smem:$0x3FFD];
	_ =	sdelay $0x3  }
0x97: {  	_ =	strace s4  }
0x98: {  	_ =	strace $0x8FFFFFFF  }
0x99: {  	s19 =	sld [smem:$0x3FDB];
	_ =	sdelay $0x1  }
0x9a: {  	s5 =	simm.s32 $_scs_section_size  }
0x9b: {  	s6 =	simm.s32 $_size__tile_overlayer_lowered;
	s7 =	simm.s32 $_tile_overlayer_lowered  }
0x9c: {  	s22 =	simm.s32 $0x1BFF;
	s21 =	sshll.u32 s7, $0x1;
	s4 =	sadd.s32 s5, s19  }
0x9d: {  	s8 =	simm.s32 $0x0;
	s20 =	sshll.u32 s6, $0x1;
	s6 =	sadd.s32 s21, s4  }
0x9e: {  	[timem:s8], [sflag:s22] =	dma.local [hbm:s6], s20  }
0x9f: {  	_ =	swait.ge [sflag:s22], s20  }
0xa0: {  	s5 =	ssub.s32 $0x0, s20;
	[sflag:s22] =	ssyncset.done $0x0  }
0xa1: {  	[sflag:s22] =	ssyncadd.s32 s5;
	_ =	sdelay $0x1  }
0xa2: {  	s23 =	simm.s32 $0x1B8B  }
0xa3: {  	_ =	swait.ge [sflag:s23], $0x1  }
0xa4: {  	[sflag:s23] =	ssyncset.done $0x0  }
0xa5: {  	s25 =	simm.s32 $0x1B8E;
	s24 =	sld [smem:$0x3FFE];
	[sflag:s23] =	ssyncadd.s32 $0xFFFFFFFF  }
0xa6: {  	s26 =	simm.s32 $execute0_lowered;
	[smem:$0x3FD2] =	sst s25  }
0xa7: {  	s6 =	sshll.u32 s26, $0x1;
	_ =	strace $0x8000004C;
	[dreg:$0x1] =	wrdreg $0xFFFFFFFF  }
0xa8: {  	s28 =	simm.s32 $_size_execute0_lowered;
	s4 =	sadd.s32 s4, s6;
	[dreg:$0x0] =	wrdreg $0x0  }
0xa9: {  	s6 =	sshll.u32 s28, $0x1;
	[dreg:$0x2] =	wrdreg s4  }
0xaa: {  	[dreg:$0x3] =	wrdreg s6  }
0xab: {  	[dreg:$0x4] =	wrdreg $0xC0  }
0xac: {  	_ =	task [dreg:s8], $0x5FFFF  }
0xad: {  	[dreg:$0x1] =	wrdreg $0xFFFFFFFF  }
0xae: {  	[dreg:$0x0] =	wrdreg $0x60  }
0xaf: {  	[dreg:$0x2] =	wrdreg s24  }
0xb0: {  	[dreg:$0x3] =	wrdreg s2  }
0xb1: {  	[dreg:$0x4] =	wrdreg s18  }
0xb2: {  	[dreg:$0x5] =	wrdreg $0x158100  }
0xb3: {  	[dreg:$0x6] =	wrdreg $0x180100  }
0xb4: {  	[dreg:$0x7] =	wrdreg $0x9  }
0xb5: {  	_ =	task.clear_ibuf [dreg:s8], $0x8FFFF;
	_ =	strace $0x9000004C  }
0xb6: {  	s29 =	simm.s32 $0x9;
	_ =	strace $0x8000004E  }
0xb7: {  	_ =	swait.ge [sflag:s29], $0x1  }
0xb8: {  	[sflag:s29] =	ssyncadd.s32 $0xFFFFFFFF  }
0xb9: {  	_ =	strace $0x9000004E  }
0xba: {  	_ =	sfence  }
0xbb: {  	s30 =	sld [smem:$0x0];
	_ =	sdelay $0x2  }
0xbc: {  	s31 =	sshll.u32 s1, $0xD;
	s1 =	sshrl.u32 s1, $0x2  }
0xbd: {  	s3 =	sand.u32 $0x4000, s31;
	s1 =	sadd.s32 s1, s30  }
0xbe: {  	s0 =	sor.u32 s3, s0;
	s1 =	sshll.u32 s1, $0x11  }
0xbf: {  	s0 =	sor.u32 s1, s0  }
0xc0: {  	s0 =	sadd.s32 $0x8F2B, s0  }
0xc1: {  	[sflag:s0] =	ssyncadd.remote.s32 $0x1  }
0xc2: {  	_ =	sfence.sel $0xFFFF  }
0xc3: {  	[dreg:$0x0] =	wrdreg $0xFFFFFFFF;
	(pc) =	sbr.abs _section_cstart, $3  }
0xc4: {  	[dreg:$0x1] =	wrdreg $0xFFFFFFFF  }
0xc5: {  	_ =	task.clear_ibuf [dreg:s8], $0x2FFFF;
	_ =	strace $0x9FFFFFFF  }
0xc6: {  	(tm) =	ssettm $0x7FFFFFFF  }
0xc7: {  	_ =	shalt  }
tec
execute0_lowered:
.L_overlay_start_1:
0x0: {  	(tag) =	ssettag $0x1  }
0x1: {  	s0 =	rddreg [dreg:$0x0]  }
0x2: {  	s1 =	rddreg [dreg:$0x2]  }
0x3: {  	s2 =	srdreg.scid;
	s3 =	rddreg [dreg:$0x3]  }
0x4: {  	s7 =	stileid.u32;
	s4 =	rddreg [dreg:$0x4];
	s18 =	simm.s32 $0x3  }
0x5: {  	s19 =	simm.s32 $0x2800;
	s28 =	simm.s32 $0x5000;
	s29 =	simm.s32 $0x1  }
0x6: {  	s30 =	simm.s32 $0x7000;
	s31 =	simm.s32 $0x2400;
	s20 =	simm.s32 $0x4C00  }
0x7: {  	s21 =	simm.s32 $0x4E00;
	s2 =	sand.u32 $0x1, s2;
	s5 =	sshll.u32 s7, $0x1  }
0x8: {  	s22 =	simm.s32 $0x0;
	s15 =	smul.u32 $0x2800, s7;
	s6 =	sor.u32 s2, s5  }
0x9: {  	s5 =	simm.s32 $0x0;
	s25 =	ssub.s32 $0x2, s2;
	s14 =	smul.u32 $0x28000, s2  }
0xa: {  	p0 =	sne.s32 s2, $0x0;
	s2 =	simm.s32 $0x2;
	s6 =	smul.u32 $0x2710, s6  }
0xb: {  	[smem:$0x7FF] =	sst s5;
	s9 =	sshrl.u32 s15, $0x3;
	s10 =	sshrl.u32 s25, $0x1  }
0xc: {  	s13 =	sadd.s32 s15, s3;
	_ =	strace $0x8000004D;
	s17 =	ssub.s32 s25, s10  }
0xd: {  	s16 =	sadd.s32 s15, s14;
	s15 =	sadd.s32 s15, s4;
	s25 =	simm.s32 $0x13000  }
0xe: {  	s6 =	sshrl.u32 s6, $0x3;
	s26 =	sshrl.u32 s16, $0x3;
	s17 =	smax.u32 s17, $0x1  }
0xf: {  	s8 =	sadd.s32 s6, s0;
	s6 =	sadd.s32 $0x16000, s0;
	s0 =	sadd.s32 s9, s0  }
0x10: {  	s16 =	sadd.s32 s1, s26;
	s26 =	simm.s32 $0x200;
	s7 =	sadd.s32 $0x2200, s8  }
0x11: {  	s8 =	sadd.s32 $0xBE40, s8;
	s9 =	sadd.s32 $0x1B600, s0;
	s10 =	sadd.s32 $0x20600, s0  }
0x12: {  	v0 =	vimm.s32 $0x2710;
	s11 =	sadd.s32 $0x16600, s0;
	s12 =	sadd.s32 $0x25600, s0;
	s14 =	sadd.s32 $0x2A600, s0  }
.LBB2_1:
0x13: {  	[tilespmem:s5], [sflag:$0x3] =	stream.linear.gather [hbm4b:s7+s5], $0x2710, $0x38;
	[tilespmem:$0x1A810] =	vst v63  }
0x14: {  	_ =	swait.ge [sflag:s18], $0x2710  }
0x15: {  	[sflag:s18] =	ssyncset.done $0x0  }
0x16: {  	[sflag:s18] =	ssyncadd.s32 $0xFFFFD8F0  }
0x17: {  	[tilespmem:$0x2710] =	vst v0  }
0x18: {  	[tilespmem:$0x2720] =	vst v0  }
0x19: {  	[tilespmem:$0x2730] =	vst v0  }
0x1a: {  	[tilespmem:$0x2740] =	vst v0  }
0x1b: {  	[tilespmem:$0x2750] =	vst v0  }
0x1c: {  	[tilespmem:$0x2760] =	vst v0  }
0x1d: {  	[tilespmem:$0x2770] =	vst v0  }
0x1e: {  	[tilespmem:$0x2780] =	vst v0  }
0x1f: {  	[tilespmem:$0x2790] =	vst v0  }
0x20: {  	[tilespmem:$0x27A0] =	vst v0  }
0x21: {  	[tilespmem:$0x27B0] =	vst v0  }
0x22: {  	[tilespmem:$0x27C0] =	vst v0  }
0x23: {  	[tilespmem:$0x27D0] =	vst v0  }
0x24: {  	[tilespmem:$0x27E0] =	vst v0  }
0x25: {  	[tilespmem:$0x27F0] =	vst v0  }
0x26: {  	[tilespmem:s19], [sflag:$0x3] =	stream.linear.gather [hbm4b:s8+s5], $0x2710, $0x38;
	[tilespmem:$0x1A810] =	vst v63  }
0x27: {  	_ =	swait.ge [sflag:s18], $0x2710  }
0x28: {  	[sflag:s18] =	ssyncset.done $0x0  }
0x29: {  	[sflag:s18] =	ssyncadd.s32 $0xFFFFD8F0  }
0x2a: {  	[tilespmem:$0x4F10] =	vst v0  }
0x2b: {  	[tilespmem:$0x4F20] =	vst v0  }
0x2c: {  	[tilespmem:$0x4F30] =	vst v0  }
0x2d: {  	[tilespmem:$0x4F40] =	vst v0  }
0x2e: {  	[tilespmem:$0x4F50] =	vst v0  }
0x2f: {  	[tilespmem:$0x4F60] =	vst v0  }
0x30: {  	[tilespmem:$0x4F70] =	vst v0  }
0x31: {  	[tilespmem:$0x4F80] =	vst v0  }
0x32: {  	[tilespmem:$0x4F90] =	vst v0  }
0x33: {  	[tilespmem:$0x4FA0] =	vst v0  }
0x34: {  	[tilespmem:$0x4FB0] =	vst v0  }
0x35: {  	[tilespmem:$0x4FC0] =	vst v0  }
0x36: {  	[tilespmem:$0x4FD0] =	vst v0  }
0x37: {  	[tilespmem:$0x4FE0] =	vst v0  }
0x38: {  	s0 =	simm.s32 $0x9000;
	[tilespmem:$0x4FF0] =	vst v0  }
0x39: {  	[tilespmem:s0], [sflag:$0x3] =	stream.linear.gather [hbm4b:s9+s5], $0x2800, $0x38;
	[tilespmem:$0x1A810] =	vst v63  }
0x3a: {  	_ =	swait.ge [sflag:s18], $0x2800  }
0x3b: {  	[sflag:s18] =	ssyncset.done $0x0  }
0x3c: {  	s24 =	simm.s32 $0xB800;
	[sflag:s18] =	ssyncadd.s32 $0xFFFFD800  }
0x3d: {  	[tilespmem:s24], [sflag:$0x3] =	stream.linear.gather [hbm4b:s10+s5], $0x2800, $0x38;
	[tilespmem:$0x1A810] =	vst v63  }
0x3e: {  	_ =	swait.ge [sflag:s18], $0x2800  }
0x3f: {  	[sflag:s18] =	ssyncset.done $0x0  }
0x40: {  	s1 =	simm.s32 $0xE000;
	[sflag:s18] =	ssyncadd.s32 $0xFFFFD800  }
0x41: {  	[tilespmem:s1], [sflag:$0x3] =	stream.linear.gather [hbm4b:s11+s5], $0x2800, $0x38;
	[tilespmem:$0x1A810] =	vst v63  }
0x42: {  	_ =	swait.ge [sflag:s18], $0x2800  }
0x43: {  	[sflag:s18] =	ssyncset.done $0x0  }
0x44: {  	s23 =	simm.s32 $0x10800;
	[sflag:s18] =	ssyncadd.s32 $0xFFFFD800  }
0x45: {  	[tilespmem:s23], [sflag:$0x3] =	stream.linear.gather [hbm4b:s12+s5], $0x2800, $0x38;
	[tilespmem:$0x1A810] =	vst v63  }
0x46: {  	_ =	swait.ge [sflag:s18], $0x2800  }
0x47: {  	[sflag:s18] =	ssyncset.done $0x0  }
0x48: {  	[sflag:s18] =	ssyncadd.s32 $0xFFFFD800  }
0x49: {  	s1 =	simm.s32 $0x15800;
	s24 =	rddreg [dreg:$0x1]  }
0x4a: {  	[tilespmem:s1], [sflag:$0x3] =	stream.linear.gather [hbm4b:s24+s5], $0x10, $0x38;
	[tilespmem:$0x1A810] =	vst v63  }
0x4b: {  	_ =	swait.ge [sflag:s18], $0x10  }
0x4c: {  	[sflag:s18] =	ssyncset.done $0x0  }
0x4d: {  	s23 =	simm.s32 $0x0;
	[sflag:s18] =	ssyncadd.s32 $0xFFFFFFF0  }
0x4e: {  	v1 =	vld [tilespmem:s23+$0x9000]  }
0x4f: {  	v2 =	vld [tilespmem:s23+$0xB800];
	_ =	sdelay $0x1  }
0x50: {  	v3 =	vld [tilespmem:s23+$0xE000]  }
0x51: {  	s24 =	simm.s32 $0x10;
	v6 =	vld [tilespmem:s23+$0x10800]  }
0x52: {  	v4 =	vld [tilespmem:s24+$0x9000]  }
0x53: {  	v5 =	vld [tilespmem:s24+$0xB800];
	v2 =	vadd.f32 v2, v1  }
0x54: {  	v1 =	vld [tilespmem:$0x15800]  }
0x55: {  	v7 =	vld [tilespmem:s24+$0xE000];
	v2 =	vadd.f32 v3, v2;
	_ =	sdelay $0x1  }
0x56: {  	v3 =	vmul.f32 v2, v6  }
0x57: {  	v4 =	vadd.f32 v5, v4;
	v2 =	vld [tilespmem:s24+$0x10800]  }
0x58: {  	s1 =	simm.s32 $0x20;
	v5 =	vadd.f32 v3, v1  }
0x59: {  	v8 =	vadd.f32 v7, v4;
	v4 =	vld [tilespmem:s1+$0xB800]  }
0x5a: {  	v3 =	vld [tilespmem:s1+$0x9000];
	v7 =	vmax.f32 v5, $0.0e+00  }
0x5b: {  	v7 =	vmul.f32 v7, v6  }
0x5c: {  	s0 =	simm.s32 $0xC0;
	v5 =	vld [tilespmem:s1+$0xE000];
	v6 =	vmul.f32 v8, v2  }
.LBB2_2:
0x5d: {  	v8 =	vld [tilespmem:s1+$0x10800];
	[tilespmem:s23+$0x13000] =	vst v7;
	s23 =	smov.u32 s24  }
0x5e: {  	s24 =	smov.u32 s1;
	s1 =	sshra.s32 s0, $0x2;
	p1 =	sne.s32 s0, $0x9FC0  }
.Ltmp0:
0x5f: {  	s0 =	sadd.s32 $0x40, s0;
	v7 =	vadd.f32 v4, v3;
	v3 =	vld [tilespmem:s1+$0x9000];
	v6 =	vadd.f32 v6, v1;
	(pc) =	sbr.rel @p1 .LBB2_2-.Ltmp0, $4  }
0x60: {  	v4 =	vld [tilespmem:s1+$0xB800]  }
0x61: {  	v9 =	vadd.f32 v5, v7;
	v6 =	vmax.f32 v6, $0.0e+00  }
0x62: {  	v5 =	vld [tilespmem:s1+$0xE000];
	v7 =	vmul.f32 v6, v2  }
0x63: {  	v6 =	vmul.f32 v9, v8;
	v2 =	vmov v8  }
0x64: {  	v8 =	vld [tilespmem:s1+$0x10800]  }
0x65: {  	v3 =	vadd.f32 v4, v3;
	_ =	sdelay $0x1  }
0x66: {  	v3 =	vadd.f32 v5, v3;
	_ =	sdelay $0x1  }
0x67: {  	v3 =	vmul.f32 v3, v8  }
0x68: {  	v63 =	vadd.f32 v6, v1  }
0x69: {  	v1 =	vadd.f32 v3, v1  }
0x6a: {  	v3 =	vmax.f32 v63, $0.0e+00  }
0x6b: {  	v2 =	vmul.f32 v3, v2;
	v1 =	vmax.f32 v1, $0.0e+00  }
0x6c: {  	[tilespmem:s23+$0x13000] =	vst v7;
	v1 =	vmul.f32 v1, v8  }
0x6d: {  	[tilespmem:s24+$0x13000] =	vst v2  }
0x6e: {  	[tilespmem:s1+$0x13000] =	vst v1  }
0x6f: {  	[spmem:s13] =	stream.linear.scatter [tilespmem:s25], [sflag:$0x3], $0x2800, $0x38;
	[tilespmem:$0x1A810] =	vst v63  }
0x70: {  	_ =	swait.ge [sflag:s18], $0x2800  }
0x71: {  	[sflag:s18] =	ssyncset.done $0x0  }
0x72: {  	s0 =	simm.s32 @!p0 $0x0;
	s1 =	simm.s32 @!p0 $0x13000;
	[sflag:s18] =	ssyncadd.s32 $0xFFFFD800  }
0x73: {  	[hbm4b:s14+s0] =	stream.linear.scatter @!p0 [tilespmem:s1], [sflag:$0x3], $0x2800, $0x38;
	[tilespmem:$0x1A810] =	vst v63  }
0x74: {  	s0 =	simm.s32 @!p0 $0x3  }
0x75: {  	_ =	swait.ge @!p0 [sflag:s0], $0x2800  }
0x76: {  	[sflag:s0] =	ssyncset.done @!p0 $0x0  }
0x77: {  	[sflag:s0] =	ssyncadd.s32 @!p0 $0xFFFFD800  }
0x78: {  	[tilespmem:s25], [sflag:$0x3] =	stream.linear.gather [hbm4b:s6+s5], $0x2800, $0x38;
	[tilespmem:$0x1A810] =	vst v63  }
0x79: {  	_ =	swait.ge [sflag:s18], $0x2800  }
0x7a: {  	[sflag:s18] =	ssyncset.done $0x0  }
0x7b: {  	[sflag:s18] =	ssyncadd.s32 $0xFFFFD800  }
0x7c: {  	[spmem:s15] =	stream.linear.scatter [tilespmem:s25], [sflag:$0x3], $0x2800, $0x38;
	[tilespmem:$0x1A810] =	vst v63  }
0x7d: {  	_ =	swait.ge [sflag:s18], $0x2800  }
0x7e: {  	[sflag:s18] =	ssyncset.done $0x0  }
0x7f: {  	[sflag:s18] =	ssyncadd.s32 $0xFFFFD800  }
0x80: {  	[bflag:$0x0] =	sbarrier.arrive $0xFFFF  }
0x81: {  	[tilespmem:s28], [sflag:$0x1] =	stream.indirect.gather [spmem:s3], $0x10, s5, s26, $0xb8;
	[tilespmem:$0x1A810] =	vst v63  }
0x82: {  	_ =	swait.ge [sflag:s29], $0x2000  }
0x83: {  	[sflag:s29] =	ssyncset.done $0x0  }
0x84: {  	[sflag:s29] =	ssyncadd.s32 $0xFFFFE000  }
0x85: {  	[tilespmem:s30], [sflag:$0x2] =	stream.indirect.gather [spmem:s3], $0x10, s26, s26, $0xb8;
	[tilespmem:$0x1A810] =	vst v63  }
0x86: {  	_ = 	snop  }
0x87: {  	[spmem:s4] =	stream.indirect.scatter.add.f32 [tilespmem:s28], [sflag:$0x3], $0x10, s19, s26, $0xb8;
	[tilespmem:$0x1A810] =	vst v63  }
0x88: {  	_ =	swait.ge [sflag:s18], $0x2000  }
0x89: {  	[sflag:s18] =	ssyncset.done $0x0  }
0x8a: {  	s1 =	simm.s32 $0x400;
	[sflag:s18] =	ssyncadd.s32 $0xFFFFE000  }
0x8b: {  	[tilespmem:s28], [sflag:$0x1] =	stream.indirect.gather [spmem:s3], $0x10, s1, s26, $0xb8;
	[tilespmem:$0x1A810] =	vst v63  }
0x8c: {  	_ =	swait.ge [sflag:s2], $0x2000  }
0x8d: {  	[sflag:s2] =	ssyncset.done $0x0  }
0x8e: {  	s23 =	simm.s32 $0x2A00;
	[sflag:s2] =	ssyncadd.s32 $0xFFFFE000  }
0x8f: {  	[spmem:s4] =	stream.indirect.scatter.add.f32 [tilespmem:s30], [sflag:$0x3], $0x10, s23, s26, $0xb8;
	[tilespmem:$0x1A810] =	vst v63  }
0x90: {  	_ =	swait.ge [sflag:s18], $0x2000  }
0x91: {  	[sflag:s18] =	ssyncset.done $0x0  }
0x92: {  	[sflag:s18] =	ssyncadd.s32 $0xFFFFE000  }
0x93: {  	_ =	swait.ge [sflag:s29], $0x2000  }
0x94: {  	[sflag:s29] =	ssyncset.done $0x0  }
0x95: {  	s24 =	simm.s32 $0x600;
	[sflag:s29] =	ssyncadd.s32 $0xFFFFE000  }
0x96: {  	[tilespmem:s30], [sflag:$0x2] =	stream.indirect.gather [spmem:s3], $0x10, s24, s26, $0xb8;
	[tilespmem:$0x1A810] =	vst v63  }
0x97: {  	s1 =	simm.s32 $0x2C00  }
0x98: {  	[spmem:s4] =	stream.indirect.scatter.add.f32 [tilespmem:s28], [sflag:$0x3], $0x10, s1, s26, $0xb8;
	[tilespmem:$0x1A810] =	vst v63  }
0x99: {  	_ =	swait.ge [sflag:s18], $0x2000  }
0x9a: {  	[sflag:s18] =	ssyncset.done $0x0  }
0x9b: {  	s23 =	simm.s32 $0x800;
	[sflag:s18] =	ssyncadd.s32 $0xFFFFE000  }
0x9c: {  	[tilespmem:s28], [sflag:$0x1] =	stream.indirect.gather [spmem:s3], $0x10, s23, s26, $0xb8;
	[tilespmem:$0x1A810] =	vst v63  }
0x9d: {  	_ =	swait.ge [sflag:s2], $0x2000  }
0x9e: {  	[sflag:s2] =	ssyncset.done $0x0  }
0x9f: {  	s24 =	simm.s32 $0x2E00;
	[sflag:s2] =	ssyncadd.s32 $0xFFFFE000  }
0xa0: {  	[spmem:s4] =	stream.indirect.scatter.add.f32 [tilespmem:s30], [sflag:$0x3], $0x10, s24, s26, $0xb8;
	[tilespmem:$0x1A810] =	vst v63  }
0xa1: {  	_ =	swait.ge [sflag:s18], $0x2000  }
0xa2: {  	[sflag:s18] =	ssyncset.done $0x0  }
0xa3: {  	[sflag:s18] =	ssyncadd.s32 $0xFFFFE000  }
0xa4: {  	_ =	swait.ge [sflag:s29], $0x2000  }
0xa5: {  	[sflag:s29] =	ssyncset.done $0x0  }
0xa6: {  	s1 =	simm.s32 $0xA00;
	[sflag:s29] =	ssyncadd.s32 $0xFFFFE000  }
0xa7: {  	[tilespmem:s30], [sflag:$0x2] =	stream.indirect.gather [spmem:s3], $0x10, s1, s26, $0xb8;
	[tilespmem:$0x1A810] =	vst v63  }
0xa8: {  	s23 =	simm.s32 $0x3000  }
0xa9: {  	[spmem:s4] =	stream.indirect.scatter.add.f32 [tilespmem:s28], [sflag:$0x3], $0x10, s23, s26, $0xb8;
	[tilespmem:$0x1A810] =	vst v63  }
0xaa: {  	_ =	swait.ge [sflag:s18], $0x2000  }
0xab: {  	[sflag:s18] =	ssyncset.done $0x0  }
0xac: {  	s24 =	simm.s32 $0xC00;
	[sflag:s18] =	ssyncadd.s32 $0xFFFFE000  }
0xad: {  	[tilespmem:s28], [sflag:$0x1] =	stream.indirect.gather [spmem:s3], $0x10, s24, s26, $0xb8;
	[tilespmem:$0x1A810] =	vst v63  }
0xae: {  	_ =	swait.ge [sflag:s2], $0x2000  }
0xaf: {  	[sflag:s2] =	ssyncset.done $0x0  }
0xb0: {  	s1 =	simm.s32 $0x3200;
	[sflag:s2] =	ssyncadd.s32 $0xFFFFE000  }
0xb1: {  	[spmem:s4] =	stream.indirect.scatter.add.f32 [tilespmem:s30], [sflag:$0x3], $0x10, s1, s26, $0xb8;
	[tilespmem:$0x1A810] =	vst v63  }
0xb2: {  	_ =	swait.ge [sflag:s18], $0x2000  }
0xb3: {  	[sflag:s18] =	ssyncset.done $0x0  }
0xb4: {  	[sflag:s18] =	ssyncadd.s32 $0xFFFFE000  }
0xb5: {  	_ =	swait.ge [sflag:s29], $0x2000  }
0xb6: {  	[sflag:s29] =	ssyncset.done $0x0  }
0xb7: {  	s23 =	simm.s32 $0xE00;
	[sflag:s29] =	ssyncadd.s32 $0xFFFFE000  }
0xb8: {  	[tilespmem:s30], [sflag:$0x2] =	stream.indirect.gather [spmem:s3], $0x10, s23, s26, $0xb8;
	[tilespmem:$0x1A810] =	vst v63  }
0xb9: {  	s24 =	simm.s32 $0x3400  }
0xba: {  	[spmem:s4] =	stream.indirect.scatter.add.f32 [tilespmem:s28], [sflag:$0x3], $0x10, s24, s26, $0xb8;
	[tilespmem:$0x1A810] =	vst v63  }
0xbb: {  	_ =	swait.ge [sflag:s18], $0x2000  }
0xbc: {  	[sflag:s18] =	ssyncset.done $0x0  }
0xbd: {  	s1 =	simm.s32 $0x1000;
	[sflag:s18] =	ssyncadd.s32 $0xFFFFE000  }
0xbe: {  	[tilespmem:s28], [sflag:$0x1] =	stream.indirect.gather [spmem:s3], $0x10, s1, s26, $0xb8;
	[tilespmem:$0x1A810] =	vst v63  }
0xbf: {  	_ =	swait.ge [sflag:s2], $0x2000  }
0xc0: {  	[sflag:s2] =	ssyncset.done $0x0  }
0xc1: {  	s23 =	simm.s32 $0x3600;
	[sflag:s2] =	ssyncadd.s32 $0xFFFFE000  }
0xc2: {  	[spmem:s4] =	stream.indirect.scatter.add.f32 [tilespmem:s30], [sflag:$0x3], $0x10, s23, s26, $0xb8;
	[tilespmem:$0x1A810] =	vst v63  }
0xc3: {  	_ =	swait.ge [sflag:s18], $0x2000  }
0xc4: {  	[sflag:s18] =	ssyncset.done $0x0  }
0xc5: {  	[sflag:s18] =	ssyncadd.s32 $0xFFFFE000  }
0xc6: {  	_ =	swait.ge [sflag:s29], $0x2000  }
0xc7: {  	[sflag:s29] =	ssyncset.done $0x0  }
0xc8: {  	s24 =	simm.s32 $0x1200;
	[sflag:s29] =	ssyncadd.s32 $0xFFFFE000  }
0xc9: {  	[tilespmem:s30], [sflag:$0x2] =	stream.indirect.gather [spmem:s3], $0x10, s24, s26, $0xb8;
	[tilespmem:$0x1A810] =	vst v63  }
0xca: {  	s1 =	simm.s32 $0x3800  }
0xcb: {  	[spmem:s4] =	stream.indirect.scatter.add.f32 [tilespmem:s28], [sflag:$0x3], $0x10, s1, s26, $0xb8;
	[tilespmem:$0x1A810] =	vst v63  }
0xcc: {  	_ =	swait.ge [sflag:s18], $0x2000  }
0xcd: {  	[sflag:s18] =	ssyncset.done $0x0  }
0xce: {  	s23 =	simm.s32 $0x1400;
	[sflag:s18] =	ssyncadd.s32 $0xFFFFE000  }
0xcf: {  	[tilespmem:s28], [sflag:$0x1] =	stream.indirect.gather [spmem:s3], $0x10, s23, s26, $0xb8;
	[tilespmem:$0x1A810] =	vst v63  }
0xd0: {  	_ =	swait.ge [sflag:s2], $0x2000  }
0xd1: {  	[sflag:s2] =	ssyncset.done $0x0  }
0xd2: {  	s24 =	simm.s32 $0x3A00;
	[sflag:s2] =	ssyncadd.s32 $0xFFFFE000  }
0xd3: {  	[spmem:s4] =	stream.indirect.scatter.add.f32 [tilespmem:s30], [sflag:$0x3], $0x10, s24, s26, $0xb8;
	[tilespmem:$0x1A810] =	vst v63  }
0xd4: {  	_ =	swait.ge [sflag:s18], $0x2000  }
0xd5: {  	[sflag:s18] =	ssyncset.done $0x0  }
0xd6: {  	[sflag:s18] =	ssyncadd.s32 $0xFFFFE000  }
0xd7: {  	_ =	swait.ge [sflag:s29], $0x2000  }
0xd8: {  	[sflag:s29] =	ssyncset.done $0x0  }
0xd9: {  	s1 =	simm.s32 $0x1600;
	[sflag:s29] =	ssyncadd.s32 $0xFFFFE000  }
0xda: {  	[tilespmem:s30], [sflag:$0x2] =	stream.indirect.gather [spmem:s3], $0x10, s1, s26, $0xb8;
	[tilespmem:$0x1A810] =	vst v63  }
0xdb: {  	s23 =	simm.s32 $0x3C00  }
0xdc: {  	[spmem:s4] =	stream.indirect.scatter.add.f32 [tilespmem:s28], [sflag:$0x3], $0x10, s23, s26, $0xb8;
	[tilespmem:$0x1A810] =	vst v63  }
0xdd: {  	_ =	swait.ge [sflag:s18], $0x2000  }
0xde: {  	[sflag:s18] =	ssyncset.done $0x0  }
0xdf: {  	s24 =	simm.s32 $0x1800;
	[sflag:s18] =	ssyncadd.s32 $0xFFFFE000  }
0xe0: {  	[tilespmem:s28], [sflag:$0x1] =	stream.indirect.gather [spmem:s3], $0x10, s24, s26, $0xb8;
	[tilespmem:$0x1A810] =	vst v63  }
0xe1: {  	_ =	swait.ge [sflag:s2], $0x2000  }
0xe2: {  	[sflag:s2] =	ssyncset.done $0x0  }
0xe3: {  	s1 =	simm.s32 $0x3E00;
	[sflag:s2] =	ssyncadd.s32 $0xFFFFE000  }
0xe4: {  	[spmem:s4] =	stream.indirect.scatter.add.f32 [tilespmem:s30], [sflag:$0x3], $0x10, s1, s26, $0xb8;
	[tilespmem:$0x1A810] =	vst v63  }
0xe5: {  	_ =	swait.ge [sflag:s18], $0x2000  }
0xe6: {  	[sflag:s18] =	ssyncset.done $0x0  }
0xe7: {  	[sflag:s18] =	ssyncadd.s32 $0xFFFFE000  }
0xe8: {  	_ =	swait.ge [sflag:s29], $0x2000  }
0xe9: {  	[sflag:s29] =	ssyncset.done $0x0  }
0xea: {  	s23 =	simm.s32 $0x1A00;
	[sflag:s29] =	ssyncadd.s32 $0xFFFFE000  }
0xeb: {  	[tilespmem:s30], [sflag:$0x2] =	stream.indirect.gather [spmem:s3], $0x10, s23, s26, $0xb8;
	[tilespmem:$0x1A810] =	vst v63  }
0xec: {  	s24 =	simm.s32 $0x4000  }
0xed: {  	[spmem:s4] =	stream.indirect.scatter.add.f32 [tilespmem:s28], [sflag:$0x3], $0x10, s24, s26, $0xb8;
	[tilespmem:$0x1A810] =	vst v63  }
0xee: {  	_ =	swait.ge [sflag:s18], $0x2000  }
0xef: {  	[sflag:s18] =	ssyncset.done $0x0  }
0xf0: {  	s1 =	simm.s32 $0x1C00;
	[sflag:s18] =	ssyncadd.s32 $0xFFFFE000  }
0xf1: {  	[tilespmem:s28], [sflag:$0x1] =	stream.indirect.gather [spmem:s3], $0x10, s1, s26, $0xb8;
	[tilespmem:$0x1A810] =	vst v63  }
0xf2: {  	_ =	swait.ge [sflag:s2], $0x2000  }
0xf3: {  	[sflag:s2] =	ssyncset.done $0x0  }
0xf4: {  	s23 =	simm.s32 $0x4200;
	[sflag:s2] =	ssyncadd.s32 $0xFFFFE000  }
0xf5: {  	[spmem:s4] =	stream.indirect.scatter.add.f32 [tilespmem:s30], [sflag:$0x3], $0x10, s23, s26, $0xb8;
	[tilespmem:$0x1A810] =	vst v63  }
0xf6: {  	_ =	swait.ge [sflag:s18], $0x2000  }
0xf7: {  	[sflag:s18] =	ssyncset.done $0x0  }
0xf8: {  	[sflag:s18] =	ssyncadd.s32 $0xFFFFE000  }
0xf9: {  	_ =	swait.ge [sflag:s29], $0x2000  }
0xfa: {  	[sflag:s29] =	ssyncset.done $0x0  }
0xfb: {  	s24 =	simm.s32 $0x1E00;
	[sflag:s29] =	ssyncadd.s32 $0xFFFFE000  }
0xfc: {  	[tilespmem:s30], [sflag:$0x2] =	stream.indirect.gather [spmem:s3], $0x10, s24, s26, $0xb8;
	[tilespmem:$0x1A810] =	vst v63  }
0xfd: {  	s1 =	simm.s32 $0x4400  }
0xfe: {  	[spmem:s4] =	stream.indirect.scatter.add.f32 [tilespmem:s28], [sflag:$0x3], $0x10, s1, s26, $0xb8;
	[tilespmem:$0x1A810] =	vst v63  }
0xff: {  	_ =	swait.ge [sflag:s18], $0x2000  }
0x100: {  	[sflag:s18] =	ssyncset.done $0x0  }
0x101: {  	s23 =	simm.s32 $0x2000;
	[sflag:s18] =	ssyncadd.s32 $0xFFFFE000  }
0x102: {  	[tilespmem:s28], [sflag:$0x1] =	stream.indirect.gather [spmem:s3], $0x10, s23, s26, $0xb8;
	[tilespmem:$0x1A810] =	vst v63  }
0x103: {  	_ =	swait.ge [sflag:s2], $0x2000  }
0x104: {  	[sflag:s2] =	ssyncset.done $0x0  }
0x105: {  	s24 =	simm.s32 $0x4600;
	[sflag:s2] =	ssyncadd.s32 $0xFFFFE000  }
0x106: {  	[spmem:s4] =	stream.indirect.scatter.add.f32 [tilespmem:s30], [sflag:$0x3], $0x10, s24, s26, $0xb8;
	[tilespmem:$0x1A810] =	vst v63  }
0x107: {  	_ =	swait.ge [sflag:s18], $0x2000  }
0x108: {  	[sflag:s18] =	ssyncset.done $0x0  }
0x109: {  	[sflag:s18] =	ssyncadd.s32 $0xFFFFE000  }
0x10a: {  	_ =	swait.ge [sflag:s29], $0x2000  }
0x10b: {  	[sflag:s29] =	ssyncset.done $0x0  }
0x10c: {  	s1 =	simm.s32 $0x2200;
	[sflag:s29] =	ssyncadd.s32 $0xFFFFE000  }
0x10d: {  	[tilespmem:s30], [sflag:$0x2] =	stream.indirect.gather [spmem:s3], $0x10, s1, s26, $0xb8;
	[tilespmem:$0x1A810] =	vst v63  }
0x10e: {  	s23 =	simm.s32 $0x4800  }
0x10f: {  	[spmem:s4] =	stream.indirect.scatter.add.f32 [tilespmem:s28], [sflag:$0x3], $0x10, s23, s26, $0xb8;
	[tilespmem:$0x1A810] =	vst v63  }
0x110: {  	_ =	swait.ge [sflag:s18], $0x2000  }
0x111: {  	[sflag:s18] =	ssyncset.done $0x0  }
0x112: {  	[sflag:s18] =	ssyncadd.s32 $0xFFFFE000  }
0x113: {  	[tilespmem:s28], [sflag:$0x1] =	stream.indirect.gather [spmem:s3], $0x10, s31, s26, $0xb8;
	[tilespmem:$0x1A810] =	vst v63  }
0x114: {  	_ =	swait.ge [sflag:s2], $0x2000  }
0x115: {  	[sflag:s2] =	ssyncset.done $0x0  }
0x116: {  	s24 =	simm.s32 $0x4A00;
	[sflag:s2] =	ssyncadd.s32 $0xFFFFE000  }
0x117: {  	[spmem:s4] =	stream.indirect.scatter.add.f32 [tilespmem:s30], [sflag:$0x3], $0x10, s24, s26, $0xb8;
	[tilespmem:$0x1A810] =	vst v63  }
0x118: {  	_ =	swait.ge [sflag:s18], $0x2000  }
0x119: {  	[sflag:s18] =	ssyncset.done $0x0  }
0x11a: {  	[sflag:s18] =	ssyncadd.s32 $0xFFFFE000  }
0x11b: {  	_ =	swait.ge [sflag:s29], $0x2000  }
0x11c: {  	[sflag:s29] =	ssyncset.done $0x0  }
0x11d: {  	s1 =	simm.s32 $0x2600;
	[sflag:s29] =	ssyncadd.s32 $0xFFFFE000  }
0x11e: {  	[tilespmem:s30], [sflag:$0x2] =	stream.indirect.gather [spmem:s3], $0x10, s1, s26, $0xb8;
	[tilespmem:$0x1A810] =	vst v63  }
0x11f: {  	_ = 	snop  }
0x120: {  	[spmem:s4] =	stream.indirect.scatter.add.f32 [tilespmem:s28], [sflag:$0x3], $0x10, s20, s26, $0xb8;
	[tilespmem:$0x1A810] =	vst v63  }
0x121: {  	_ =	swait.ge [sflag:s18], $0x2000  }
0x122: {  	[sflag:s18] =	ssyncset.done $0x0  }
0x123: {  	[sflag:s18] =	ssyncadd.s32 $0xFFFFE000  }
0x124: {  	[tilespmem:s28], [sflag:$0x1] =	stream.indirect.gather [spmem:s3], $0x10, s31, s26, $0xb8;
	[tilespmem:$0x1A810] =	vst v63  }
0x125: {  	_ =	swait.ge [sflag:s2], $0x2000  }
0x126: {  	[sflag:s2] =	ssyncset.done $0x0  }
0x127: {  	[sflag:s2] =	ssyncadd.s32 $0xFFFFE000  }
0x128: {  	[spmem:s4] =	stream.indirect.scatter.add.f32 [tilespmem:s30], [sflag:$0x3], $0x10, s21, s26, $0xb8;
	[tilespmem:$0x1A810] =	vst v63  }
0x129: {  	_ =	swait.ge [sflag:s18], $0x2000  }
0x12a: {  	[sflag:s18] =	ssyncset.done $0x0  }
0x12b: {  	[sflag:s18] =	ssyncadd.s32 $0xFFFFE000  }
0x12c: {  	s23 =	stileid.u32;
	_ =	swait.ge [sflag:s29], $0x2000  }
0x12d: {  	s22 =	sadd.s32 $0x1, s22;
	s0 =	sshll.u32 s23, $0x6;
	[sflag:s29] =	ssyncset.done $0x0  }
0x12e: {  	p1 =	sne.s32 s22, s17;
	s0 =	sor.u32 $0x1C03, s0;
	[sflag:s29] =	ssyncadd.s32 $0xFFFFE000  }
.Ltmp1:
0x12f: {  	s24 =	sshrl.u32 s15, $0x3;
	[bflag:$0x0] =	sbarrier.arrive $0xFFFF;
	(pc) =	sbr.rel @p1 .LBB2_1-.Ltmp1, $4  }
0x130: {  	[hbm:s16], [sflag:s0] =	dma.local [spmem:s24], $0x500  }
0x131: {  	_ =	swait.ge [sflag:s18], $0x500  }
0x132: {  	[sflag:s18] =	ssyncset.done $0x0  }
0x133: {  	[sflag:s18] =	ssyncadd.s32 $0xFFFFFB00  }
0x134: {  	_ =	sfence.sel $0x180000  }
0x135: {  	[bflag:$0x0] =	sbarrier.arrive $0xFFFF  }
0x136: {  	_ =	strace $0x9000004D  }
0x137: {  	s0 =	stileid.u32;
	[bflag:$0x2] =	sbarrier.arrive $0xFFFF  }
0x138: {  	p0 =	sne.s32 s0, $0x0;
	s0 =	rddreg [dreg:$0x5]  }
0x139: {  	s0 =	sadd.s32 @!p0 $0x100000, s0  }
0x13a: {  	[sflag:s0] =	ssyncadd.tile.s32 @!p0 $0x1;
	_ =	shalt  }
.Lfunc_end2:
_tile_overlayer_lowered:
.L_overlay_start_2:
0x13b: {  	(tag) =	ssettag $0x2  }
0x13c: {  	s0 =	rddreg [dreg:$0x0];
	s2 =	stileid.u32  }
0x13d: {  	s1 =	rddreg [dreg:$0x1];
	p0 =	sne.s32 s2, $0x0  }
0x13e: {  	s3 =	rddreg [dreg:$0x2];
	[bflag:$0x3] =	sbarrier.arrive $0xFFFF;
	s2 =	simm.s32 @!p0 $0x1C03  }
0x13f: {  	[timem:s3], [sflag:s2] =	dma.local @!p0 [hbm:s0], s1  }
0x140: {  	s0 =	simm.s32 @!p0 $0x3  }
0x141: {  	_ =	swait.ge @!p0 [sflag:s0], s1  }
0x142: {  	s1 =	ssub.s32 @!p0 $0x0, s1;
	[sflag:s0] =	ssyncset.done @!p0 $0x0  }
0x143: {  	[sflag:s0] =	ssyncadd.s32 @!p0 s1  }
0x144: {  	[bflag:$0x3] =	sbarrier.arrive $0xFFFF  }
0x145: {  	_ =	shalt  }

// kernel: kernel.7.cloned.1.call-start
scs
__scs_entry_jumppad:
0x0: {  	(pc) =	sbr.rel $0x88, $3  }
0x1: {  	(tag) =	ssettag $0x0;
	lr =	simm.s32 $0x1  }
0x2: {  	[smem:$0x3F9B] =	sst lr;
	_ =	strace $0xD0000000  }
0x3: {  	_ = 	snop  }
0x4: {  	_ = 	snop  }
0x5: {  	_ = 	snop  }
0x6: {  	_ = 	snop  }
0x7: {  	_ = 	snop  }
__scs_overlays_trampoline_lowered:
0x8: {  	[smem:$0x3FAA] =	sst s0  }
0x9: {  	[smem:$0x3FAB] =	sst s1  }
0xa: {  	[smem:$0x3FAC] =	sst s2  }
0xb: {  	[smem:$0x3FAD] =	sst s3  }
0xc: {  	[smem:$0x3FAE] =	sst s4  }
0xd: {  	[smem:$0x3FAF] =	sst s5  }
0xe: {  	[smem:$0x3FB0] =	sst s6  }
0xf: {  	[smem:$0x3FB1] =	sst s7  }
0x10: {  	[smem:$0x3FB2] =	sst s8  }
0x11: {  	[smem:$0x3FB3] =	sst s9;
	s0 =	simm.s32 @!p0 $0x0  }
0x12: {  	s1 =	sld [smem:$0x3F99];
	s0 =	simm.s32 @p0 $0x1  }
0x13: {  	[smem:$0x3FB4] =	sst s0;
	s0 =	simm.s32 @!p1 $0x0  }
0x14: {  	s2 =	sld [smem:$0x3F98];
	s0 =	simm.s32 @p1 $0x1  }
0x15: {  	[smem:$0x3FB5] =	sst s0;
	s0 =	simm.s32 @!p2 $0x0  }
0x16: {  	s3 =	sld [smem:$0x3FDB];
	s0 =	simm.s32 @p2 $0x1  }
0x17: {  	s4 =	simm.s32 $0x1BF5;
	[smem:$0x3FB7] =	sst s0  }
0x18: {  	s0 =	sld [smem:$0x3F9A];
	_ =	swait.ge [sflag:s4], $0x0  }
0x19: {  	s7 =	sld [smem:$0x3F9B]  }
0x1a: {  	s8 =	sadd.s32 $0xFFFFE003, lr  }
0x1b: {  	s9 =	sadd.s32 $0xFFFFFEF7, lr;
	s5 =	simm.s32 $0xFFFFFFFF;
	p2 =	slt.u32 s8, $0xFFFFF086  }
0x1c: {  	p1 =	slt.u32 s9, $0xF7A;
	s5 =	simm.s32 @!p2 $0x0  }
0x1d: {  	s5 =	simm.s32 @p1 $0x1;
	p0 =	seq.s32 s7, s2  }
0x1e: {  	s7 =	smul.u32 @!p0 $0xF7A, s2;
	p2 =	seq.s32 @!p0 s5, $0x0  }
0x1f: {  	s9 =	smul.u32 $0xF7A, s1;
	s8 =	simm.s32 @!p0 $0x1BF5;
	p2 =	por !p2, p0  }
0x20: {  	[sflag:s8] =	ssyncset.s32 @!p0 $0xFFFFF086;
	s6 =	sadd.s32 @!p0 s3, s7;
	s7 =	simm.s32 @!p0 $0x108  }
0x21: {  	s3 =	sadd.s32 s3, s9;
	s6 =	sadd.s32 @!p0 $0x88, s6;
	s7 =	simm.s32 @p2 $0x1082  }
0x22: {  	[simem:s7], [sflag:s8] =	dma.local @!p0 [hbm:s6], $0xF7A  }
0x23: {  	s9 =	sor.u32 $0xD0000000, s2;
	s6 =	simm.s32 $0x108;
	_ =	swait.ge @!p0 [sflag:s8], $0x0  }
0x24: {  	s3 =	sadd.s32 $0x88, s3;
	s6 =	simm.s32 @!p1 $0x1082;
	[sflag:s4] =	ssyncset.s32 $0xFFFFF086  }
0x25: {  	[simem:s6], [sflag:s4] =	dma.local [hbm:s3], $0xF7A  }
0x26: {  	[smem:$0x3F9B] =	sst s1;
	(tag) =	ssettag s2;
	_ =	strace s9  }
0x27: {  	s1 =	sld [smem:$0x3FAB]  }
0x28: {  	s2 =	sld [smem:$0x3FAC]  }
0x29: {  	s4 =	sld [smem:$0x3FAE]  }
0x2a: {  	p0 =	seq.s32 s5, $0x0;
	s5 =	sld [smem:$0x3FAF]  }
0x2b: {  	s6 =	sld [smem:$0x3FB0]  }
0x2c: {  	s7 =	sld [smem:$0x3FB1]  }
0x2d: {  	s3 =	simm.s32 $0x108;
	s8 =	sld [smem:$0x3FB2]  }
0x2e: {  	s3 =	simm.s32 @!p0 $0x1082;
	s9 =	sld [smem:$0x3FB3]  }
0x2f: {  	lr =	sadd.s32 s0, s3;
	s0 =	sld [smem:$0x3FAA]  }
0x30: {  	s3 =	sld [smem:$0x3FAD]  }
0x31: {  	[smem:$0x3FB6] =	sst s10  }
0x32: {  	s10 =	sld [smem:$0x3FB4];
	_ =	sdelay $0x3  }
0x33: {  	p0 =	seq.s32 s10, $0x1;
	s10 =	sld [smem:$0x3FB6];
	_ =	sdelay $0x3  }
0x34: {  	[smem:$0x3FB6] =	sst s10  }
0x35: {  	s10 =	sld [smem:$0x3FB5];
	_ =	sdelay $0x3  }
0x36: {  	p1 =	seq.s32 s10, $0x1;
	s10 =	sld [smem:$0x3FB6];
	_ =	sdelay $0x3  }
0x37: {  	[smem:$0x3FB6] =	sst s10  }
0x38: {  	s10 =	sld [smem:$0x3FB7]  }
0x39: {  	_ = 	snop;
	(pc) =	sbr.ind lr, $3  }
0x3a: {  	_ = 	snop  }
0x3b: {  	_ = 	snop  }
0x3c: {  	p2 =	seq.s32 s10, $0x1;
	s10 =	sld [smem:$0x3FB6]  }
0x3d: {  	_ =	shalt  }
0x3e: {  	_ =	shalt  }
0x3f: {  	_ =	shalt  }
0x40: {  	_ =	shalt  }
0x41: {  	_ =	shalt  }
0x42: {  	_ =	shalt  }
0x43: {  	_ =	shalt  }
0x44: {  	_ =	shalt  }
0x45: {  	_ =	shalt  }
0x46: {  	_ =	shalt  }
0x47: {  	_ =	shalt  }
0x48: {  	_ =	shalt  }
0x49: {  	_ =	shalt  }
0x4a: {  	_ =	shalt  }
0x4b: {  	_ =	shalt  }
0x4c: {  	_ =	shalt  }
0x4d: {  	_ =	shalt  }
0x4e: {  	_ =	shalt  }
0x4f: {  	_ =	shalt  }
0x50: {  	_ =	shalt  }
0x51: {  	_ =	shalt  }
0x52: {  	_ =	shalt  }
0x53: {  	_ =	shalt  }
0x54: {  	_ =	shalt  }
0x55: {  	_ =	shalt  }
0x56: {  	_ =	shalt  }
0x57: {  	_ =	shalt  }
0x58: {  	_ =	shalt  }
0x59: {  	_ =	shalt  }
0x5a: {  	_ =	shalt  }
0x5b: {  	_ =	shalt  }
0x5c: {  	_ =	shalt  }
0x5d: {  	_ =	shalt  }
0x5e: {  	_ =	shalt  }
0x5f: {  	_ =	shalt  }
0x60: {  	_ =	shalt  }
0x61: {  	_ =	shalt  }
0x62: {  	_ =	shalt  }
0x63: {  	_ =	shalt  }
0x64: {  	_ =	shalt  }
0x65: {  	_ =	shalt  }
0x66: {  	_ =	shalt  }
0x67: {  	_ =	shalt  }
0x68: {  	_ =	shalt  }
0x69: {  	_ =	shalt  }
0x6a: {  	_ =	shalt  }
0x6b: {  	_ =	shalt  }
0x6c: {  	_ =	shalt  }
0x6d: {  	_ =	shalt  }
0x6e: {  	_ =	shalt  }
0x6f: {  	_ =	shalt  }
0x70: {  	_ =	shalt  }
0x71: {  	_ =	shalt  }
0x72: {  	_ =	shalt  }
0x73: {  	_ =	shalt  }
0x74: {  	_ =	shalt  }
0x75: {  	_ =	shalt  }
0x76: {  	_ =	shalt  }
0x77: {  	_ =	shalt  }
0x78: {  	_ =	shalt  }
0x79: {  	_ =	shalt  }
0x7a: {  	_ =	shalt  }
0x7b: {  	_ =	shalt  }
0x7c: {  	_ =	shalt  }
0x7d: {  	_ =	shalt  }
0x7e: {  	_ =	shalt  }
0x7f: {  	_ =	shalt  }
0x80: {  	_ =	shalt  }
0x81: {  	_ =	shalt  }
0x82: {  	_ =	shalt  }
0x83: {  	_ =	shalt  }
0x84: {  	_ =	shalt  }
0x85: {  	_ =	shalt  }
0x86: {  	_ =	shalt  }
0x87: {  	_ =	shalt  }
.Lfunc_end0:
.L_simem_size_0:
called_computation_lowered:
.L_overlay_start_0:
0x88: {  	s2 =	sld [smem:$0x3FD9]  }
0x89: {  	s3 =	sld [smem:$0x3FFE];
	_ =	sdelay $0x1  }
0x8a: {  	s1 =	srdreg.scid  }
0x8b: {  	s0 =	sand.u32 $0x1, s1  }
0x8c: {  	s17 =	sshll.u32 s0, $0xA;
	s2 =	sadd.s32 s3, s2  }
0x8d: {  	s2 =	sadd.s32 s2, s17  }
0x8e: {  	[smem:$0x3FC2] =	sst s2  }
0x8f: {  	_ = 	snop  }
0x90: {  	s2 =	sld [smem:$0x3FD0];
	(tm) =	ssettm $0x1  }
0x91: {  	s18 =	sld [smem:$0x3FFB];
	_ =	sdelay $0x3  }
0x92: {  	_ =	strace s18  }
0x93: {  	s3 =	sld [smem:$0x3FFC];
	_ =	sdelay $0x3  }
0x94: {  	_ =	strace s3  }
0x95: {  	s3 =	sld [smem:$0x3FFD];
	_ =	sdelay $0x3  }
0x96: {  	_ =	strace s3  }
0x97: {  	_ =	strace $0x8FFFFFFF  }
0x98: {  	s19 =	sld [smem:$0x3FDB];
	_ =	sdelay $0x1  }
0x99: {  	s4 =	simm.s32 $_scs_section_size  }
0x9a: {  	s5 =	simm.s32 $_size__tile_overlayer_lowered;
	s6 =	simm.s32 $_tile_overlayer_lowered  }
0x9b: {  	s22 =	simm.s32 $0x1BFF;
	s21 =	sshll.u32 s6, $0x1;
	s3 =	sadd.s32 s4, s19  }
0x9c: {  	s7 =	simm.s32 $0x0;
	s20 =	sshll.u32 s5, $0x1;
	s5 =	sadd.s32 s21, s3  }
0x9d: {  	[timem:s7], [sflag:s22] =	dma.local [hbm:s5], s20  }
0x9e: {  	_ =	swait.ge [sflag:s22], s20  }
0x9f: {  	s4 =	ssub.s32 $0x0, s20;
	[sflag:s22] =	ssyncset.done $0x0  }
0xa0: {  	[sflag:s22] =	ssyncadd.s32 s4;
	_ =	sdelay $0x1  }
0xa1: {  	s23 =	simm.s32 $0x1B8B  }
0xa2: {  	_ =	swait.ge [sflag:s23], $0x1  }
0xa3: {  	[sflag:s23] =	ssyncset.done $0x0  }
0xa4: {  	s25 =	simm.s32 $0x1B8E;
	s24 =	sld [smem:$0x3FFE];
	[sflag:s23] =	ssyncadd.s32 $0xFFFFFFFF  }
0xa5: {  	s26 =	simm.s32 $execute0_lowered;
	[smem:$0x3FD2] =	sst s25  }
0xa6: {  	s5 =	sshll.u32 s26, $0x1;
	_ =	strace $0x80000046;
	[dreg:$0x1] =	wrdreg $0xFFFFFFFF  }
0xa7: {  	s28 =	simm.s32 $_size_execute0_lowered;
	s3 =	sadd.s32 s3, s5;
	[dreg:$0x0] =	wrdreg $0x0  }
0xa8: {  	s5 =	sshll.u32 s28, $0x1;
	[dreg:$0x2] =	wrdreg s3  }
0xa9: {  	[dreg:$0x3] =	wrdreg s5  }
0xaa: {  	[dreg:$0x4] =	wrdreg $0xC0  }
0xab: {  	_ =	task [dreg:s7], $0x5FFFF  }
0xac: {  	[dreg:$0x1] =	wrdreg $0xFFFFFFFF  }
0xad: {  	[dreg:$0x0] =	wrdreg $0x60  }
0xae: {  	[dreg:$0x2] =	wrdreg s24  }
0xaf: {  	[dreg:$0x3] =	wrdreg s2  }
0xb0: {  	[dreg:$0x4] =	wrdreg $0x70000  }
0xb1: {  	[dreg:$0x5] =	wrdreg $0x9  }
0xb2: {  	_ =	task.clear_ibuf [dreg:s7], $0x6FFFF;
	_ =	strace $0x90000046  }
0xb3: {  	s29 =	simm.s32 $0x9;
	_ =	strace $0x80000048  }
0xb4: {  	_ =	swait.ge [sflag:s29], $0x1  }
0xb5: {  	[sflag:s29] =	ssyncadd.s32 $0xFFFFFFFF  }
0xb6: {  	_ =	strace $0x90000048  }
0xb7: {  	_ =	sfence  }
0xb8: {  	s30 =	sld [smem:$0x0];
	_ =	sdelay $0x2  }
0xb9: {  	s31 =	sshll.u32 s1, $0xD;
	s1 =	sshrl.u32 s1, $0x2  }
0xba: {  	s3 =	sand.u32 $0x4000, s31;
	s1 =	sadd.s32 s1, s30  }
0xbb: {  	s0 =	sor.u32 s3, s0;
	s1 =	sshll.u32 s1, $0x11  }
0xbc: {  	s0 =	sor.u32 s1, s0  }
0xbd: {  	s0 =	sadd.s32 $0x8F2B, s0  }
0xbe: {  	[sflag:s0] =	ssyncadd.remote.s32 $0x1  }
0xbf: {  	_ =	sfence.sel $0xFFFF  }
0xc0: {  	[dreg:$0x0] =	wrdreg $0xFFFFFFFF;
	(pc) =	sbr.abs _section_cstart, $3  }
0xc1: {  	[dreg:$0x1] =	wrdreg $0xFFFFFFFF  }
0xc2: {  	_ =	task.clear_ibuf [dreg:s7], $0x2FFFF;
	_ =	strace $0x9FFFFFFF  }
0xc3: {  	(tm) =	ssettm $0x7FFFFFFF  }
tec
execute0_lowered:
.L_overlay_start_1:
0x0: {  	(tag) =	ssettag $0x1  }
0x1: {  	s4 =	rddreg [dreg:$0x0]  }
0x2: {  	s1 =	srdreg.scid;
	s0 =	stileid.u32  }
0x3: {  	s5 =	rddreg [dreg:$0x1];
	s24 =	sand.u32 $0x1, s1;
	s23 =	sshll.u32 s0, $0x1  }
0x4: {  	s2 =	rddreg [dreg:$0x2];
	s6 =	sor.u32 s24, s23  }
0x5: {  	s3 =	simm.s32 $0x0;
	s1 =	rddreg [dreg:$0x3];
	s6 =	smul.u32 $0x2710, s6  }
0x6: {  	[smem:$0x7FF] =	sst s3;
	s8 =	smul.u32 $0x2800, s0;
	s7 =	sadd.s32 $0x15C00, s4  }
0x7: {  	_ =	strace $0x80000047;
	s9 =	smul.u32 $0x28000, s24;
	s6 =	sshrl.u32 s6, $0x3  }
0x8: {  	[dreg:$0x4] =	wrdreg s7;
	s6 =	sadd.s32 s4, s6;
	s4 =	sadd.s32 $0x16000, s4  }
0x9: {  	s25 =	sadd.s32 s8, s9;
	s6 =	sadd.s32 $0xBE40, s6;
	[dreg:$0x5] =	wrdreg s4  }
0xa: {  	[dreg:$0x6] =	wrdreg s6;
	s6 =	sshrl.u32 s25, $0x3  }
0xb: {  	s26 =	rddreg [dreg:$0x6];
	s29 =	sadd.s32 s5, s6  }
0xc: {  	s4 =	simm.s32 $0x1;
	[dreg:$0x7] =	wrdreg s29  }
0xd: {  	[tilespmem:s3], [sflag:$0x1] =	stream.linear.gather [hbm4b:s26+s3], $0x2710, $0x38;
	[tilespmem:$0x9800] =	vst v63  }
0xe: {  	_ =	swait.ge [sflag:s4], $0x2710  }
0xf: {  	[sflag:s4] =	ssyncset.done $0x0  }
0x10: {  	v0 =	vimm.s32 $0x2710;
	[sflag:s4] =	ssyncadd.s32 $0xFFFFD8F0  }
0x11: {  	[tilespmem:$0x27F0] =	vst v0  }
0x12: {  	[tilespmem:$0x27E0] =	vst v0  }
0x13: {  	[tilespmem:$0x27D0] =	vst v0  }
0x14: {  	[tilespmem:$0x27C0] =	vst v0  }
0x15: {  	[tilespmem:$0x27B0] =	vst v0  }
0x16: {  	[tilespmem:$0x27A0] =	vst v0  }
0x17: {  	[tilespmem:$0x2790] =	vst v0  }
0x18: {  	[tilespmem:$0x2780] =	vst v0  }
0x19: {  	[tilespmem:$0x2770] =	vst v0  }
0x1a: {  	[tilespmem:$0x2760] =	vst v0  }
0x1b: {  	[tilespmem:$0x2750] =	vst v0  }
0x1c: {  	[tilespmem:$0x2740] =	vst v0  }
0x1d: {  	[tilespmem:$0x2730] =	vst v0  }
0x1e: {  	[tilespmem:$0x2710] =	vst v0  }
0x1f: {  	s5 =	simm.s32 $0x2800;
	s30 =	rddreg [dreg:$0x4];
	[tilespmem:$0x2720] =	vst v0  }
0x20: {  	[tilespmem:s5], [sflag:$0x1] =	stream.linear.gather [hbm4b:s30+s3], $0x2000, $0x38;
	[tilespmem:$0x9800] =	vst v63  }
0x21: {  	_ =	swait.ge [sflag:s4], $0x2000  }
0x22: {  	[sflag:s4] =	ssyncset.done $0x0  }
0x23: {  	s7 =	simm.s32 $0x4800;
	s31 =	rddreg [dreg:$0x5];
	[sflag:s4] =	ssyncadd.s32 $0xFFFFE000  }
0x24: {  	[tilespmem:s7], [sflag:$0x1] =	stream.linear.gather [hbm4b:s31+s3], $0x2800, $0x38;
	[tilespmem:$0x9800] =	vst v63  }
0x25: {  	_ =	swait.ge [sflag:s4], $0x2800  }
0x26: {  	[sflag:s4] =	ssyncset.done $0x0  }
0x27: {  	s6 =	sadd.s32 s8, s2;
	[sflag:s4] =	ssyncadd.s32 $0xFFFFD800  }
0x28: {  	[spmem:s6] =	stream.linear.scatter [tilespmem:s7], [sflag:$0x1], $0x2800, $0x38;
	[tilespmem:$0x9800] =	vst v63  }
0x29: {  	_ =	swait.ge [sflag:s4], $0x2800  }
0x2a: {  	[sflag:s4] =	ssyncset.done $0x0  }
0x2b: {  	[sflag:s4] =	ssyncadd.s32 $0xFFFFD800  }
0x2c: {  	s8 =	simm.s32 $0x200;
	[bflag:$0x0] =	sbarrier.arrive $0xFFFF  }
0x2d: {  	[spmem:s2] =	stream.indirect.scatter.add.f32 [tilespmem:s5], [sflag:$0x1], $0x10, s3, s8, $0xb8;
	[tilespmem:$0x9800] =	vst v63  }
0x2e: {  	_ =	swait.ge [sflag:s4], $0x2000  }
0x2f: {  	[sflag:s4] =	ssyncset.done $0x0  }
0x30: {  	[sflag:s4] =	ssyncadd.s32 $0xFFFFE000  }
0x31: {  	[spmem:s2] =	stream.indirect.scatter.add.f32 [tilespmem:s5], [sflag:$0x1], $0x10, s8, s8, $0xb8;
	[tilespmem:$0x9800] =	vst v63  }
0x32: {  	_ =	swait.ge [sflag:s4], $0x2000  }
0x33: {  	[sflag:s4] =	ssyncset.done $0x0  }
0x34: {  	s9 =	simm.s32 $0x400;
	[sflag:s4] =	ssyncadd.s32 $0xFFFFE000  }
0x35: {  	[spmem:s2] =	stream.indirect.scatter.add.f32 [tilespmem:s5], [sflag:$0x1], $0x10, s9, s8, $0xb8;
	[tilespmem:$0x9800] =	vst v63  }
0x36: {  	_ =	swait.ge [sflag:s4], $0x2000  }
0x37: {  	[sflag:s4] =	ssyncset.done $0x0  }
0x38: {  	s10 =	simm.s32 $0x600;
	[sflag:s4] =	ssyncadd.s32 $0xFFFFE000  }
0x39: {  	[spmem:s2] =	stream.indirect.scatter.add.f32 [tilespmem:s5], [sflag:$0x1], $0x10, s10, s8, $0xb8;
	[tilespmem:$0x9800] =	vst v63  }
0x3a: {  	_ =	swait.ge [sflag:s4], $0x2000  }
0x3b: {  	[sflag:s4] =	ssyncset.done $0x0  }
0x3c: {  	s11 =	simm.s32 $0x800;
	[sflag:s4] =	ssyncadd.s32 $0xFFFFE000  }
0x3d: {  	[spmem:s2] =	stream.indirect.scatter.add.f32 [tilespmem:s5], [sflag:$0x1], $0x10, s11, s8, $0xb8;
	[tilespmem:$0x9800] =	vst v63  }
0x3e: {  	_ =	swait.ge [sflag:s4], $0x2000  }
0x3f: {  	[sflag:s4] =	ssyncset.done $0x0  }
0x40: {  	s12 =	simm.s32 $0xA00;
	[sflag:s4] =	ssyncadd.s32 $0xFFFFE000  }
0x41: {  	[spmem:s2] =	stream.indirect.scatter.add.f32 [tilespmem:s5], [sflag:$0x1], $0x10, s12, s8, $0xb8;
	[tilespmem:$0x9800] =	vst v63  }
0x42: {  	_ =	swait.ge [sflag:s4], $0x2000  }
0x43: {  	[sflag:s4] =	ssyncset.done $0x0  }
0x44: {  	s13 =	simm.s32 $0xC00;
	[sflag:s4] =	ssyncadd.s32 $0xFFFFE000  }
0x45: {  	[spmem:s2] =	stream.indirect.scatter.add.f32 [tilespmem:s5], [sflag:$0x1], $0x10, s13, s8, $0xb8;
	[tilespmem:$0x9800] =	vst v63  }
0x46: {  	_ =	swait.ge [sflag:s4], $0x2000  }
0x47: {  	[sflag:s4] =	ssyncset.done $0x0  }
0x48: {  	s14 =	simm.s32 $0xE00;
	[sflag:s4] =	ssyncadd.s32 $0xFFFFE000  }
0x49: {  	[spmem:s2] =	stream.indirect.scatter.add.f32 [tilespmem:s5], [sflag:$0x1], $0x10, s14, s8, $0xb8;
	[tilespmem:$0x9800] =	vst v63  }
0x4a: {  	_ =	swait.ge [sflag:s4], $0x2000  }
0x4b: {  	[sflag:s4] =	ssyncset.done $0x0  }
0x4c: {  	s15 =	simm.s32 $0x1000;
	[sflag:s4] =	ssyncadd.s32 $0xFFFFE000  }
0x4d: {  	[spmem:s2] =	stream.indirect.scatter.add.f32 [tilespmem:s5], [sflag:$0x1], $0x10, s15, s8, $0xb8;
	[tilespmem:$0x9800] =	vst v63  }
0x4e: {  	_ =	swait.ge [sflag:s4], $0x2000  }
0x4f: {  	[sflag:s4] =	ssyncset.done $0x0  }
0x50: {  	s16 =	simm.s32 $0x1200;
	[sflag:s4] =	ssyncadd.s32 $0xFFFFE000  }
0x51: {  	[spmem:s2] =	stream.indirect.scatter.add.f32 [tilespmem:s5], [sflag:$0x1], $0x10, s16, s8, $0xb8;
	[tilespmem:$0x9800] =	vst v63  }
0x52: {  	_ =	swait.ge [sflag:s4], $0x2000  }
0x53: {  	[sflag:s4] =	ssyncset.done $0x0  }
0x54: {  	s17 =	simm.s32 $0x1400;
	[sflag:s4] =	ssyncadd.s32 $0xFFFFE000  }
0x55: {  	[spmem:s2] =	stream.indirect.scatter.add.f32 [tilespmem:s5], [sflag:$0x1], $0x10, s17, s8, $0xb8;
	[tilespmem:$0x9800] =	vst v63  }
0x56: {  	_ =	swait.ge [sflag:s4], $0x2000  }
0x57: {  	[sflag:s4] =	ssyncset.done $0x0  }
0x58: {  	s18 =	simm.s32 $0x1600;
	[sflag:s4] =	ssyncadd.s32 $0xFFFFE000  }
0x59: {  	[spmem:s2] =	stream.indirect.scatter.add.f32 [tilespmem:s5], [sflag:$0x1], $0x10, s18, s8, $0xb8;
	[tilespmem:$0x9800] =	vst v63  }
0x5a: {  	_ =	swait.ge [sflag:s4], $0x2000  }
0x5b: {  	[sflag:s4] =	ssyncset.done $0x0  }
0x5c: {  	s19 =	simm.s32 $0x1800;
	[sflag:s4] =	ssyncadd.s32 $0xFFFFE000  }
0x5d: {  	[spmem:s2] =	stream.indirect.scatter.add.f32 [tilespmem:s5], [sflag:$0x1], $0x10, s19, s8, $0xb8;
	[tilespmem:$0x9800] =	vst v63  }
0x5e: {  	_ =	swait.ge [sflag:s4], $0x2000  }
0x5f: {  	[sflag:s4] =	ssyncset.done $0x0  }
0x60: {  	s20 =	simm.s32 $0x1A00;
	[sflag:s4] =	ssyncadd.s32 $0xFFFFE000  }
0x61: {  	[spmem:s2] =	stream.indirect.scatter.add.f32 [tilespmem:s5], [sflag:$0x1], $0x10, s20, s8, $0xb8;
	[tilespmem:$0x9800] =	vst v63  }
0x62: {  	_ =	swait.ge [sflag:s4], $0x2000  }
0x63: {  	[sflag:s4] =	ssyncset.done $0x0  }
0x64: {  	s21 =	simm.s32 $0x1C00;
	[sflag:s4] =	ssyncadd.s32 $0xFFFFE000  }
0x65: {  	[spmem:s2] =	stream.indirect.scatter.add.f32 [tilespmem:s5], [sflag:$0x1], $0x10, s21, s8, $0xb8;
	[tilespmem:$0x9800] =	vst v63  }
0x66: {  	_ =	swait.ge [sflag:s4], $0x2000  }
0x67: {  	[sflag:s4] =	ssyncset.done $0x0  }
0x68: {  	s22 =	simm.s32 $0x1E00;
	[sflag:s4] =	ssyncadd.s32 $0xFFFFE000  }
0x69: {  	[spmem:s2] =	stream.indirect.scatter.add.f32 [tilespmem:s5], [sflag:$0x1], $0x10, s22, s8, $0xb8;
	[tilespmem:$0x9800] =	vst v63  }
0x6a: {  	_ =	swait.ge [sflag:s4], $0x2000  }
0x6b: {  	s25 =	ssub.s32 $0x2, s24;
	[sflag:s4] =	ssyncset.done $0x0  }
0x6c: {  	s23 =	simm.s32 $0x2000;
	s26 =	sshrl.u32 s25, $0x1;
	[sflag:s4] =	ssyncadd.s32 $0xFFFFE000  }
0x6d: {  	[spmem:s2] =	stream.indirect.scatter.add.f32 [tilespmem:s5], [sflag:$0x1], $0x10, s23, s8, $0xb8;
	[tilespmem:$0x9800] =	vst v63  }
0x6e: {  	s25 =	ssub.s32 s25, s26;
	_ =	swait.ge [sflag:s4], $0x2000  }
0x6f: {  	s25 =	smax.u32 s25, $0x1;
	[sflag:s4] =	ssyncset.done $0x0  }
0x70: {  	s24 =	simm.s32 $0x2200;
	p0 =	sne.s32 s25, $0x1;
	[sflag:s4] =	ssyncadd.s32 $0xFFFFE000  }
0x71: {  	[spmem:s2] =	stream.indirect.scatter.add.f32 [tilespmem:s5], [sflag:$0x1], $0x10, s24, s8, $0xb8;
	[tilespmem:$0x9800] =	vst v63  }
.Ltmp0:
0x72: {  	_ = 	snop;
	(pc) =	sbr.rel @!p0 .LBB2_2-.Ltmp0, $4  }
0x73: {  	_ =	swait.ge [sflag:s4], $0x2000  }
0x74: {  	s26 =	simm.s32 $0x2400;
	[sflag:s4] =	ssyncset.done $0x0  }
0x75: {  	s28 =	sadd.s32 $0xFFFFFFFF, s25;
	s25 =	simm.s32 $0x2600;
	[sflag:s4] =	ssyncadd.s32 $0xFFFFE000  }
0x76: {  	[spmem:s2] =	stream.indirect.scatter.add.f32 [tilespmem:s5], [sflag:$0x1], $0x10, s26, s8, $0xb8;
	[tilespmem:$0x9800] =	vst v63  }
.LBB2_1:
0x77: {  	_ =	swait.ge [sflag:s4], $0x2000  }
0x78: {  	[sflag:s4] =	ssyncset.done $0x0  }
0x79: {  	[sflag:s4] =	ssyncadd.s32 $0xFFFFE000  }
0x7a: {  	[spmem:s2] =	stream.indirect.scatter.add.f32 [tilespmem:s5], [sflag:$0x1], $0x10, s25, s8, $0xb8;
	[tilespmem:$0x9800] =	vst v63  }
0x7b: {  	_ =	swait.ge [sflag:s4], $0x2000  }
0x7c: {  	[sflag:s4] =	ssyncset.done $0x0  }
0x7d: {  	[sflag:s4] =	ssyncadd.s32 $0xFFFFE000  }
0x7e: {  	s29 =	sshll.u32 s0, $0x6;
	[bflag:$0x0] =	sbarrier.arrive $0xFFFF  }
0x7f: {  	s31 =	sshrl.u32 s6, $0x3;
	s29 =	sor.u32 $0x1C01, s29;
	s30 =	rddreg [dreg:$0x7]  }
0x80: {  	[hbm:s30], [sflag:s29] =	dma.local [spmem:s31], $0x500  }
0x81: {  	_ =	swait.ge [sflag:s4], $0x500  }
0x82: {  	[sflag:s4] =	ssyncset.done $0x0  }
0x83: {  	s31 =	rddreg [dreg:$0x6];
	[sflag:s4] =	ssyncadd.s32 $0xFFFFFB00  }
0x84: {  	[tilespmem:s3], [sflag:$0x1] =	stream.linear.gather [hbm4b:s31+s3], $0x2710, $0x38;
	[tilespmem:$0x9800] =	vst v63  }
0x85: {  	_ =	swait.ge [sflag:s4], $0x2710  }
0x86: {  	[sflag:s4] =	ssyncset.done $0x0  }
0x87: {  	[sflag:s4] =	ssyncadd.s32 $0xFFFFD8F0  }
0x88: {  	[tilespmem:$0x27F0] =	vst v0  }
0x89: {  	[tilespmem:$0x27E0] =	vst v0  }
0x8a: {  	[tilespmem:$0x27D0] =	vst v0  }
0x8b: {  	[tilespmem:$0x27C0] =	vst v0  }
0x8c: {  	[tilespmem:$0x27B0] =	vst v0  }
0x8d: {  	[tilespmem:$0x27A0] =	vst v0  }
0x8e: {  	[tilespmem:$0x2790] =	vst v0  }
0x8f: {  	[tilespmem:$0x2780] =	vst v0  }
0x90: {  	[tilespmem:$0x2770] =	vst v0  }
0x91: {  	[tilespmem:$0x2760] =	vst v0  }
0x92: {  	[tilespmem:$0x2750] =	vst v0  }
0x93: {  	[tilespmem:$0x2740] =	vst v0  }
0x94: {  	[tilespmem:$0x2730] =	vst v0  }
0x95: {  	[tilespmem:$0x2710] =	vst v0  }
0x96: {  	s30 =	rddreg [dreg:$0x4];
	[tilespmem:$0x2720] =	vst v0  }
0x97: {  	[tilespmem:s5], [sflag:$0x1] =	stream.linear.gather [hbm4b:s30+s3], $0x2000, $0x38;
	[tilespmem:$0x9800] =	vst v63  }
0x98: {  	_ =	swait.ge [sflag:s4], $0x2000  }
0x99: {  	[sflag:s4] =	ssyncset.done $0x0  }
0x9a: {  	s31 =	rddreg [dreg:$0x5];
	[sflag:s4] =	ssyncadd.s32 $0xFFFFE000  }
0x9b: {  	[tilespmem:s7], [sflag:$0x1] =	stream.linear.gather [hbm4b:s31+s3], $0x2800, $0x38;
	[tilespmem:$0x9800] =	vst v63  }
0x9c: {  	_ =	swait.ge [sflag:s4], $0x2800  }
0x9d: {  	[sflag:s4] =	ssyncset.done $0x0  }
0x9e: {  	[sflag:s4] =	ssyncadd.s32 $0xFFFFD800  }
0x9f: {  	[spmem:s6] =	stream.linear.scatter [tilespmem:s7], [sflag:$0x1], $0x2800, $0x38;
	[tilespmem:$0x9800] =	vst v63  }
0xa0: {  	_ =	swait.ge [sflag:s4], $0x2800  }
0xa1: {  	[sflag:s4] =	ssyncset.done $0x0  }
0xa2: {  	[sflag:s4] =	ssyncadd.s32 $0xFFFFD800  }
0xa3: {  	[bflag:$0x0] =	sbarrier.arrive $0xFFFF  }
0xa4: {  	[spmem:s2] =	stream.indirect.scatter.add.f32 [tilespmem:s5], [sflag:$0x1], $0x10, s3, s8, $0xb8;
	[tilespmem:$0x9800] =	vst v63  }
0xa5: {  	_ =	swait.ge [sflag:s4], $0x2000  }
0xa6: {  	[sflag:s4] =	ssyncset.done $0x0  }
0xa7: {  	[sflag:s4] =	ssyncadd.s32 $0xFFFFE000  }
0xa8: {  	[spmem:s2] =	stream.indirect.scatter.add.f32 [tilespmem:s5], [sflag:$0x1], $0x10, s8, s8, $0xb8;
	[tilespmem:$0x9800] =	vst v63  }
0xa9: {  	_ =	swait.ge [sflag:s4], $0x2000  }
0xaa: {  	[sflag:s4] =	ssyncset.done $0x0  }
0xab: {  	[sflag:s4] =	ssyncadd.s32 $0xFFFFE000  }
0xac: {  	[spmem:s2] =	stream.indirect.scatter.add.f32 [tilespmem:s5], [sflag:$0x1], $0x10, s9, s8, $0xb8;
	[tilespmem:$0x9800] =	vst v63  }
0xad: {  	_ =	swait.ge [sflag:s4], $0x2000  }
0xae: {  	[sflag:s4] =	ssyncset.done $0x0  }
0xaf: {  	[sflag:s4] =	ssyncadd.s32 $0xFFFFE000  }
0xb0: {  	[spmem:s2] =	stream.indirect.scatter.add.f32 [tilespmem:s5], [sflag:$0x1], $0x10, s10, s8, $0xb8;
	[tilespmem:$0x9800] =	vst v63  }
0xb1: {  	_ =	swait.ge [sflag:s4], $0x2000  }
0xb2: {  	[sflag:s4] =	ssyncset.done $0x0  }
0xb3: {  	[sflag:s4] =	ssyncadd.s32 $0xFFFFE000  }
0xb4: {  	[spmem:s2] =	stream.indirect.scatter.add.f32 [tilespmem:s5], [sflag:$0x1], $0x10, s11, s8, $0xb8;
	[tilespmem:$0x9800] =	vst v63  }
0xb5: {  	_ =	swait.ge [sflag:s4], $0x2000  }
0xb6: {  	[sflag:s4] =	ssyncset.done $0x0  }
0xb7: {  	[sflag:s4] =	ssyncadd.s32 $0xFFFFE000  }
0xb8: {  	[spmem:s2] =	stream.indirect.scatter.add.f32 [tilespmem:s5], [sflag:$0x1], $0x10, s12, s8, $0xb8;
	[tilespmem:$0x9800] =	vst v63  }
0xb9: {  	_ =	swait.ge [sflag:s4], $0x2000  }
0xba: {  	[sflag:s4] =	ssyncset.done $0x0  }
0xbb: {  	[sflag:s4] =	ssyncadd.s32 $0xFFFFE000  }
0xbc: {  	[spmem:s2] =	stream.indirect.scatter.add.f32 [tilespmem:s5], [sflag:$0x1], $0x10, s13, s8, $0xb8;
	[tilespmem:$0x9800] =	vst v63  }
0xbd: {  	_ =	swait.ge [sflag:s4], $0x2000  }
0xbe: {  	[sflag:s4] =	ssyncset.done $0x0  }
0xbf: {  	[sflag:s4] =	ssyncadd.s32 $0xFFFFE000  }
0xc0: {  	[spmem:s2] =	stream.indirect.scatter.add.f32 [tilespmem:s5], [sflag:$0x1], $0x10, s14, s8, $0xb8;
	[tilespmem:$0x9800] =	vst v63  }
0xc1: {  	_ =	swait.ge [sflag:s4], $0x2000  }
0xc2: {  	[sflag:s4] =	ssyncset.done $0x0  }
0xc3: {  	[sflag:s4] =	ssyncadd.s32 $0xFFFFE000  }
0xc4: {  	[spmem:s2] =	stream.indirect.scatter.add.f32 [tilespmem:s5], [sflag:$0x1], $0x10, s15, s8, $0xb8;
	[tilespmem:$0x9800] =	vst v63  }
0xc5: {  	_ =	swait.ge [sflag:s4], $0x2000  }
0xc6: {  	[sflag:s4] =	ssyncset.done $0x0  }
0xc7: {  	[sflag:s4] =	ssyncadd.s32 $0xFFFFE000  }
0xc8: {  	[spmem:s2] =	stream.indirect.scatter.add.f32 [tilespmem:s5], [sflag:$0x1], $0x10, s16, s8, $0xb8;
	[tilespmem:$0x9800] =	vst v63  }
0xc9: {  	_ =	swait.ge [sflag:s4], $0x2000  }
0xca: {  	[sflag:s4] =	ssyncset.done $0x0  }
0xcb: {  	[sflag:s4] =	ssyncadd.s32 $0xFFFFE000  }
0xcc: {  	[spmem:s2] =	stream.indirect.scatter.add.f32 [tilespmem:s5], [sflag:$0x1], $0x10, s17, s8, $0xb8;
	[tilespmem:$0x9800] =	vst v63  }
0xcd: {  	_ =	swait.ge [sflag:s4], $0x2000  }
0xce: {  	[sflag:s4] =	ssyncset.done $0x0  }
0xcf: {  	[sflag:s4] =	ssyncadd.s32 $0xFFFFE000  }
0xd0: {  	[spmem:s2] =	stream.indirect.scatter.add.f32 [tilespmem:s5], [sflag:$0x1], $0x10, s18, s8, $0xb8;
	[tilespmem:$0x9800] =	vst v63  }
0xd1: {  	_ =	swait.ge [sflag:s4], $0x2000  }
0xd2: {  	[sflag:s4] =	ssyncset.done $0x0  }
0xd3: {  	[sflag:s4] =	ssyncadd.s32 $0xFFFFE000  }
0xd4: {  	[spmem:s2] =	stream.indirect.scatter.add.f32 [tilespmem:s5], [sflag:$0x1], $0x10, s19, s8, $0xb8;
	[tilespmem:$0x9800] =	vst v63  }
0xd5: {  	_ =	swait.ge [sflag:s4], $0x2000  }
0xd6: {  	[sflag:s4] =	ssyncset.done $0x0  }
0xd7: {  	[sflag:s4] =	ssyncadd.s32 $0xFFFFE000  }
0xd8: {  	[spmem:s2] =	stream.indirect.scatter.add.f32 [tilespmem:s5], [sflag:$0x1], $0x10, s20, s8, $0xb8;
	[tilespmem:$0x9800] =	vst v63  }
0xd9: {  	_ =	swait.ge [sflag:s4], $0x2000  }
0xda: {  	[sflag:s4] =	ssyncset.done $0x0  }
0xdb: {  	[sflag:s4] =	ssyncadd.s32 $0xFFFFE000  }
0xdc: {  	[spmem:s2] =	stream.indirect.scatter.add.f32 [tilespmem:s5], [sflag:$0x1], $0x10, s21, s8, $0xb8;
	[tilespmem:$0x9800] =	vst v63  }
0xdd: {  	_ =	swait.ge [sflag:s4], $0x2000  }
0xde: {  	[sflag:s4] =	ssyncset.done $0x0  }
0xdf: {  	[sflag:s4] =	ssyncadd.s32 $0xFFFFE000  }
0xe0: {  	[spmem:s2] =	stream.indirect.scatter.add.f32 [tilespmem:s5], [sflag:$0x1], $0x10, s22, s8, $0xb8;
	[tilespmem:$0x9800] =	vst v63  }
0xe1: {  	_ =	swait.ge [sflag:s4], $0x2000  }
0xe2: {  	[sflag:s4] =	ssyncset.done $0x0  }
0xe3: {  	[sflag:s4] =	ssyncadd.s32 $0xFFFFE000  }
0xe4: {  	[spmem:s2] =	stream.indirect.scatter.add.f32 [tilespmem:s5], [sflag:$0x1], $0x10, s23, s8, $0xb8;
	[tilespmem:$0x9800] =	vst v63  }
0xe5: {  	_ =	swait.ge [sflag:s4], $0x2000  }
0xe6: {  	[sflag:s4] =	ssyncset.done $0x0  }
0xe7: {  	p0 =	sne.s32 s28, $0x1;
	[sflag:s4] =	ssyncadd.s32 $0xFFFFE000  }
0xe8: {  	[spmem:s2] =	stream.indirect.scatter.add.f32 [tilespmem:s5], [sflag:$0x1], $0x10, s24, s8, $0xb8;
	[tilespmem:$0x9800] =	vst v63  }
.Ltmp1:
0xe9: {  	_ = 	snop;
	(pc) =	sbr.rel @p0 .LBB2_1-.Ltmp1, $4  }
0xea: {  	_ =	swait.ge [sflag:s4], $0x2000  }
0xeb: {  	[sflag:s4] =	ssyncset.done $0x0  }
0xec: {  	s28 =	sadd.s32 $0xFFFFFFFF, s28;
	[sflag:s4] =	ssyncadd.s32 $0xFFFFE000  }
0xed: {  	[spmem:s2] =	stream.indirect.scatter.add.f32 [tilespmem:s5], [sflag:$0x1], $0x10, s26, s8, $0xb8;
	[tilespmem:$0x9800] =	vst v63  }
.LBB2_2:
0xee: {  	_ =	swait.ge [sflag:s4], $0x2000  }
0xef: {  	[sflag:s4] =	ssyncset.done $0x0  }
0xf0: {  	[sflag:s4] =	ssyncadd.s32 $0xFFFFE000  }
0xf1: {  	[spmem:s2] =	stream.indirect.scatter.add.f32 [tilespmem:s5], [sflag:$0x1], $0x10, s25, s8, $0xb8;
	[tilespmem:$0x9800] =	vst v63  }
0xf2: {  	_ =	swait.ge [sflag:s4], $0x2000  }
0xf3: {  	[sflag:s4] =	ssyncset.done $0x0  }
0xf4: {  	[sflag:s4] =	ssyncadd.s32 $0xFFFFE000  }
0xf5: {  	s3 =	sshll.u32 s0, $0x6;
	[bflag:$0x0] =	sbarrier.arrive $0xFFFF  }
0xf6: {  	s31 =	sshrl.u32 s6, $0x3;
	s3 =	sor.u32 $0x1C01, s3;
	s30 =	rddreg [dreg:$0x7]  }
0xf7: {  	[hbm:s30], [sflag:s3] =	dma.local [spmem:s31], $0x500  }
0xf8: {  	_ =	swait.ge [sflag:s4], $0x500  }
0xf9: {  	[sflag:s4] =	ssyncset.done $0x0  }
0xfa: {  	[sflag:s4] =	ssyncadd.s32 $0xFFFFFB00  }
0xfb: {  	_ =	sfence.sel $0x180000  }
0xfc: {  	[bflag:$0x0] =	sbarrier.arrive $0xFFFF  }
0xfd: {  	p0 =	sne.s32 s0, $0x0;
	_ =	strace $0x90000047  }
0xfe: {  	s0 =	sadd.s32 @!p0 $0x100000, s1;
	[bflag:$0x2] =	sbarrier.arrive $0xFFFF  }
0xff: {  	[sflag:s0] =	ssyncadd.tile.s32 @!p0 $0x1;
	_ =	shalt  }
.Lfunc_end2:
_tile_overlayer_lowered:
.L_overlay_start_2:
0x100: {  	(tag) =	ssettag $0x2  }
0x101: {  	s0 =	rddreg [dreg:$0x0];
	s2 =	stileid.u32  }
0x102: {  	s1 =	rddreg [dreg:$0x1];
	p0 =	sne.s32 s2, $0x0  }
0x103: {  	s3 =	rddreg [dreg:$0x2];
	[bflag:$0x3] =	sbarrier.arrive $0xFFFF;
	s2 =	simm.s32 @!p0 $0x1C01  }
0x104: {  	[timem:s3], [sflag:s2] =	dma.local @!p0 [hbm:s0], s1  }
0x105: {  	s0 =	simm.s32 @!p0 $0x1  }
0x106: {  	_ =	swait.ge @!p0 [sflag:s0], s1  }
0x107: {  	s1 =	ssub.s32 @!p0 $0x0, s1;
	[sflag:s0] =	ssyncset.done @!p0 $0x0  }
0x108: {  	[sflag:s0] =	ssyncadd.s32 @!p0 s1  }
0x109: {  	[bflag:$0x3] =	sbarrier.arrive $0xFFFF  }
0x10a: {  	_ =	shalt  }

</sc_bundles>
